<compile_context>
chip_gen: v7x
topology: tpu7x:2x2x1
jax: 0.10.2.dev20260603
libtpu: 0.0.44.dev20260713+nightly
codegen_flags: <defaults>
</compile_context>

<pallas_src>
import functools

import jax
import jax.numpy as jnp
from jax import lax
from jax.experimental import pallas as pl
from jax.experimental.pallas import tpu as pltpu
from jax.experimental.pallas import tpu_sc as plsc

B, N, EMB = 2, 2048, 1024
HID = 1536
NEXP = 8
K = 2
T = B * N
F = T * K
BLK = 128
G = F + NEXP * BLK
NBLK = G // BLK

EMBW = EMB // 2
NC, NS = 2, 16
NW = NC * NS
RPT = G // NW
TPT = T // NW
CH = 16

_HIGHEST = jax.lax.Precision.HIGHEST


_RB = 512


def _router_body(x_ref, rw_ref, rb_ref, ids_ref, wgt_ref, xi_ref):
    xf = x_ref[...]
    logits = jnp.dot(xf, rw_ref[...],
                     preferred_element_type=jnp.float32) + rb_ref[...]
    u = lax.bitcast_convert_type(xf, jnp.int32)
    r = u + jnp.int32(0x7FFF) + ((u >> 16) & 1)
    lo = (r[:, :EMBW] >> 16) & jnp.int32(0xFFFF)
    hi = r[:, EMBW:] & jnp.int32(-65536)
    xi_ref[...] = lo | hi
    m = jnp.max(logits, axis=1, keepdims=True)
    p = jnp.exp(logits - m)
    p = p / jnp.sum(p, axis=1, keepdims=True)
    col = lax.broadcasted_iota(jnp.int32, (_RB, NEXP), 1)
    p0 = jnp.max(p, axis=1, keepdims=True)
    i0 = jnp.min(jnp.where(p == p0, col, NEXP), axis=1, keepdims=True)
    pm = jnp.where(col == i0, -jnp.inf, p)
    p1 = jnp.max(pm, axis=1, keepdims=True)
    i1 = jnp.min(jnp.where(pm == p1, col, NEXP), axis=1, keepdims=True)
    ids_ref[...] = jnp.concatenate([i0, i1], axis=1)
    wgt_ref[...] = jnp.concatenate([p0, p1], axis=1)


def _router(x2, rw, rb):
    return pl.pallas_call(
        _router_body,
        grid=(T // _RB,),
        in_specs=[
            pl.BlockSpec((_RB, EMB), lambda i: (i, 0)),
            pl.BlockSpec((EMB, NEXP), lambda i: (0, 0)),
            pl.BlockSpec((1, NEXP), lambda i: (0, 0)),
        ],
        out_specs=(pl.BlockSpec((_RB, K), lambda i: (i, 0)),
                   pl.BlockSpec((_RB, K), lambda i: (i, 0)),
                   pl.BlockSpec((_RB, EMBW), lambda i: (i, 0))),
        out_shape=(jax.ShapeDtypeStruct((T, K), jnp.int32),
                   jax.ShapeDtypeStruct((T, K), jnp.float32),
                   jax.ShapeDtypeStruct((T, EMBW), jnp.int32)),
    )(x2, rw, rb)


_MR = F // 128


def _meta_body(ids_ref, pos_ref, blk_ref):
    ids = ids_ref[...]
    rank_own = jnp.zeros((_MR, 128), jnp.float32)
    counts = []
    eqs = []
    for e in range(NEXP):
        eq = (ids == e).astype(jnp.float32)
        c = eq
        for s in (1, 2, 4, 8, 16, 32, 64):
            c = c + jnp.concatenate(
                [jnp.zeros((_MR, s), jnp.float32), c[:, :128 - s]], axis=1)
        rowtot = c[:, 127:128]
        rp = rowtot
        for s in (1, 2, 4, 8, 16, 32):
            rp = rp + jnp.concatenate(
                [jnp.zeros((s, 1), jnp.float32), rp[:_MR - s, :]], axis=0)
        rank_e = (c - eq) + (rp - rowtot)
        rank_own = rank_own + rank_e * eq
        counts.append(jnp.sum(eq, keepdims=False).reshape(1, 1))
        eqs.append(eq)
    base = jnp.zeros((1, 1), jnp.float32)
    base_per = jnp.zeros((_MR, 128), jnp.float32)
    ends = []
    for e in range(NEXP):
        padded = jnp.floor((counts[e] + (BLK - 1)) / BLK) * BLK
        base_per = base_per + eqs[e] * base
        ends.append(base + padded)
        base = base + padded
    pos_ref[...] = (rank_own + base_per).astype(jnp.int32)
    bi = (lax.broadcasted_iota(jnp.int32, (1, NBLK), 1) * BLK).astype(jnp.float32)
    acc = jnp.zeros((1, NBLK), jnp.int32)
    for e in range(NEXP):
        acc = acc + (bi >= ends[e]).astype(jnp.int32)
    be = jnp.minimum(acc, NEXP - 1)
    shifted = jnp.concatenate(
        [jnp.full((1, 1), -1, jnp.int32), be[:, :NBLK - 1]], axis=1)
    fs = (be != shifted).astype(jnp.int32)
    run = fs
    for s in (1, 2, 4, 8, 16, 32, 64):
        if s < NBLK:
            run = run + jnp.concatenate(
                [jnp.zeros((1, s), jnp.int32), run[:, :NBLK - s]], axis=1)
    parity = (run - 1) & 1
    avail = jnp.full((1, 1), NEXP - 1, jnp.float32)
    nxt = [None] * NEXP
    for e in range(NEXP - 1, -1, -1):
        nxt[e] = avail
        avail = jnp.where(counts[e] > 0, float(e), avail)
    ne = jnp.zeros((1, NBLK), jnp.float32)
    for e in range(NEXP):
        ne = ne + (be == e).astype(jnp.float32) * nxt[e]
    blk_ref[...] = jnp.concatenate(
        [be, parity, fs, ne.astype(jnp.int32)], axis=0)


def _meta(ids2d):
    return pl.pallas_call(
        _meta_body,
        out_shape=(jax.ShapeDtypeStruct((_MR, 128), jnp.int32),
                   jax.ShapeDtypeStruct((4, NBLK), jnp.int32)),
    )(ids2d)


_NCHUNK = RPT // CH


def _dispatch_body(pos_hbm, wgt_hbm, x_hbm, gx_hbm, wrow_hbm,
                   pos_v, wgt_v, stok_v, wrow_v, rows0, rows1, sem0, sem1):
    wid = lax.axis_index("s") * NC + lax.axis_index("c")
    pltpu.sync_copy(pos_hbm, pos_v)
    pltpu.sync_copy(wgt_hbm, wgt_v)

    def scat_step(i, _):
        pv = pos_v[pl.ds(i * 16, 16)]
        rr = lax.iota(jnp.int32, 16) + i * 16
        tok = rr // K
        plsc.store_scatter(stok_v, [pv], tok)
        plsc.store_scatter(wrow_v, [pv], wgt_v[pl.ds(i * 16, 16)])
        return _
    lax.fori_loop(0, F // 16, scat_step, 0, unroll=4)

    base = wid * RPT
    pltpu.sync_copy(wrow_v.at[pl.ds(base, RPT)], wrow_hbm.at[pl.ds(base, RPT)])

    def fire(c, rbuf, sem):
        iv = stok_v[pl.ds(base + c * CH, CH)]
        iv = jnp.minimum(jnp.maximum(iv, 0), T - 1)
        return pltpu.async_copy(x_hbm.at[iv], rbuf, sem)

    def drain_write(c, rbuf, sem):
        pltpu.make_async_copy(x_hbm.at[pl.ds(0, CH)], rbuf, sem).wait()
        pltpu.sync_copy(rbuf, gx_hbm.at[pl.ds(base + c * CH, CH)])

    fire(0, rows0, sem0)

    def pair_step(p, _):
        c0 = 2 * p
        fire(c0 + 1, rows1, sem1)
        drain_write(c0, rows0, sem0)

        @pl.when(p < _NCHUNK // 2 - 1)
        def _fire_next():
            fire(c0 + 2, rows0, sem0)
        drain_write(c0 + 1, rows1, sem1)
        return _
    lax.fori_loop(0, _NCHUNK // 2, pair_step, 0, unroll=False)


def _dispatch(pos_flat, wgt_flat, xbf):
    mesh = plsc.VectorSubcoreMesh(core_axis_name="c", subcore_axis_name="s")
    kfn = pl.kernel(
        _dispatch_body,
        out_type=(jax.ShapeDtypeStruct((G, EMBW), jnp.int32),
                  jax.ShapeDtypeStruct((G,), jnp.float32)),
        mesh=mesh,
        compiler_params=pltpu.CompilerParams(needs_layout_passes=False),
        scratch_types=[
            pltpu.VMEM((F,), jnp.int32),
            pltpu.VMEM((F,), jnp.float32),
            pltpu.VMEM((G,), jnp.int32),
            pltpu.VMEM((G,), jnp.float32),
            pltpu.VMEM((CH, EMBW), jnp.int32),
            pltpu.VMEM((CH, EMBW), jnp.int32),
            pltpu.SemaphoreType.DMA,
            pltpu.SemaphoreType.DMA,
        ],
    )
    return kfn(pos_flat, wgt_flat, xbf)


def _ffn_body(bm_ref, gx_ref, w1_hbm, b1_ref, w2_hbm, b2_ref, wr_ref, out_ref,
              w1v, w2v, sem):
    i = pl.program_id(0)
    e = bm_ref[0, i]
    par = bm_ref[1, i]
    fs = bm_ref[2, i]
    ne = bm_ref[3, i]

    def _fire(et, b):
        pltpu.async_copy(w1_hbm.at[et], w1v.at[b], sem)
        pltpu.async_copy(w2_hbm.at[et], w2v.at[b], sem)

    def _wait(et, b):
        pltpu.make_async_copy(w1_hbm.at[et], w1v.at[b], sem).wait()
        pltpu.make_async_copy(w2_hbm.at[et], w2v.at[b], sem).wait()

    @pl.when(i == 0)
    def _prologue():
        _fire(e, par)
        _wait(e, par)
        _fire(ne, 1 - par)

    @pl.when((i > 0) & (fs == 1))
    def _run_start():
        _wait(e, par)
        _fire(ne, 1 - par)

    xi = gx_ref[...]
    xlo = lax.bitcast_convert_type(xi << 16, jnp.float32)
    xhi = lax.bitcast_convert_type(xi & jnp.int32(-65536), jnp.float32)
    xb = jnp.concatenate([xlo, xhi], axis=1)
    h = jnp.dot(xb, w1v[par], preferred_element_type=jnp.float32) + b1_ref[0]
    h = 0.5 * h * (1.0 + lax.erf(h * (2.0 ** -0.5)))
    o = jnp.dot(h, w2v[par], preferred_element_type=jnp.float32) + b2_ref[0]
    out_ref[...] = o * wr_ref[...]

    @pl.when(i == NBLK - 1)
    def _drain():
        _wait(ne, 1 - par)


def _ffn(bm, gx, w1, b1, w2, b2, wrow2d):
    grid_spec = pltpu.PrefetchScalarGridSpec(
        num_scalar_prefetch=1,
        grid=(NBLK,),
        in_specs=[
            pl.BlockSpec((BLK, EMBW), lambda i, bm: (i, 0)),
            pl.BlockSpec(memory_space=pl.ANY),
            pl.BlockSpec((1, 1, HID), lambda i, bm: (bm[0, i], 0, 0)),
            pl.BlockSpec(memory_space=pl.ANY),
            pl.BlockSpec((1, 1, EMB), lambda i, bm: (bm[0, i], 0, 0)),
            pl.BlockSpec((BLK, 1), lambda i, bm: (i, 0)),
        ],
        out_specs=pl.BlockSpec((BLK, EMB), lambda i, bm: (i, 0)),
        scratch_shapes=[
            pltpu.VMEM((2, EMB, HID), jnp.float32),
            pltpu.VMEM((2, HID, EMB), jnp.float32),
            pltpu.SemaphoreType.DMA,
        ],
    )
    return pl.pallas_call(
        _ffn_body,
        grid_spec=grid_spec,
        out_shape=jax.ShapeDtypeStruct((G, EMB), jnp.float32),
    )(bm, gx, w1, b1.reshape(NEXP, 1, HID), w2, b2.reshape(NEXP, 1, EMB),
      wrow2d)


_CCHUNK = TPT // CH


def _combine_body(gout_hbm, pa_hbm, pb_hbm, out_hbm, pav, pbv,
                  ra0, rb0, ra1, rb1, s0, s1):
    wid = lax.axis_index("s") * NC + lax.axis_index("c")
    tbase = wid * TPT
    pltpu.sync_copy(pa_hbm.at[pl.ds(tbase, TPT)], pav)
    pltpu.sync_copy(pb_hbm.at[pl.ds(tbase, TPT)], pbv)

    def fire(c, ra, rb, sem):
        pa = pav[pl.ds(c * CH, CH)]
        pb = pbv[pl.ds(c * CH, CH)]
        pltpu.async_copy(gout_hbm.at[pa], ra, sem)
        pltpu.async_copy(gout_hbm.at[pb], rb, sem)

    def drain_add_write(c, ra, rb, sem):
        pltpu.make_async_copy(gout_hbm.at[pl.ds(0, CH)], ra, sem).wait()
        pltpu.make_async_copy(gout_hbm.at[pl.ds(0, CH)], rb, sem).wait()

        def row_step(j, _):
            def vec_step(v, _2):
                sl = pl.ds(v * 16, 16)
                ra[j, sl] = ra[j, sl] + rb[j, sl]
                return _2
            lax.fori_loop(0, EMB // 16, vec_step, 0, unroll=4)
            return _
        lax.fori_loop(0, CH, row_step, 0, unroll=False)
        pltpu.sync_copy(ra, out_hbm.at[pl.ds(tbase + c * CH, CH)])

    fire(0, ra0, rb0, s0)

    def pair_step(p, _):
        c0 = 2 * p
        fire(c0 + 1, ra1, rb1, s1)
        drain_add_write(c0, ra0, rb0, s0)

        @pl.when(p < _CCHUNK // 2 - 1)
        def _fire_next():
            fire(c0 + 2, ra0, rb0, s0)
        drain_add_write(c0 + 1, ra1, rb1, s1)
        return _
    lax.fori_loop(0, _CCHUNK // 2, pair_step, 0, unroll=False)


def _combine(gout, pos_a, pos_b):
    mesh = plsc.VectorSubcoreMesh(core_axis_name="c", subcore_axis_name="s")
    kfn = pl.kernel(
        _combine_body,
        out_type=jax.ShapeDtypeStruct((T, EMB), jnp.float32),
        mesh=mesh,
        compiler_params=pltpu.CompilerParams(needs_layout_passes=False),
        scratch_types=[
            pltpu.VMEM((TPT,), jnp.int32),
            pltpu.VMEM((TPT,), jnp.int32),
            pltpu.VMEM((CH, EMB), jnp.float32),
            pltpu.VMEM((CH, EMB), jnp.float32),
            pltpu.VMEM((CH, EMB), jnp.float32),
            pltpu.VMEM((CH, EMB), jnp.float32),
            pltpu.SemaphoreType.DMA,
            pltpu.SemaphoreType.DMA,
        ],
    )
    return kfn(gout, pos_a, pos_b)


def kernel(x, router_w, router_b, w1, b1, w2, b2):
    x2 = x.reshape(T, EMB)
    ids, wgt, xi = _router(x2, router_w, router_b.reshape(1, NEXP))
    pos2d, bm = _meta(ids.reshape(_MR, 128))
    pos_flat = pos2d.reshape(F)
    gx, wrow = _dispatch(pos_flat, wgt.reshape(F), xi)
    gout = _ffn(bm, gx, w1, b1, w2, b2, wrow.reshape(G, 1))
    pos_tk = pos_flat.reshape(T, K)
    out = _combine(gout, pos_tk[:, 0].reshape(T), pos_tk[:, 1].reshape(T))
    return out.reshape(B, N, EMB)

# --- scband reference (transcript-rebuilt; emitter-appended) ---
"""Pipeline reference for scband-mo-e-12197707120945 (READ-ONLY COPY).

The authoritative reference and input builder live on the scoring server;
editing this copy changes nothing except your own understanding.
"""

import jax, jax.numpy as jnp
import numpy as np

B, N, EMB = 2, 2048, 1024
HID = 1536
NEXP = 8
K = 2


def setup_inputs(seed: int = 0) -> dict:
    key = jax.random.key(seed)
    ks = jax.random.split(key, 8)
    x = jax.random.normal(ks[0], (B, N, EMB), dtype=jnp.float32)
    router_w = jax.random.normal(ks[1], (EMB, NEXP), dtype=jnp.float32) * 0.02
    router_b = jnp.zeros((NEXP,), dtype=jnp.float32)
    w1 = jax.random.normal(ks[2], (NEXP, EMB, HID), dtype=jnp.float32) * 0.02
    b1 = jnp.zeros((NEXP, HID), dtype=jnp.float32)
    w2 = jax.random.normal(ks[3], (NEXP, HID, EMB), dtype=jnp.float32) * 0.02
    b2 = jnp.zeros((NEXP, EMB), dtype=jnp.float32)
    return {"x": x, "router_w": router_w, "router_b": router_b,
            "w1": w1, "b1": b1, "w2": w2, "b2": b2}


def reference(x, router_w, router_b, w1, b1, w2, b2):
    # Router: softmax over experts, then top-k per token.
    Bv, Nv, Ev = x.shape
    logits = jnp.einsum('bne,ex->bnx', x, router_w) + router_b
    probs = jax.nn.softmax(logits, axis=-1)
    topk_probs, topk_idx = jax.lax.top_k(probs, K)
    T = Bv * Nv
    flat_x = x.reshape(T, Ev)
    flat_idx = topk_idx.reshape(T, K)
    flat_w = topk_probs.reshape(T, K)
    out = jnp.zeros_like(flat_x)
    # Dense-equivalent of per-expert gather/scatter: tokens not routed to an
    # expert get weight 0, so the math is identical to the masked torch loop.
    for e in range(NEXP):
        h = jax.nn.gelu(flat_x @ w1[e] + b1[e], approximate=False)
        eo = h @ w2[e] + b2[e]
        wgt = jnp.sum(flat_w * (flat_idx == e).astype(flat_w.dtype), axis=1)
        out = out + eo * wgt[:, None]
    return out.reshape(Bv, Nv, Ev)

if __name__ == "__main__":
    import jax
    _d = setup_inputs()
    print(jax.jit(kernel)(*tuple(_d.values())))

</pallas_src>

<mosaic_0001>
#map = affine_map<(d0, d1) -> (0)>
#map1 = affine_map<(d0, d1) -> (0, 0)>
module attributes {stable_mosaic.version = 14 : i64} {
  func.func @_dispatch_body(%arg0: i32, %arg1: i32, %arg2: memref<8192xi32, #tpu.memory_space<hbm>>, %arg3: memref<8192xf32, #tpu.memory_space<hbm>>, %arg4: memref<4096x512xi32, #tpu.memory_space<hbm>>, %arg5: memref<9216x512xi32, #tpu.memory_space<hbm>>, %arg6: memref<9216xf32, #tpu.memory_space<hbm>>, %arg7: memref<8192xi32, #tpu.memory_space<vmem>>, %arg8: memref<8192xf32, #tpu.memory_space<vmem>>, %arg9: memref<9216xi32, #tpu.memory_space<vmem>>, %arg10: memref<9216xf32, #tpu.memory_space<vmem>>, %arg11: memref<16x512xi32, #tpu.memory_space<vmem>>, %arg12: memref<16x512xi32, #tpu.memory_space<vmem>>, %arg13: memref<!tpu.dma_semaphore, #tpu.memory_space<semaphore_mem>>, %arg14: memref<!tpu.dma_semaphore, #tpu.memory_space<semaphore_mem>>) attributes {dimension_semantics = [#tpu.dimension_semantics<core_parallel>, #tpu.dimension_semantics<subcore_parallel>], iteration_bounds = array<i64: 2, 16>, scalar_prefetch = 0 : i64, scratch_operands = 8 : i64, tpu.core_type = #tpu.core_type<sc_vector_subcore>, window_params = [{transform_indices = #map}, {transform_indices = #map}, {transform_indices = #map1}, {transform_indices = #map1}, {transform_indices = #map}]} {
    %mul3A = arith.constant 2 : i32
    %mul3A_0 = arith.muli %arg1, %mul3A : i32
    %add3A = arith.addi %mul3A_0, %arg0 : i32
    "tpu.region"() ({
      %run_scoped3A = tpu.sem_alloc : memref<!tpu.dma_semaphore, #tpu.memory_space<semaphore_mem>>
      tpu.enqueue_dma source(%arg2 : memref<8192xi32, #tpu.memory_space<hbm>>) target(%arg7 : memref<8192xi32, #tpu.memory_space<vmem>>) target_semaphore(%run_scoped3A : memref<!tpu.dma_semaphore, #tpu.memory_space<semaphore_mem>>)
      tpu.wait_dma2 semaphore(%run_scoped3A : memref<!tpu.dma_semaphore, #tpu.memory_space<semaphore_mem>>) src(%arg2 : memref<8192xi32, #tpu.memory_space<hbm>>) dst(%arg7 : memref<8192xi32, #tpu.memory_space<vmem>>)
      tpu.yield
    }) : () -> ()
    "tpu.region"() ({
      %run_scoped3A = tpu.sem_alloc : memref<!tpu.dma_semaphore, #tpu.memory_space<semaphore_mem>>
      tpu.enqueue_dma source(%arg3 : memref<8192xf32, #tpu.memory_space<hbm>>) target(%arg8 : memref<8192xf32, #tpu.memory_space<vmem>>) target_semaphore(%run_scoped3A : memref<!tpu.dma_semaphore, #tpu.memory_space<semaphore_mem>>)
      tpu.wait_dma2 semaphore(%run_scoped3A : memref<!tpu.dma_semaphore, #tpu.memory_space<semaphore_mem>>) src(%arg3 : memref<8192xf32, #tpu.memory_space<hbm>>) dst(%arg8 : memref<8192xf32, #tpu.memory_space<vmem>>)
      tpu.yield
    }) : () -> ()
    %scan3A = arith.constant 0 : i32
    %scan3A_1 = arith.constant 0 : i32
    %scan3A_2 = arith.constant 512 : i32
    %scan3A_3 = arith.addi %scan3A_1, %scan3A_2 : i32
    %scan3A_4 = arith.constant 4 : i32
    scf.for %scan3A_23 = %scan3A_1 to %scan3A_3 step %scan3A_4  : i32 {
      %mul3A_24 = arith.constant 16 : i32
      %mul3A_25 = arith.muli %scan3A_23, %mul3A_24 : i32
      %get3A_26 = arith.index_cast %mul3A_25 : i32 to index
      %get3A_27 = tpu.vector_load %arg7[%get3A_26] {strides = array<i32>} : memref<8192xi32, #tpu.memory_space<vmem>>, vector<16xi32>,
      %iota3A = tpu.iota {dimensions = array<i32: 0>} : vector<16xi32>
      %mul3A_28 = arith.constant 16 : i32
      %mul3A_29 = arith.muli %scan3A_23, %mul3A_28 : i32
      %add3A_30 = vector.broadcast %mul3A_29 : i32 to vector<16xi32>
      %add3A_31 = arith.addi %iota3A, %add3A_30 : vector<16xi32>
      %jit3A = arith.constant 2 : i32
      %div3A = vector.broadcast %jit3A : i32 to vector<16xi32>
      %div3A_32 = arith.divsi %add3A_31, %div3A : vector<16xi32>
      %sign3A = arith.constant 0 : i32
      %sign3A_33 = vector.broadcast %sign3A : i32 to vector<16xi32>
      %sign3A_34 = arith.cmpi sgt, %add3A_31, %sign3A_33 : vector<16xi32>
      %sign3A_35 = arith.extui %sign3A_34 : vector<16xi1> to vector<16xi32>
      %sign3A_36 = arith.constant 0 : i32
      %sign3A_37 = vector.broadcast %sign3A_36 : i32 to vector<16xi32>
      %sign3A_38 = arith.cmpi slt, %add3A_31, %sign3A_37 : vector<16xi32>
      %sign3A_39 = arith.extui %sign3A_38 : vector<16xi1> to vector<16xi32>
      %sign3A_40 = arith.subi %sign3A_35, %sign3A_39 : vector<16xi32>
      %sign3A_41 = arith.constant 0 : i32
      %sign3A_42 = arith.cmpi sgt, %jit3A, %sign3A_41 : i32
      %sign3A_43 = arith.extui %sign3A_42 : i1 to i32
      %sign3A_44 = arith.constant 0 : i32
      %sign3A_45 = arith.cmpi slt, %jit3A, %sign3A_44 : i32
      %sign3A_46 = arith.extui %sign3A_45 : i1 to i32
      %sign3A_47 = arith.subi %sign3A_43, %sign3A_46 : i32
      %ne3A = vector.broadcast %sign3A_47 : i32 to vector<16xi32>
      %ne3A_48 = arith.cmpi ne, %sign3A_40, %ne3A : vector<16xi32>
      %rem3A = vector.broadcast %jit3A : i32 to vector<16xi32>
      %rem3A_49 = arith.remsi %add3A_31, %rem3A : vector<16xi32>
      %ne3A_50 = arith.constant 0 : i32
      %ne3A_51 = vector.broadcast %ne3A_50 : i32 to vector<16xi32>
      %ne3A_52 = arith.cmpi ne, %rem3A_49, %ne3A_51 : vector<16xi32>
      %and3A = arith.andi %ne3A_48, %ne3A_52 : vector<16xi1>
      %sub3A = arith.constant 1 : i32
      %sub3A_53 = vector.broadcast %sub3A : i32 to vector<16xi32>
      %sub3A_54 = arith.subi %div3A_32, %sub3A_53 : vector<16xi32>
      %select_n3A = arith.select %and3A, %sub3A_54, %div3A_32 : vector<16xi1>, vector<16xi32>
      tpu.vector_store_idx %arg9[%get3A_27], %select_n3A : memref<9216xi32, #tpu.memory_space<vmem>>[vector<16xi32>], vector<16xi32>,
      %mul3A_55 = arith.constant 16 : i32
      %mul3A_56 = arith.muli %scan3A_23, %mul3A_55 : i32
      %get3A_57 = arith.index_cast %mul3A_56 : i32 to index
      %get3A_58 = tpu.vector_load %arg8[%get3A_57] {strides = array<i32>} : memref<8192xf32, #tpu.memory_space<vmem>>, vector<16xf32>,
      tpu.vector_store_idx %arg10[%get3A_27], %get3A_58 : memref<9216xf32, #tpu.memory_space<vmem>>[vector<16xi32>], vector<16xf32>,
      %scan3A_59 = arith.constant 1 : i32
      %scan3A_60 = arith.addi %scan3A_23, %scan3A_59 : i32
      %mul3A_61 = arith.constant 16 : i32
      %mul3A_62 = arith.muli %scan3A_60, %mul3A_61 : i32
      %get3A_63 = arith.index_cast %mul3A_62 : i32 to index
      %get3A_64 = tpu.vector_load %arg7[%get3A_63] {strides = array<i32>} : memref<8192xi32, #tpu.memory_space<vmem>>, vector<16xi32>,
      %iota3A_65 = tpu.iota {dimensions = array<i32: 0>} : vector<16xi32>
      %mul3A_66 = arith.constant 16 : i32
      %mul3A_67 = arith.muli %scan3A_60, %mul3A_66 : i32
      %add3A_68 = vector.broadcast %mul3A_67 : i32 to vector<16xi32>
      %add3A_69 = arith.addi %iota3A_65, %add3A_68 : vector<16xi32>
      %jit3A_70 = arith.constant 2 : i32
      %div3A_71 = vector.broadcast %jit3A_70 : i32 to vector<16xi32>
      %div3A_72 = arith.divsi %add3A_69, %div3A_71 : vector<16xi32>
      %sign3A_73 = arith.constant 0 : i32
      %sign3A_74 = vector.broadcast %sign3A_73 : i32 to vector<16xi32>
      %sign3A_75 = arith.cmpi sgt, %add3A_69, %sign3A_74 : vector<16xi32>
      %sign3A_76 = arith.extui %sign3A_75 : vector<16xi1> to vector<16xi32>
      %sign3A_77 = arith.constant 0 : i32
      %sign3A_78 = vector.broadcast %sign3A_77 : i32 to vector<16xi32>
      %sign3A_79 = arith.cmpi slt, %add3A_69, %sign3A_78 : vector<16xi32>
      %sign3A_80 = arith.extui %sign3A_79 : vector<16xi1> to vector<16xi32>
      %sign3A_81 = arith.subi %sign3A_76, %sign3A_80 : vector<16xi32>
      %sign3A_82 = arith.constant 0 : i32
      %sign3A_83 = arith.cmpi sgt, %jit3A_70, %sign3A_82 : i32
      %sign3A_84 = arith.extui %sign3A_83 : i1 to i32
      %sign3A_85 = arith.constant 0 : i32
      %sign3A_86 = arith.cmpi slt, %jit3A_70, %sign3A_85 : i32
      %sign3A_87 = arith.extui %sign3A_86 : i1 to i32
      %sign3A_88 = arith.subi %sign3A_84, %sign3A_87 : i32
      %ne3A_89 = vector.broadcast %sign3A_88 : i32 to vector<16xi32>
      %ne3A_90 = arith.cmpi ne, %sign3A_81, %ne3A_89 : vector<16xi32>
      %rem3A_91 = vector.broadcast %jit3A_70 : i32 to vector<16xi32>
      %rem3A_92 = arith.remsi %add3A_69, %rem3A_91 : vector<16xi32>
      %ne3A_93 = arith.constant 0 : i32
      %ne3A_94 = vector.broadcast %ne3A_93 : i32 to vector<16xi32>
      %ne3A_95 = arith.cmpi ne, %rem3A_92, %ne3A_94 : vector<16xi32>
      %and3A_96 = arith.andi %ne3A_90, %ne3A_95 : vector<16xi1>
      %sub3A_97 = arith.constant 1 : i32
      %sub3A_98 = vector.broadcast %sub3A_97 : i32 to vector<16xi32>
      %sub3A_99 = arith.subi %div3A_72, %sub3A_98 : vector<16xi32>
      %select_n3A_100 = arith.select %and3A_96, %sub3A_99, %div3A_72 : vector<16xi1>, vector<16xi32>
      tpu.vector_store_idx %arg9[%get3A_64], %select_n3A_100 : memref<9216xi32, #tpu.memory_space<vmem>>[vector<16xi32>], vector<16xi32>,
      %mul3A_101 = arith.constant 16 : i32
      %mul3A_102 = arith.muli %scan3A_60, %mul3A_101 : i32
      %get3A_103 = arith.index_cast %mul3A_102 : i32 to index
      %get3A_104 = tpu.vector_load %arg8[%get3A_103] {strides = array<i32>} : memref<8192xf32, #tpu.memory_space<vmem>>, vector<16xf32>,
      tpu.vector_store_idx %arg10[%get3A_64], %get3A_104 : memref<9216xf32, #tpu.memory_space<vmem>>[vector<16xi32>], vector<16xf32>,
      %scan3A_105 = arith.constant 2 : i32
      %scan3A_106 = arith.addi %scan3A_23, %scan3A_105 : i32
      %mul3A_107 = arith.constant 16 : i32
      %mul3A_108 = arith.muli %scan3A_106, %mul3A_107 : i32
      %get3A_109 = arith.index_cast %mul3A_108 : i32 to index
      %get3A_110 = tpu.vector_load %arg7[%get3A_109] {strides = array<i32>} : memref<8192xi32, #tpu.memory_space<vmem>>, vector<16xi32>,
      %iota3A_111 = tpu.iota {dimensions = array<i32: 0>} : vector<16xi32>
      %mul3A_112 = arith.constant 16 : i32
      %mul3A_113 = arith.muli %scan3A_106, %mul3A_112 : i32
      %add3A_114 = vector.broadcast %mul3A_113 : i32 to vector<16xi32>
      %add3A_115 = arith.addi %iota3A_111, %add3A_114 : vector<16xi32>
      %jit3A_116 = arith.constant 2 : i32
      %div3A_117 = vector.broadcast %jit3A_116 : i32 to vector<16xi32>
      %div3A_118 = arith.divsi %add3A_115, %div3A_117 : vector<16xi32>
      %sign3A_119 = arith.constant 0 : i32
      %sign3A_120 = vector.broadcast %sign3A_119 : i32 to vector<16xi32>
      %sign3A_121 = arith.cmpi sgt, %add3A_115, %sign3A_120 : vector<16xi32>
      %sign3A_122 = arith.extui %sign3A_121 : vector<16xi1> to vector<16xi32>
      %sign3A_123 = arith.constant 0 : i32
      %sign3A_124 = vector.broadcast %sign3A_123 : i32 to vector<16xi32>
      %sign3A_125 = arith.cmpi slt, %add3A_115, %sign3A_124 : vector<16xi32>
      %sign3A_126 = arith.extui %sign3A_125 : vector<16xi1> to vector<16xi32>
      %sign3A_127 = arith.subi %sign3A_122, %sign3A_126 : vector<16xi32>
      %sign3A_128 = arith.constant 0 : i32
      %sign3A_129 = arith.cmpi sgt, %jit3A_116, %sign3A_128 : i32
      %sign3A_130 = arith.extui %sign3A_129 : i1 to i32
      %sign3A_131 = arith.constant 0 : i32
      %sign3A_132 = arith.cmpi slt, %jit3A_116, %sign3A_131 : i32
      %sign3A_133 = arith.extui %sign3A_132 : i1 to i32
      %sign3A_134 = arith.subi %sign3A_130, %sign3A_133 : i32
      %ne3A_135 = vector.broadcast %sign3A_134 : i32 to vector<16xi32>
      %ne3A_136 = arith.cmpi ne, %sign3A_127, %ne3A_135 : vector<16xi32>
      %rem3A_137 = vector.broadcast %jit3A_116 : i32 to vector<16xi32>
      %rem3A_138 = arith.remsi %add3A_115, %rem3A_137 : vector<16xi32>
      %ne3A_139 = arith.constant 0 : i32
      %ne3A_140 = vector.broadcast %ne3A_139 : i32 to vector<16xi32>
      %ne3A_141 = arith.cmpi ne, %rem3A_138, %ne3A_140 : vector<16xi32>
      %and3A_142 = arith.andi %ne3A_136, %ne3A_141 : vector<16xi1>
      %sub3A_143 = arith.constant 1 : i32
      %sub3A_144 = vector.broadcast %sub3A_143 : i32 to vector<16xi32>
      %sub3A_145 = arith.subi %div3A_118, %sub3A_144 : vector<16xi32>
      %select_n3A_146 = arith.select %and3A_142, %sub3A_145, %div3A_118 : vector<16xi1>, vector<16xi32>
      tpu.vector_store_idx %arg9[%get3A_110], %select_n3A_146 : memref<9216xi32, #tpu.memory_space<vmem>>[vector<16xi32>], vector<16xi32>,
      %mul3A_147 = arith.constant 16 : i32
      %mul3A_148 = arith.muli %scan3A_106, %mul3A_147 : i32
      %get3A_149 = arith.index_cast %mul3A_148 : i32 to index
      %get3A_150 = tpu.vector_load %arg8[%get3A_149] {strides = array<i32>} : memref<8192xf32, #tpu.memory_space<vmem>>, vector<16xf32>,
      tpu.vector_store_idx %arg10[%get3A_110], %get3A_150 : memref<9216xf32, #tpu.memory_space<vmem>>[vector<16xi32>], vector<16xf32>,
      %scan3A_151 = arith.constant 3 : i32
      %scan3A_152 = arith.addi %scan3A_23, %scan3A_151 : i32
      %mul3A_153 = arith.constant 16 : i32
      %mul3A_154 = arith.muli %scan3A_152, %mul3A_153 : i32
      %get3A_155 = arith.index_cast %mul3A_154 : i32 to index
      %get3A_156 = tpu.vector_load %arg7[%get3A_155] {strides = array<i32>} : memref<8192xi32, #tpu.memory_space<vmem>>, vector<16xi32>,
      %iota3A_157 = tpu.iota {dimensions = array<i32: 0>} : vector<16xi32>
      %mul3A_158 = arith.constant 16 : i32
      %mul3A_159 = arith.muli %scan3A_152, %mul3A_158 : i32
      %add3A_160 = vector.broadcast %mul3A_159 : i32 to vector<16xi32>
      %add3A_161 = arith.addi %iota3A_157, %add3A_160 : vector<16xi32>
      %jit3A_162 = arith.constant 2 : i32
      %div3A_163 = vector.broadcast %jit3A_162 : i32 to vector<16xi32>
      %div3A_164 = arith.divsi %add3A_161, %div3A_163 : vector<16xi32>
      %sign3A_165 = arith.constant 0 : i32
      %sign3A_166 = vector.broadcast %sign3A_165 : i32 to vector<16xi32>
      %sign3A_167 = arith.cmpi sgt, %add3A_161, %sign3A_166 : vector<16xi32>
      %sign3A_168 = arith.extui %sign3A_167 : vector<16xi1> to vector<16xi32>
      %sign3A_169 = arith.constant 0 : i32
      %sign3A_170 = vector.broadcast %sign3A_169 : i32 to vector<16xi32>
      %sign3A_171 = arith.cmpi slt, %add3A_161, %sign3A_170 : vector<16xi32>
      %sign3A_172 = arith.extui %sign3A_171 : vector<16xi1> to vector<16xi32>
      %sign3A_173 = arith.subi %sign3A_168, %sign3A_172 : vector<16xi32>
      %sign3A_174 = arith.constant 0 : i32
      %sign3A_175 = arith.cmpi sgt, %jit3A_162, %sign3A_174 : i32
      %sign3A_176 = arith.extui %sign3A_175 : i1 to i32
      %sign3A_177 = arith.constant 0 : i32
      %sign3A_178 = arith.cmpi slt, %jit3A_162, %sign3A_177 : i32
      %sign3A_179 = arith.extui %sign3A_178 : i1 to i32
      %sign3A_180 = arith.subi %sign3A_176, %sign3A_179 : i32
      %ne3A_181 = vector.broadcast %sign3A_180 : i32 to vector<16xi32>
      %ne3A_182 = arith.cmpi ne, %sign3A_173, %ne3A_181 : vector<16xi32>
      %rem3A_183 = vector.broadcast %jit3A_162 : i32 to vector<16xi32>
      %rem3A_184 = arith.remsi %add3A_161, %rem3A_183 : vector<16xi32>
      %ne3A_185 = arith.constant 0 : i32
      %ne3A_186 = vector.broadcast %ne3A_185 : i32 to vector<16xi32>
      %ne3A_187 = arith.cmpi ne, %rem3A_184, %ne3A_186 : vector<16xi32>
      %and3A_188 = arith.andi %ne3A_182, %ne3A_187 : vector<16xi1>
      %sub3A_189 = arith.constant 1 : i32
      %sub3A_190 = vector.broadcast %sub3A_189 : i32 to vector<16xi32>
      %sub3A_191 = arith.subi %div3A_164, %sub3A_190 : vector<16xi32>
      %select_n3A_192 = arith.select %and3A_188, %sub3A_191, %div3A_164 : vector<16xi1>, vector<16xi32>
      tpu.vector_store_idx %arg9[%get3A_156], %select_n3A_192 : memref<9216xi32, #tpu.memory_space<vmem>>[vector<16xi32>], vector<16xi32>,
      %mul3A_193 = arith.constant 16 : i32
      %mul3A_194 = arith.muli %scan3A_152, %mul3A_193 : i32
      %get3A_195 = arith.index_cast %mul3A_194 : i32 to index
      %get3A_196 = tpu.vector_load %arg8[%get3A_195] {strides = array<i32>} : memref<8192xf32, #tpu.memory_space<vmem>>, vector<16xf32>,
      tpu.vector_store_idx %arg10[%get3A_156], %get3A_196 : memref<9216xf32, #tpu.memory_space<vmem>>[vector<16xi32>], vector<16xf32>,
    }
    %scan3A_5 = arith.constant 512 : i32
    %mul3A_6 = arith.constant 288 : i32
    %mul3A_7 = arith.muli %add3A, %mul3A_6 : i32
    "tpu.region"() ({
      %run_scoped3A = tpu.sem_alloc : memref<!tpu.dma_semaphore, #tpu.memory_space<semaphore_mem>>
      %dma_start3A_23 = tpu.memref_slice %arg10[%mul3A_7] : memref<9216xf32, #tpu.memory_space<vmem>> -> memref<288xf32, #tpu.memory_space<vmem>>
      %dma_start3A_24 = tpu.memref_slice %arg6[%mul3A_7] : memref<9216xf32, #tpu.memory_space<hbm>> -> memref<288xf32, #tpu.memory_space<hbm>>
      %dma_start3A_25 = tpu.memref_slice %arg6[%mul3A_7] : memref<9216xf32, #tpu.memory_space<hbm>> -> memref<288xf32, #tpu.memory_space<hbm>>
      %dma_start3A_26 = tpu.memref_slice %arg10[%mul3A_7] : memref<9216xf32, #tpu.memory_space<vmem>> -> memref<288xf32, #tpu.memory_space<vmem>>
      tpu.enqueue_dma source(%dma_start3A_26 : memref<288xf32, #tpu.memory_space<vmem>>) target(%dma_start3A_25 : memref<288xf32, #tpu.memory_space<hbm>>) target_semaphore(%run_scoped3A : memref<!tpu.dma_semaphore, #tpu.memory_space<semaphore_mem>>)
      %dma_wait3A = tpu.memref_slice %arg10[%mul3A_7] : memref<9216xf32, #tpu.memory_space<vmem>> -> memref<288xf32, #tpu.memory_space<vmem>>
      %dma_wait3A_27 = tpu.memref_slice %arg6[%mul3A_7] : memref<9216xf32, #tpu.memory_space<hbm>> -> memref<288xf32, #tpu.memory_space<hbm>>
      %dma_wait3A_28 = tpu.memref_slice %arg6[%mul3A_7] : memref<9216xf32, #tpu.memory_space<hbm>> -> memref<288xf32, #tpu.memory_space<hbm>>
      %dma_wait3A_29 = tpu.memref_slice %arg10[%mul3A_7] : memref<9216xf32, #tpu.memory_space<vmem>> -> memref<288xf32, #tpu.memory_space<vmem>>
      tpu.wait_dma2 semaphore(%run_scoped3A : memref<!tpu.dma_semaphore, #tpu.memory_space<semaphore_mem>>) src(%dma_wait3A_29 : memref<288xf32, #tpu.memory_space<vmem>>) dst(%dma_wait3A_28 : memref<288xf32, #tpu.memory_space<hbm>>)
      tpu.yield
    }) : () -> ()
    %add3A_8 = arith.constant 0 : i32
    %add3A_9 = arith.addi %mul3A_7, %add3A_8 : i32
    %get3A = arith.index_cast %add3A_9 : i32 to index
    %get3A_10 = tpu.vector_load %arg9[%get3A] {strides = array<i32>} : memref<9216xi32, #tpu.memory_space<vmem>>, vector<16xi32>,
    %max3A = arith.constant 0 : i32
    %max3A_11 = vector.broadcast %max3A : i32 to vector<16xi32>
    %max3A_12 = arith.maxsi %get3A_10, %max3A_11 : vector<16xi32>
    %min3A = arith.constant 4095 : i32
    %min3A_13 = vector.broadcast %min3A : i32 to vector<16xi32>
    %min3A_14 = arith.minsi %max3A_12, %min3A_13 : vector<16xi32>
    %dma_start3A = arith.constant 0 : i32
    %dma_start3A_15 = arith.constant 0 : i32
    %dma_start3A_16 = tpu.memref_slice %arg4[%dma_start3A, %dma_start3A_15] : memref<4096x512xi32, #tpu.memory_space<hbm>> -> memref<4096x512xi32, #tpu.memory_space<hbm>>
    tpu.enqueue_indirect_dma source(%dma_start3A_16 : memref<4096x512xi32, #tpu.memory_space<hbm>>) target(%arg11 : memref<16x512xi32, #tpu.memory_space<vmem>>) offsets(%min3A_14 : vector<16xi32>) semaphore(%arg13 : memref<!tpu.dma_semaphore, #tpu.memory_space<semaphore_mem>>)
    %scan3A_17 = arith.constant 0 : i32
    %scan3A_18 = arith.constant 0 : i32
    %scan3A_19 = arith.constant 9 : i32
    %scan3A_20 = arith.addi %scan3A_18, %scan3A_19 : i32
    %scan3A_21 = arith.constant 1 : i32
    scf.for %scan3A_23 = %scan3A_18 to %scan3A_20 step %scan3A_21  : i32 {
      %mul3A_24 = arith.constant 2 : i32
      %mul3A_25 = arith.muli %mul3A_24, %scan3A_23 : i32
      %add3A_26 = arith.constant 1 : i32
      %add3A_27 = arith.addi %mul3A_25, %add3A_26 : i32
      %mul3A_28 = arith.constant 16 : i32
      %mul3A_29 = arith.muli %add3A_27, %mul3A_28 : i32
      %add3A_30 = arith.addi %mul3A_7, %mul3A_29 : i32
      %get3A_31 = arith.index_cast %add3A_30 : i32 to index
      %get3A_32 = tpu.vector_load %arg9[%get3A_31] {strides = array<i32>} : memref<9216xi32, #tpu.memory_space<vmem>>, vector<16xi32>,
      %max3A_33 = arith.constant 0 : i32
      %max3A_34 = vector.broadcast %max3A_33 : i32 to vector<16xi32>
      %max3A_35 = arith.maxsi %get3A_32, %max3A_34 : vector<16xi32>
      %min3A_36 = arith.constant 4095 : i32
      %min3A_37 = vector.broadcast %min3A_36 : i32 to vector<16xi32>
      %min3A_38 = arith.minsi %max3A_35, %min3A_37 : vector<16xi32>
      %dma_start3A_39 = arith.constant 0 : i32
      %dma_start3A_40 = arith.constant 0 : i32
      %dma_start3A_41 = tpu.memref_slice %arg4[%dma_start3A_39, %dma_start3A_40] : memref<4096x512xi32, #tpu.memory_space<hbm>> -> memref<4096x512xi32, #tpu.memory_space<hbm>>
      tpu.enqueue_indirect_dma source(%dma_start3A_41 : memref<4096x512xi32, #tpu.memory_space<hbm>>) target(%arg12 : memref<16x512xi32, #tpu.memory_space<vmem>>) offsets(%min3A_38 : vector<16xi32>) semaphore(%arg14 : memref<!tpu.dma_semaphore, #tpu.memory_space<semaphore_mem>>)
      %dma_wait3A = arith.constant 0 : i32
      %dma_wait3A_42 = arith.constant 0 : i32
      %dma_wait3A_43 = tpu.memref_slice %arg4[%dma_wait3A, %dma_wait3A_42] : memref<4096x512xi32, #tpu.memory_space<hbm>> -> memref<16x512xi32, #tpu.memory_space<hbm>>
      %dma_wait3A_44 = arith.constant 0 : i32
      %dma_wait3A_45 = arith.constant 0 : i32
      %dma_wait3A_46 = tpu.memref_slice %arg4[%dma_wait3A_44, %dma_wait3A_45] : memref<4096x512xi32, #tpu.memory_space<hbm>> -> memref<16x512xi32, #tpu.memory_space<hbm>>
      tpu.wait_dma2 semaphore(%arg13 : memref<!tpu.dma_semaphore, #tpu.memory_space<semaphore_mem>>) src(%dma_wait3A_46 : memref<16x512xi32, #tpu.memory_space<hbm>>) dst(%arg11 : memref<16x512xi32, #tpu.memory_space<vmem>>)
      %mul3A_47 = arith.constant 16 : i32
      %mul3A_48 = arith.muli %mul3A_25, %mul3A_47 : i32
      %add3A_49 = arith.addi %mul3A_7, %mul3A_48 : i32
      "tpu.region"() ({
        %run_scoped3A = tpu.sem_alloc : memref<!tpu.dma_semaphore, #tpu.memory_space<semaphore_mem>>
        %dma_start3A_63 = arith.constant 0 : i32
        %dma_start3A_64 = tpu.memref_slice %arg5[%add3A_49, %dma_start3A_63] : memref<9216x512xi32, #tpu.memory_space<hbm>> -> memref<16x512xi32, #tpu.memory_space<hbm>>
        %dma_start3A_65 = arith.constant 0 : i32
        %dma_start3A_66 = tpu.memref_slice %arg5[%add3A_49, %dma_start3A_65] : memref<9216x512xi32, #tpu.memory_space<hbm>> -> memref<16x512xi32, #tpu.memory_space<hbm>>
        tpu.enqueue_dma source(%arg11 : memref<16x512xi32, #tpu.memory_space<vmem>>) target(%dma_start3A_66 : memref<16x512xi32, #tpu.memory_space<hbm>>) target_semaphore(%run_scoped3A : memref<!tpu.dma_semaphore, #tpu.memory_space<semaphore_mem>>)
        %dma_wait3A_67 = arith.constant 0 : i32
        %dma_wait3A_68 = tpu.memref_slice %arg5[%add3A_49, %dma_wait3A_67] : memref<9216x512xi32, #tpu.memory_space<hbm>> -> memref<16x512xi32, #tpu.memory_space<hbm>>
        %dma_wait3A_69 = arith.constant 0 : i32
        %dma_wait3A_70 = tpu.memref_slice %arg5[%add3A_49, %dma_wait3A_69] : memref<9216x512xi32, #tpu.memory_space<hbm>> -> memref<16x512xi32, #tpu.memory_space<hbm>>
        tpu.wait_dma2 semaphore(%run_scoped3A : memref<!tpu.dma_semaphore, #tpu.memory_space<semaphore_mem>>) src(%arg11 : memref<16x512xi32, #tpu.memory_space<vmem>>) dst(%dma_wait3A_70 : memref<16x512xi32, #tpu.memory_space<hbm>>)
        tpu.yield
      }) : () -> ()
      %lt3A = arith.constant 8 : i32
      %lt3A_50 = arith.cmpi slt, %scan3A_23, %lt3A : i32
      %convert_element_type3A = arith.extui %lt3A_50 : i1 to i32
      %cond3A = arith.constant 0 : i32
      %cond3A_51 = arith.cmpi ne, %convert_element_type3A, %cond3A : i32
      scf.if %cond3A_51 {
        %add3A_63 = arith.constant 2 : i32
        %add3A_64 = arith.addi %mul3A_25, %add3A_63 : i32
        %mul3A_65 = arith.constant 16 : i32
        %mul3A_66 = arith.muli %add3A_64, %mul3A_65 : i32
        %add3A_67 = arith.addi %mul3A_7, %mul3A_66 : i32
        %get3A_68 = arith.index_cast %add3A_67 : i32 to index
        %get3A_69 = tpu.vector_load %arg9[%get3A_68] {strides = array<i32>} : memref<9216xi32, #tpu.memory_space<vmem>>, vector<16xi32>,
        %max3A_70 = arith.constant 0 : i32
        %max3A_71 = vector.broadcast %max3A_70 : i32 to vector<16xi32>
        %max3A_72 = arith.maxsi %get3A_69, %max3A_71 : vector<16xi32>
        %min3A_73 = arith.constant 4095 : i32
        %min3A_74 = vector.broadcast %min3A_73 : i32 to vector<16xi32>
        %min3A_75 = arith.minsi %max3A_72, %min3A_74 : vector<16xi32>
        %dma_start3A_76 = arith.constant 0 : i32
        %dma_start3A_77 = arith.constant 0 : i32
        %dma_start3A_78 = tpu.memref_slice %arg4[%dma_start3A_76, %dma_start3A_77] : memref<4096x512xi32, #tpu.memory_space<hbm>> -> memref<4096x512xi32, #tpu.memory_space<hbm>>
        tpu.enqueue_indirect_dma source(%dma_start3A_78 : memref<4096x512xi32, #tpu.memory_space<hbm>>) target(%arg11 : memref<16x512xi32, #tpu.memory_space<vmem>>) offsets(%min3A_75 : vector<16xi32>) semaphore(%arg13 : memref<!tpu.dma_semaphore, #tpu.memory_space<semaphore_mem>>)
      } else {
      }
      %add3A_52 = arith.constant 1 : i32
      %add3A_53 = arith.addi %mul3A_25, %add3A_52 : i32
      %dma_wait3A_54 = arith.constant 0 : i32
      %dma_wait3A_55 = arith.constant 0 : i32
      %dma_wait3A_56 = tpu.memref_slice %arg4[%dma_wait3A_54, %dma_wait3A_55] : memref<4096x512xi32, #tpu.memory_space<hbm>> -> memref<16x512xi32, #tpu.memory_space<hbm>>
      %dma_wait3A_57 = arith.constant 0 : i32
      %dma_wait3A_58 = arith.constant 0 : i32
      %dma_wait3A_59 = tpu.memref_slice %arg4[%dma_wait3A_57, %dma_wait3A_58] : memref<4096x512xi32, #tpu.memory_space<hbm>> -> memref<16x512xi32, #tpu.memory_space<hbm>>
      tpu.wait_dma2 semaphore(%arg14 : memref<!tpu.dma_semaphore, #tpu.memory_space<semaphore_mem>>) src(%dma_wait3A_59 : memref<16x512xi32, #tpu.memory_space<hbm>>) dst(%arg12 : memref<16x512xi32, #tpu.memory_space<vmem>>)
      %mul3A_60 = arith.constant 16 : i32
      %mul3A_61 = arith.muli %add3A_53, %mul3A_60 : i32
      %add3A_62 = arith.addi %mul3A_7, %mul3A_61 : i32
      "tpu.region"() ({
        %run_scoped3A = tpu.sem_alloc : memref<!tpu.dma_semaphore, #tpu.memory_space<semaphore_mem>>
        %dma_start3A_63 = arith.constant 0 : i32
        %dma_start3A_64 = tpu.memref_slice %arg5[%add3A_62, %dma_start3A_63] : memref<9216x512xi32, #tpu.memory_space<hbm>> -> memref<16x512xi32, #tpu.memory_space<hbm>>
        %dma_start3A_65 = arith.constant 0 : i32
        %dma_start3A_66 = tpu.memref_slice %arg5[%add3A_62, %dma_start3A_65] : memref<9216x512xi32, #tpu.memory_space<hbm>> -> memref<16x512xi32, #tpu.memory_space<hbm>>
        tpu.enqueue_dma source(%arg12 : memref<16x512xi32, #tpu.memory_space<vmem>>) target(%dma_start3A_66 : memref<16x512xi32, #tpu.memory_space<hbm>>) target_semaphore(%run_scoped3A : memref<!tpu.dma_semaphore, #tpu.memory_space<semaphore_mem>>)
        %dma_wait3A_67 = arith.constant 0 : i32
        %dma_wait3A_68 = tpu.memref_slice %arg5[%add3A_62, %dma_wait3A_67] : memref<9216x512xi32, #tpu.memory_space<hbm>> -> memref<16x512xi32, #tpu.memory_space<hbm>>
        %dma_wait3A_69 = arith.constant 0 : i32
        %dma_wait3A_70 = tpu.memref_slice %arg5[%add3A_62, %dma_wait3A_69] : memref<9216x512xi32, #tpu.memory_space<hbm>> -> memref<16x512xi32, #tpu.memory_space<hbm>>
        tpu.wait_dma2 semaphore(%run_scoped3A : memref<!tpu.dma_semaphore, #tpu.memory_space<semaphore_mem>>) src(%arg12 : memref<16x512xi32, #tpu.memory_space<vmem>>) dst(%dma_wait3A_70 : memref<16x512xi32, #tpu.memory_space<hbm>>)
        tpu.yield
      }) : () -> ()
    }
    %scan3A_22 = arith.constant 9 : i32
    return
  }
}

#map = affine_map<(d0, d1) -> (0, 0)>
#map1 = affine_map<(d0, d1) -> (0)>
module attributes {stable_mosaic.version = 14 : i64} {
  func.func @_combine_body(%arg0: i32, %arg1: i32, %arg2: memref<9216x1024xf32, #tpu.memory_space<hbm>>, %arg3: memref<4096xi32, #tpu.memory_space<hbm>>, %arg4: memref<4096xi32, #tpu.memory_space<hbm>>, %arg5: memref<4096x1024xf32, #tpu.memory_space<hbm>>, %arg6: memref<128xi32, #tpu.memory_space<vmem>>, %arg7: memref<128xi32, #tpu.memory_space<vmem>>, %arg8: memref<16x1024xf32, #tpu.memory_space<vmem>>, %arg9: memref<16x1024xf32, #tpu.memory_space<vmem>>, %arg10: memref<16x1024xf32, #tpu.memory_space<vmem>>, %arg11: memref<16x1024xf32, #tpu.memory_space<vmem>>, %arg12: memref<!tpu.dma_semaphore, #tpu.memory_space<semaphore_mem>>, %arg13: memref<!tpu.dma_semaphore, #tpu.memory_space<semaphore_mem>>) attributes {dimension_semantics = [#tpu.dimension_semantics<core_parallel>, #tpu.dimension_semantics<subcore_parallel>], iteration_bounds = array<i64: 2, 16>, scalar_prefetch = 0 : i64, scratch_operands = 8 : i64, tpu.core_type = #tpu.core_type<sc_vector_subcore>, window_params = [{transform_indices = #map}, {transform_indices = #map1}, {transform_indices = #map1}, {transform_indices = #map}]} {
    %mul3A = arith.constant 2 : i32
    %mul3A_0 = arith.muli %arg1, %mul3A : i32
    %add3A = arith.addi %mul3A_0, %arg0 : i32
    %mul3A_1 = arith.constant 128 : i32
    %mul3A_2 = arith.muli %add3A, %mul3A_1 : i32
    "tpu.region"() ({
      %run_scoped3A = tpu.sem_alloc : memref<!tpu.dma_semaphore, #tpu.memory_space<semaphore_mem>>
      %dma_start3A_16 = tpu.memref_slice %arg3[%mul3A_2] : memref<4096xi32, #tpu.memory_space<hbm>> -> memref<128xi32, #tpu.memory_space<hbm>>
      %dma_start3A_17 = tpu.memref_slice %arg3[%mul3A_2] : memref<4096xi32, #tpu.memory_space<hbm>> -> memref<128xi32, #tpu.memory_space<hbm>>
      tpu.enqueue_dma source(%dma_start3A_17 : memref<128xi32, #tpu.memory_space<hbm>>) target(%arg6 : memref<128xi32, #tpu.memory_space<vmem>>) target_semaphore(%run_scoped3A : memref<!tpu.dma_semaphore, #tpu.memory_space<semaphore_mem>>)
      %dma_wait3A = tpu.memref_slice %arg3[%mul3A_2] : memref<4096xi32, #tpu.memory_space<hbm>> -> memref<128xi32, #tpu.memory_space<hbm>>
      %dma_wait3A_18 = tpu.memref_slice %arg3[%mul3A_2] : memref<4096xi32, #tpu.memory_space<hbm>> -> memref<128xi32, #tpu.memory_space<hbm>>
      tpu.wait_dma2 semaphore(%run_scoped3A : memref<!tpu.dma_semaphore, #tpu.memory_space<semaphore_mem>>) src(%dma_wait3A_18 : memref<128xi32, #tpu.memory_space<hbm>>) dst(%arg6 : memref<128xi32, #tpu.memory_space<vmem>>)
      tpu.yield
    }) : () -> ()
    "tpu.region"() ({
      %run_scoped3A = tpu.sem_alloc : memref<!tpu.dma_semaphore, #tpu.memory_space<semaphore_mem>>
      %dma_start3A_16 = tpu.memref_slice %arg4[%mul3A_2] : memref<4096xi32, #tpu.memory_space<hbm>> -> memref<128xi32, #tpu.memory_space<hbm>>
      %dma_start3A_17 = tpu.memref_slice %arg4[%mul3A_2] : memref<4096xi32, #tpu.memory_space<hbm>> -> memref<128xi32, #tpu.memory_space<hbm>>
      tpu.enqueue_dma source(%dma_start3A_17 : memref<128xi32, #tpu.memory_space<hbm>>) target(%arg7 : memref<128xi32, #tpu.memory_space<vmem>>) target_semaphore(%run_scoped3A : memref<!tpu.dma_semaphore, #tpu.memory_space<semaphore_mem>>)
      %dma_wait3A = tpu.memref_slice %arg4[%mul3A_2] : memref<4096xi32, #tpu.memory_space<hbm>> -> memref<128xi32, #tpu.memory_space<hbm>>
      %dma_wait3A_18 = tpu.memref_slice %arg4[%mul3A_2] : memref<4096xi32, #tpu.memory_space<hbm>> -> memref<128xi32, #tpu.memory_space<hbm>>
      tpu.wait_dma2 semaphore(%run_scoped3A : memref<!tpu.dma_semaphore, #tpu.memory_space<semaphore_mem>>) src(%dma_wait3A_18 : memref<128xi32, #tpu.memory_space<hbm>>) dst(%arg7 : memref<128xi32, #tpu.memory_space<vmem>>)
      tpu.yield
    }) : () -> ()
    %get3A = arith.constant 0 : index
    %get3A_3 = tpu.vector_load %arg6[%get3A] {strides = array<i32>} : memref<128xi32, #tpu.memory_space<vmem>>, vector<16xi32>,
    %get3A_4 = arith.constant 0 : index
    %get3A_5 = tpu.vector_load %arg7[%get3A_4] {strides = array<i32>} : memref<128xi32, #tpu.memory_space<vmem>>, vector<16xi32>,
    %dma_start3A = arith.constant 0 : i32
    %dma_start3A_6 = arith.constant 0 : i32
    %dma_start3A_7 = tpu.memref_slice %arg2[%dma_start3A, %dma_start3A_6] : memref<9216x1024xf32, #tpu.memory_space<hbm>> -> memref<9216x1024xf32, #tpu.memory_space<hbm>>
    tpu.enqueue_indirect_dma source(%dma_start3A_7 : memref<9216x1024xf32, #tpu.memory_space<hbm>>) target(%arg8 : memref<16x1024xf32, #tpu.memory_space<vmem>>) offsets(%get3A_3 : vector<16xi32>) semaphore(%arg12 : memref<!tpu.dma_semaphore, #tpu.memory_space<semaphore_mem>>)
    %dma_start3A_8 = arith.constant 0 : i32
    %dma_start3A_9 = arith.constant 0 : i32
    %dma_start3A_10 = tpu.memref_slice %arg2[%dma_start3A_8, %dma_start3A_9] : memref<9216x1024xf32, #tpu.memory_space<hbm>> -> memref<9216x1024xf32, #tpu.memory_space<hbm>>
    tpu.enqueue_indirect_dma source(%dma_start3A_10 : memref<9216x1024xf32, #tpu.memory_space<hbm>>) target(%arg9 : memref<16x1024xf32, #tpu.memory_space<vmem>>) offsets(%get3A_5 : vector<16xi32>) semaphore(%arg12 : memref<!tpu.dma_semaphore, #tpu.memory_space<semaphore_mem>>)
    %scan3A = arith.constant 0 : i32
    %scan3A_11 = arith.constant 0 : i32
    %scan3A_12 = arith.constant 4 : i32
    %scan3A_13 = arith.addi %scan3A_11, %scan3A_12 : i32
    %scan3A_14 = arith.constant 1 : i32
    scf.for %scan3A_16 = %scan3A_11 to %scan3A_13 step %scan3A_14  : i32 {
      %mul3A_17 = arith.constant 2 : i32
      %mul3A_18 = arith.muli %mul3A_17, %scan3A_16 : i32
      %add3A_19 = arith.constant 1 : i32
      %add3A_20 = arith.addi %mul3A_18, %add3A_19 : i32
      %mul3A_21 = arith.constant 16 : i32
      %mul3A_22 = arith.muli %add3A_20, %mul3A_21 : i32
      %get3A_23 = arith.index_cast %mul3A_22 : i32 to index
      %get3A_24 = tpu.vector_load %arg6[%get3A_23] {strides = array<i32>} : memref<128xi32, #tpu.memory_space<vmem>>, vector<16xi32>,
      %mul3A_25 = arith.constant 16 : i32
      %mul3A_26 = arith.muli %add3A_20, %mul3A_25 : i32
      %get3A_27 = arith.index_cast %mul3A_26 : i32 to index
      %get3A_28 = tpu.vector_load %arg7[%get3A_27] {strides = array<i32>} : memref<128xi32, #tpu.memory_space<vmem>>, vector<16xi32>,
      %dma_start3A_29 = arith.constant 0 : i32
      %dma_start3A_30 = arith.constant 0 : i32
      %dma_start3A_31 = tpu.memref_slice %arg2[%dma_start3A_29, %dma_start3A_30] : memref<9216x1024xf32, #tpu.memory_space<hbm>> -> memref<9216x1024xf32, #tpu.memory_space<hbm>>
      tpu.enqueue_indirect_dma source(%dma_start3A_31 : memref<9216x1024xf32, #tpu.memory_space<hbm>>) target(%arg10 : memref<16x1024xf32, #tpu.memory_space<vmem>>) offsets(%get3A_24 : vector<16xi32>) semaphore(%arg13 : memref<!tpu.dma_semaphore, #tpu.memory_space<semaphore_mem>>)
      %dma_start3A_32 = arith.constant 0 : i32
      %dma_start3A_33 = arith.constant 0 : i32
      %dma_start3A_34 = tpu.memref_slice %arg2[%dma_start3A_32, %dma_start3A_33] : memref<9216x1024xf32, #tpu.memory_space<hbm>> -> memref<9216x1024xf32, #tpu.memory_space<hbm>>
      tpu.enqueue_indirect_dma source(%dma_start3A_34 : memref<9216x1024xf32, #tpu.memory_space<hbm>>) target(%arg11 : memref<16x1024xf32, #tpu.memory_space<vmem>>) offsets(%get3A_28 : vector<16xi32>) semaphore(%arg13 : memref<!tpu.dma_semaphore, #tpu.memory_space<semaphore_mem>>)
      %dma_wait3A = arith.constant 0 : i32
      %dma_wait3A_35 = arith.constant 0 : i32
      %dma_wait3A_36 = tpu.memref_slice %arg2[%dma_wait3A, %dma_wait3A_35] : memref<9216x1024xf32, #tpu.memory_space<hbm>> -> memref<16x1024xf32, #tpu.memory_space<hbm>>
      %dma_wait3A_37 = arith.constant 0 : i32
      %dma_wait3A_38 = arith.constant 0 : i32
      %dma_wait3A_39 = tpu.memref_slice %arg2[%dma_wait3A_37, %dma_wait3A_38] : memref<9216x1024xf32, #tpu.memory_space<hbm>> -> memref<16x1024xf32, #tpu.memory_space<hbm>>
      tpu.wait_dma2 semaphore(%arg12 : memref<!tpu.dma_semaphore, #tpu.memory_space<semaphore_mem>>) src(%dma_wait3A_39 : memref<16x1024xf32, #tpu.memory_space<hbm>>) dst(%arg8 : memref<16x1024xf32, #tpu.memory_space<vmem>>)
      %dma_wait3A_40 = arith.constant 0 : i32
      %dma_wait3A_41 = arith.constant 0 : i32
      %dma_wait3A_42 = tpu.memref_slice %arg2[%dma_wait3A_40, %dma_wait3A_41] : memref<9216x1024xf32, #tpu.memory_space<hbm>> -> memref<16x1024xf32, #tpu.memory_space<hbm>>
      %dma_wait3A_43 = arith.constant 0 : i32
      %dma_wait3A_44 = arith.constant 0 : i32
      %dma_wait3A_45 = tpu.memref_slice %arg2[%dma_wait3A_43, %dma_wait3A_44] : memref<9216x1024xf32, #tpu.memory_space<hbm>> -> memref<16x1024xf32, #tpu.memory_space<hbm>>
      tpu.wait_dma2 semaphore(%arg12 : memref<!tpu.dma_semaphore, #tpu.memory_space<semaphore_mem>>) src(%dma_wait3A_45 : memref<16x1024xf32, #tpu.memory_space<hbm>>) dst(%arg9 : memref<16x1024xf32, #tpu.memory_space<vmem>>)
      %scan3A_46 = arith.constant 0 : i32
      %scan3A_47 = arith.constant 0 : i32
      %scan3A_48 = arith.constant 16 : i32
      %scan3A_49 = arith.addi %scan3A_47, %scan3A_48 : i32
      %scan3A_50 = arith.constant 1 : i32
      scf.for %scan3A_80 = %scan3A_47 to %scan3A_49 step %scan3A_50  : i32 {
        %scan3A_81 = arith.constant 0 : i32
        %scan3A_82 = arith.constant 0 : i32
        %scan3A_83 = arith.constant 64 : i32
        %scan3A_84 = arith.addi %scan3A_82, %scan3A_83 : i32
        %scan3A_85 = arith.constant 4 : i32
        scf.for %scan3A_87 = %scan3A_82 to %scan3A_84 step %scan3A_85  : i32 {
          %mul3A_88 = arith.constant 16 : i32
          %mul3A_89 = arith.muli %scan3A_87, %mul3A_88 : i32
          %get3A_90 = arith.index_cast %scan3A_80 : i32 to index
          %get3A_91 = arith.index_cast %mul3A_89 : i32 to index
          %get3A_92 = tpu.vector_load %arg8[%get3A_90, %get3A_91] {strides = array<i32>} : memref<16x1024xf32, #tpu.memory_space<vmem>>, vector<16xf32>,
          %get3A_93 = arith.index_cast %scan3A_80 : i32 to index
          %get3A_94 = arith.index_cast %mul3A_89 : i32 to index
          %get3A_95 = tpu.vector_load %arg9[%get3A_93, %get3A_94] {strides = array<i32>} : memref<16x1024xf32, #tpu.memory_space<vmem>>, vector<16xf32>,
          %add3A_96 = arith.addf %get3A_92, %get3A_95 : vector<16xf32>
          %swap3A = arith.index_cast %scan3A_80 : i32 to index
          %swap3A_97 = arith.index_cast %mul3A_89 : i32 to index
          %swap3A_98 = tpu.vector_load %arg8[%swap3A, %swap3A_97] {strides = array<i32>} : memref<16x1024xf32, #tpu.memory_space<vmem>>, vector<16xf32>,
          tpu.vector_store %arg8[%swap3A, %swap3A_97], %add3A_96 {strides = array<i32>} : memref<16x1024xf32, #tpu.memory_space<vmem>>, vector<16xf32>,
          %scan3A_99 = arith.constant 1 : i32
          %scan3A_100 = arith.addi %scan3A_87, %scan3A_99 : i32
          %mul3A_101 = arith.constant 16 : i32
          %mul3A_102 = arith.muli %scan3A_100, %mul3A_101 : i32
          %get3A_103 = arith.index_cast %scan3A_80 : i32 to index
          %get3A_104 = arith.index_cast %mul3A_102 : i32 to index
          %get3A_105 = tpu.vector_load %arg8[%get3A_103, %get3A_104] {strides = array<i32>} : memref<16x1024xf32, #tpu.memory_space<vmem>>, vector<16xf32>,
          %get3A_106 = arith.index_cast %scan3A_80 : i32 to index
          %get3A_107 = arith.index_cast %mul3A_102 : i32 to index
          %get3A_108 = tpu.vector_load %arg9[%get3A_106, %get3A_107] {strides = array<i32>} : memref<16x1024xf32, #tpu.memory_space<vmem>>, vector<16xf32>,
          %add3A_109 = arith.addf %get3A_105, %get3A_108 : vector<16xf32>
          %swap3A_110 = arith.index_cast %scan3A_80 : i32 to index
          %swap3A_111 = arith.index_cast %mul3A_102 : i32 to index
          %swap3A_112 = tpu.vector_load %arg8[%swap3A_110, %swap3A_111] {strides = array<i32>} : memref<16x1024xf32, #tpu.memory_space<vmem>>, vector<16xf32>,
          tpu.vector_store %arg8[%swap3A_110, %swap3A_111], %add3A_109 {strides = array<i32>} : memref<16x1024xf32, #tpu.memory_space<vmem>>, vector<16xf32>,
          %scan3A_113 = arith.constant 2 : i32
          %scan3A_114 = arith.addi %scan3A_87, %scan3A_113 : i32
          %mul3A_115 = arith.constant 16 : i32
          %mul3A_116 = arith.muli %scan3A_114, %mul3A_115 : i32
          %get3A_117 = arith.index_cast %scan3A_80 : i32 to index
          %get3A_118 = arith.index_cast %mul3A_116 : i32 to index
          %get3A_119 = tpu.vector_load %arg8[%get3A_117, %get3A_118] {strides = array<i32>} : memref<16x1024xf32, #tpu.memory_space<vmem>>, vector<16xf32>,
          %get3A_120 = arith.index_cast %scan3A_80 : i32 to index
          %get3A_121 = arith.index_cast %mul3A_116 : i32 to index
          %get3A_122 = tpu.vector_load %arg9[%get3A_120, %get3A_121] {strides = array<i32>} : memref<16x1024xf32, #tpu.memory_space<vmem>>, vector<16xf32>,
          %add3A_123 = arith.addf %get3A_119, %get3A_122 : vector<16xf32>
          %swap3A_124 = arith.index_cast %scan3A_80 : i32 to index
          %swap3A_125 = arith.index_cast %mul3A_116 : i32 to index
          %swap3A_126 = tpu.vector_load %arg8[%swap3A_124, %swap3A_125] {strides = array<i32>} : memref<16x1024xf32, #tpu.memory_space<vmem>>, vector<16xf32>,
          tpu.vector_store %arg8[%swap3A_124, %swap3A_125], %add3A_123 {strides = array<i32>} : memref<16x1024xf32, #tpu.memory_space<vmem>>, vector<16xf32>,
          %scan3A_127 = arith.constant 3 : i32
          %scan3A_128 = arith.addi %scan3A_87, %scan3A_127 : i32
          %mul3A_129 = arith.constant 16 : i32
          %mul3A_130 = arith.muli %scan3A_128, %mul3A_129 : i32
          %get3A_131 = arith.index_cast %scan3A_80 : i32 to index
          %get3A_132 = arith.index_cast %mul3A_130 : i32 to index
          %get3A_133 = tpu.vector_load %arg8[%get3A_131, %get3A_132] {strides = array<i32>} : memref<16x1024xf32, #tpu.memory_space<vmem>>, vector<16xf32>,
          %get3A_134 = arith.index_cast %scan3A_80 : i32 to index
          %get3A_135 = arith.index_cast %mul3A_130 : i32 to index
          %get3A_136 = tpu.vector_load %arg9[%get3A_134, %get3A_135] {strides = array<i32>} : memref<16x1024xf32, #tpu.memory_space<vmem>>, vector<16xf32>,
          %add3A_137 = arith.addf %get3A_133, %get3A_136 : vector<16xf32>
          %swap3A_138 = arith.index_cast %scan3A_80 : i32 to index
          %swap3A_139 = arith.index_cast %mul3A_130 : i32 to index
          %swap3A_140 = tpu.vector_load %arg8[%swap3A_138, %swap3A_139] {strides = array<i32>} : memref<16x1024xf32, #tpu.memory_space<vmem>>, vector<16xf32>,
          tpu.vector_store %arg8[%swap3A_138, %swap3A_139], %add3A_137 {strides = array<i32>} : memref<16x1024xf32, #tpu.memory_space<vmem>>, vector<16xf32>,
        }
        %scan3A_86 = arith.constant 64 : i32
      }
      %scan3A_51 = arith.constant 16 : i32
      %mul3A_52 = arith.constant 16 : i32
      %mul3A_53 = arith.muli %mul3A_18, %mul3A_52 : i32
      %add3A_54 = arith.addi %mul3A_2, %mul3A_53 : i32
      "tpu.region"() ({
        %run_scoped3A = tpu.sem_alloc : memref<!tpu.dma_semaphore, #tpu.memory_space<semaphore_mem>>
        %dma_start3A_80 = arith.constant 0 : i32
        %dma_start3A_81 = tpu.memref_slice %arg5[%add3A_54, %dma_start3A_80] : memref<4096x1024xf32, #tpu.memory_space<hbm>> -> memref<16x1024xf32, #tpu.memory_space<hbm>>
        %dma_start3A_82 = arith.constant 0 : i32
        %dma_start3A_83 = tpu.memref_slice %arg5[%add3A_54, %dma_start3A_82] : memref<4096x1024xf32, #tpu.memory_space<hbm>> -> memref<16x1024xf32, #tpu.memory_space<hbm>>
        tpu.enqueue_dma source(%arg8 : memref<16x1024xf32, #tpu.memory_space<vmem>>) target(%dma_start3A_83 : memref<16x1024xf32, #tpu.memory_space<hbm>>) target_semaphore(%run_scoped3A : memref<!tpu.dma_semaphore, #tpu.memory_space<semaphore_mem>>)
        %dma_wait3A_84 = arith.constant 0 : i32
        %dma_wait3A_85 = tpu.memref_slice %arg5[%add3A_54, %dma_wait3A_84] : memref<4096x1024xf32, #tpu.memory_space<hbm>> -> memref<16x1024xf32, #tpu.memory_space<hbm>>
        %dma_wait3A_86 = arith.constant 0 : i32
        %dma_wait3A_87 = tpu.memref_slice %arg5[%add3A_54, %dma_wait3A_86] : memref<4096x1024xf32, #tpu.memory_space<hbm>> -> memref<16x1024xf32, #tpu.memory_space<hbm>>
        tpu.wait_dma2 semaphore(%run_scoped3A : memref<!tpu.dma_semaphore, #tpu.memory_space<semaphore_mem>>) src(%arg8 : memref<16x1024xf32, #tpu.memory_space<vmem>>) dst(%dma_wait3A_87 : memref<16x1024xf32, #tpu.memory_space<hbm>>)
        tpu.yield
      }) : () -> ()
      %lt3A = arith.constant 3 : i32
      %lt3A_55 = arith.cmpi slt, %scan3A_16, %lt3A : i32
      %convert_element_type3A = arith.extui %lt3A_55 : i1 to i32
      %cond3A = arith.constant 0 : i32
      %cond3A_56 = arith.cmpi ne, %convert_element_type3A, %cond3A : i32
      scf.if %cond3A_56 {
        %add3A_80 = arith.constant 2 : i32
        %add3A_81 = arith.addi %mul3A_18, %add3A_80 : i32
        %mul3A_82 = arith.constant 16 : i32
        %mul3A_83 = arith.muli %add3A_81, %mul3A_82 : i32
        %get3A_84 = arith.index_cast %mul3A_83 : i32 to index
        %get3A_85 = tpu.vector_load %arg6[%get3A_84] {strides = array<i32>} : memref<128xi32, #tpu.memory_space<vmem>>, vector<16xi32>,
        %mul3A_86 = arith.constant 16 : i32
        %mul3A_87 = arith.muli %add3A_81, %mul3A_86 : i32
        %get3A_88 = arith.index_cast %mul3A_87 : i32 to index
        %get3A_89 = tpu.vector_load %arg7[%get3A_88] {strides = array<i32>} : memref<128xi32, #tpu.memory_space<vmem>>, vector<16xi32>,
        %dma_start3A_90 = arith.constant 0 : i32
        %dma_start3A_91 = arith.constant 0 : i32
        %dma_start3A_92 = tpu.memref_slice %arg2[%dma_start3A_90, %dma_start3A_91] : memref<9216x1024xf32, #tpu.memory_space<hbm>> -> memref<9216x1024xf32, #tpu.memory_space<hbm>>
        tpu.enqueue_indirect_dma source(%dma_start3A_92 : memref<9216x1024xf32, #tpu.memory_space<hbm>>) target(%arg8 : memref<16x1024xf32, #tpu.memory_space<vmem>>) offsets(%get3A_85 : vector<16xi32>) semaphore(%arg12 : memref<!tpu.dma_semaphore, #tpu.memory_space<semaphore_mem>>)
        %dma_start3A_93 = arith.constant 0 : i32
        %dma_start3A_94 = arith.constant 0 : i32
        %dma_start3A_95 = tpu.memref_slice %arg2[%dma_start3A_93, %dma_start3A_94] : memref<9216x1024xf32, #tpu.memory_space<hbm>> -> memref<9216x1024xf32, #tpu.memory_space<hbm>>
        tpu.enqueue_indirect_dma source(%dma_start3A_95 : memref<9216x1024xf32, #tpu.memory_space<hbm>>) target(%arg9 : memref<16x1024xf32, #tpu.memory_space<vmem>>) offsets(%get3A_89 : vector<16xi32>) semaphore(%arg12 : memref<!tpu.dma_semaphore, #tpu.memory_space<semaphore_mem>>)
      } else {
      }
      %add3A_57 = arith.constant 1 : i32
      %add3A_58 = arith.addi %mul3A_18, %add3A_57 : i32
      %dma_wait3A_59 = arith.constant 0 : i32
      %dma_wait3A_60 = arith.constant 0 : i32
      %dma_wait3A_61 = tpu.memref_slice %arg2[%dma_wait3A_59, %dma_wait3A_60] : memref<9216x1024xf32, #tpu.memory_space<hbm>> -> memref<16x1024xf32, #tpu.memory_space<hbm>>
      %dma_wait3A_62 = arith.constant 0 : i32
      %dma_wait3A_63 = arith.constant 0 : i32
      %dma_wait3A_64 = tpu.memref_slice %arg2[%dma_wait3A_62, %dma_wait3A_63] : memref<9216x1024xf32, #tpu.memory_space<hbm>> -> memref<16x1024xf32, #tpu.memory_space<hbm>>
      tpu.wait_dma2 semaphore(%arg13 : memref<!tpu.dma_semaphore, #tpu.memory_space<semaphore_mem>>) src(%dma_wait3A_64 : memref<16x1024xf32, #tpu.memory_space<hbm>>) dst(%arg10 : memref<16x1024xf32, #tpu.memory_space<vmem>>)
      %dma_wait3A_65 = arith.constant 0 : i32
      %dma_wait3A_66 = arith.constant 0 : i32
      %dma_wait3A_67 = tpu.memref_slice %arg2[%dma_wait3A_65, %dma_wait3A_66] : memref<9216x1024xf32, #tpu.memory_space<hbm>> -> memref<16x1024xf32, #tpu.memory_space<hbm>>
      %dma_wait3A_68 = arith.constant 0 : i32
      %dma_wait3A_69 = arith.constant 0 : i32
      %dma_wait3A_70 = tpu.memref_slice %arg2[%dma_wait3A_68, %dma_wait3A_69] : memref<9216x1024xf32, #tpu.memory_space<hbm>> -> memref<16x1024xf32, #tpu.memory_space<hbm>>
      tpu.wait_dma2 semaphore(%arg13 : memref<!tpu.dma_semaphore, #tpu.memory_space<semaphore_mem>>) src(%dma_wait3A_70 : memref<16x1024xf32, #tpu.memory_space<hbm>>) dst(%arg11 : memref<16x1024xf32, #tpu.memory_space<vmem>>)
      %scan3A_71 = arith.constant 0 : i32
      %scan3A_72 = arith.constant 0 : i32
      %scan3A_73 = arith.constant 16 : i32
      %scan3A_74 = arith.addi %scan3A_72, %scan3A_73 : i32
      %scan3A_75 = arith.constant 1 : i32
      scf.for %scan3A_80 = %scan3A_72 to %scan3A_74 step %scan3A_75  : i32 {
        %scan3A_81 = arith.constant 0 : i32
        %scan3A_82 = arith.constant 0 : i32
        %scan3A_83 = arith.constant 64 : i32
        %scan3A_84 = arith.addi %scan3A_82, %scan3A_83 : i32
        %scan3A_85 = arith.constant 4 : i32
        scf.for %scan3A_87 = %scan3A_82 to %scan3A_84 step %scan3A_85  : i32 {
          %mul3A_88 = arith.constant 16 : i32
          %mul3A_89 = arith.muli %scan3A_87, %mul3A_88 : i32
          %get3A_90 = arith.index_cast %scan3A_80 : i32 to index
          %get3A_91 = arith.index_cast %mul3A_89 : i32 to index
          %get3A_92 = tpu.vector_load %arg10[%get3A_90, %get3A_91] {strides = array<i32>} : memref<16x1024xf32, #tpu.memory_space<vmem>>, vector<16xf32>,
          %get3A_93 = arith.index_cast %scan3A_80 : i32 to index
          %get3A_94 = arith.index_cast %mul3A_89 : i32 to index
          %get3A_95 = tpu.vector_load %arg11[%get3A_93, %get3A_94] {strides = array<i32>} : memref<16x1024xf32, #tpu.memory_space<vmem>>, vector<16xf32>,
          %add3A_96 = arith.addf %get3A_92, %get3A_95 : vector<16xf32>
          %swap3A = arith.index_cast %scan3A_80 : i32 to index
          %swap3A_97 = arith.index_cast %mul3A_89 : i32 to index
          %swap3A_98 = tpu.vector_load %arg10[%swap3A, %swap3A_97] {strides = array<i32>} : memref<16x1024xf32, #tpu.memory_space<vmem>>, vector<16xf32>,
          tpu.vector_store %arg10[%swap3A, %swap3A_97], %add3A_96 {strides = array<i32>} : memref<16x1024xf32, #tpu.memory_space<vmem>>, vector<16xf32>,
          %scan3A_99 = arith.constant 1 : i32
          %scan3A_100 = arith.addi %scan3A_87, %scan3A_99 : i32
          %mul3A_101 = arith.constant 16 : i32
          %mul3A_102 = arith.muli %scan3A_100, %mul3A_101 : i32
          %get3A_103 = arith.index_cast %scan3A_80 : i32 to index
          %get3A_104 = arith.index_cast %mul3A_102 : i32 to index
          %get3A_105 = tpu.vector_load %arg10[%get3A_103, %get3A_104] {strides = array<i32>} : memref<16x1024xf32, #tpu.memory_space<vmem>>, vector<16xf32>,
          %get3A_106 = arith.index_cast %scan3A_80 : i32 to index
          %get3A_107 = arith.index_cast %mul3A_102 : i32 to index
          %get3A_108 = tpu.vector_load %arg11[%get3A_106, %get3A_107] {strides = array<i32>} : memref<16x1024xf32, #tpu.memory_space<vmem>>, vector<16xf32>,
          %add3A_109 = arith.addf %get3A_105, %get3A_108 : vector<16xf32>
          %swap3A_110 = arith.index_cast %scan3A_80 : i32 to index
          %swap3A_111 = arith.index_cast %mul3A_102 : i32 to index
          %swap3A_112 = tpu.vector_load %arg10[%swap3A_110, %swap3A_111] {strides = array<i32>} : memref<16x1024xf32, #tpu.memory_space<vmem>>, vector<16xf32>,
          tpu.vector_store %arg10[%swap3A_110, %swap3A_111], %add3A_109 {strides = array<i32>} : memref<16x1024xf32, #tpu.memory_space<vmem>>, vector<16xf32>,
          %scan3A_113 = arith.constant 2 : i32
          %scan3A_114 = arith.addi %scan3A_87, %scan3A_113 : i32
          %mul3A_115 = arith.constant 16 : i32
          %mul3A_116 = arith.muli %scan3A_114, %mul3A_115 : i32
          %get3A_117 = arith.index_cast %scan3A_80 : i32 to index
          %get3A_118 = arith.index_cast %mul3A_116 : i32 to index
          %get3A_119 = tpu.vector_load %arg10[%get3A_117, %get3A_118] {strides = array<i32>} : memref<16x1024xf32, #tpu.memory_space<vmem>>, vector<16xf32>,
          %get3A_120 = arith.index_cast %scan3A_80 : i32 to index
          %get3A_121 = arith.index_cast %mul3A_116 : i32 to index
          %get3A_122 = tpu.vector_load %arg11[%get3A_120, %get3A_121] {strides = array<i32>} : memref<16x1024xf32, #tpu.memory_space<vmem>>, vector<16xf32>,
          %add3A_123 = arith.addf %get3A_119, %get3A_122 : vector<16xf32>
          %swap3A_124 = arith.index_cast %scan3A_80 : i32 to index
          %swap3A_125 = arith.index_cast %mul3A_116 : i32 to index
          %swap3A_126 = tpu.vector_load %arg10[%swap3A_124, %swap3A_125] {strides = array<i32>} : memref<16x1024xf32, #tpu.memory_space<vmem>>, vector<16xf32>,
          tpu.vector_store %arg10[%swap3A_124, %swap3A_125], %add3A_123 {strides = array<i32>} : memref<16x1024xf32, #tpu.memory_space<vmem>>, vector<16xf32>,
          %scan3A_127 = arith.constant 3 : i32
          %scan3A_128 = arith.addi %scan3A_87, %scan3A_127 : i32
          %mul3A_129 = arith.constant 16 : i32
          %mul3A_130 = arith.muli %scan3A_128, %mul3A_129 : i32
          %get3A_131 = arith.index_cast %scan3A_80 : i32 to index
          %get3A_132 = arith.index_cast %mul3A_130 : i32 to index
          %get3A_133 = tpu.vector_load %arg10[%get3A_131, %get3A_132] {strides = array<i32>} : memref<16x1024xf32, #tpu.memory_space<vmem>>, vector<16xf32>,
          %get3A_134 = arith.index_cast %scan3A_80 : i32 to index
          %get3A_135 = arith.index_cast %mul3A_130 : i32 to index
          %get3A_136 = tpu.vector_load %arg11[%get3A_134, %get3A_135] {strides = array<i32>} : memref<16x1024xf32, #tpu.memory_space<vmem>>, vector<16xf32>,
          %add3A_137 = arith.addf %get3A_133, %get3A_136 : vector<16xf32>
          %swap3A_138 = arith.index_cast %scan3A_80 : i32 to index
          %swap3A_139 = arith.index_cast %mul3A_130 : i32 to index
          %swap3A_140 = tpu.vector_load %arg10[%swap3A_138, %swap3A_139] {strides = array<i32>} : memref<16x1024xf32, #tpu.memory_space<vmem>>, vector<16xf32>,
          tpu.vector_store %arg10[%swap3A_138, %swap3A_139], %add3A_137 {strides = array<i32>} : memref<16x1024xf32, #tpu.memory_space<vmem>>, vector<16xf32>,
        }
        %scan3A_86 = arith.constant 64 : i32
      }
      %scan3A_76 = arith.constant 16 : i32
      %mul3A_77 = arith.constant 16 : i32
      %mul3A_78 = arith.muli %add3A_58, %mul3A_77 : i32
      %add3A_79 = arith.addi %mul3A_2, %mul3A_78 : i32
      "tpu.region"() ({
        %run_scoped3A = tpu.sem_alloc : memref<!tpu.dma_semaphore, #tpu.memory_space<semaphore_mem>>
        %dma_start3A_80 = arith.constant 0 : i32
        %dma_start3A_81 = tpu.memref_slice %arg5[%add3A_79, %dma_start3A_80] : memref<4096x1024xf32, #tpu.memory_space<hbm>> -> memref<16x1024xf32, #tpu.memory_space<hbm>>
        %dma_start3A_82 = arith.constant 0 : i32
        %dma_start3A_83 = tpu.memref_slice %arg5[%add3A_79, %dma_start3A_82] : memref<4096x1024xf32, #tpu.memory_space<hbm>> -> memref<16x1024xf32, #tpu.memory_space<hbm>>
        tpu.enqueue_dma source(%arg10 : memref<16x1024xf32, #tpu.memory_space<vmem>>) target(%dma_start3A_83 : memref<16x1024xf32, #tpu.memory_space<hbm>>) target_semaphore(%run_scoped3A : memref<!tpu.dma_semaphore, #tpu.memory_space<semaphore_mem>>)
        %dma_wait3A_84 = arith.constant 0 : i32
        %dma_wait3A_85 = tpu.memref_slice %arg5[%add3A_79, %dma_wait3A_84] : memref<4096x1024xf32, #tpu.memory_space<hbm>> -> memref<16x1024xf32, #tpu.memory_space<hbm>>
        %dma_wait3A_86 = arith.constant 0 : i32
        %dma_wait3A_87 = tpu.memref_slice %arg5[%add3A_79, %dma_wait3A_86] : memref<4096x1024xf32, #tpu.memory_space<hbm>> -> memref<16x1024xf32, #tpu.memory_space<hbm>>
        tpu.wait_dma2 semaphore(%run_scoped3A : memref<!tpu.dma_semaphore, #tpu.memory_space<semaphore_mem>>) src(%arg10 : memref<16x1024xf32, #tpu.memory_space<vmem>>) dst(%dma_wait3A_87 : memref<16x1024xf32, #tpu.memory_space<hbm>>)
        tpu.yield
      }) : () -> ()
    }
    %scan3A_15 = arith.constant 4 : i32
    return
  }
}

module attributes {stable_mosaic.version = 14 : i64} {
  func.func @_router_body(%arg0: i32, %arg1: memref<512x1024xf32, #tpu.memory_space<vmem>>, %arg2: memref<1024x8xf32, #tpu.memory_space<vmem>>, %arg3: memref<1x8xf32, #tpu.memory_space<vmem>>, %arg4: memref<512x2xi32, #tpu.memory_space<vmem>>, %arg5: memref<512x2xf32, #tpu.memory_space<vmem>>, %arg6: memref<512x512xi32, #tpu.memory_space<vmem>>) attributes {dimension_semantics = [#tpu.dimension_semantics<arbitrary>], iteration_bounds = array<i64: 8>, scalar_prefetch = 0 : i64, scratch_operands = 0 : i64, tpu.core_type = #tpu.core_type<tc>, window_params = [{transform_indices = @transform_0, window_bounds = array<i64: 512, 1024>}, {pipeline_mode = #tpu.pipeline_mode<synchronous>, transform_indices = @transform_1, window_bounds = array<i64: 1024, 8>}, {pipeline_mode = #tpu.pipeline_mode<synchronous>, transform_indices = @transform_2, window_bounds = array<i64: 1, 8>}, {transform_indices = @transform_3, window_bounds = array<i64: 512, 2>}, {transform_indices = @transform_4, window_bounds = array<i64: 512, 2>}, {transform_indices = @transform_5, window_bounds = array<i64: 512, 512>}]} {
    %get3A = arith.constant 0 : index
    %get3A_0 = arith.constant 0 : index
    %get3A_1 = vector.load %arg1[%get3A, %get3A_0] : memref<512x1024xf32, #tpu.memory_space<vmem>>, vector<512x1024xf32>
    %get3A_2 = arith.constant 0 : index
    %get3A_3 = arith.constant 0 : index
    %get3A_4 = vector.load %arg2[%get3A_2, %get3A_3] : memref<1024x8xf32, #tpu.memory_space<vmem>>, vector<1024x8xf32>
    %dot_general3A = arith.constant dense<0.000000e+00> : vector<512x8xf32>
    %dot_general3A_5 = tpu.matmul %get3A_1, %get3A_4, %dot_general3A {dimension_numbers = #tpu.dot_dimension_numbers<[1], [0], [0], [1], [0, 0, 1, 1], [], []>, transpose_lhs_hint = false} : vector<512x1024xf32>, vector<1024x8xf32>, vector<512x8xf32> -> vector<512x8xf32>
    %get3A_6 = arith.constant 0 : index
    %get3A_7 = arith.constant 0 : index
    %get3A_8 = vector.load %arg3[%get3A_6, %get3A_7] : memref<1x8xf32, #tpu.memory_space<vmem>>, vector<1x8xf32>
    %add3A = vector.broadcast %get3A_8 : vector<1x8xf32> to vector<512x8xf32>
    %add3A_9 = arith.addf %dot_general3A_5, %add3A : vector<512x8xf32>
    %bitcast_convert_type3A = tpu.bitcast %get3A_1 : vector<512x1024xf32> -> vector<512x1024xi32>
    %add3A_10 = arith.constant 32767 : i32
    %add3A_11 = vector.broadcast %add3A_10 : i32 to vector<512x1024xi32>
    %add3A_12 = arith.addi %bitcast_convert_type3A, %add3A_11 : vector<512x1024xi32>
    %shift_right_arithmetic3A = arith.constant 16 : i32
    %shift_right_arithmetic3A_13 = vector.broadcast %shift_right_arithmetic3A : i32 to vector<512x1024xi32>
    %shift_right_arithmetic3A_14 = arith.shrsi %bitcast_convert_type3A, %shift_right_arithmetic3A_13 : vector<512x1024xi32>
    %and3A = arith.constant 1 : i32
    %and3A_15 = vector.broadcast %and3A : i32 to vector<512x1024xi32>
    %and3A_16 = arith.andi %shift_right_arithmetic3A_14, %and3A_15 : vector<512x1024xi32>
    %add3A_17 = arith.addi %add3A_12, %and3A_16 : vector<512x1024xi32>
    %slice3A = vector.extract_strided_slice %add3A_17 {offsets = [0, 0], sizes = [512, 512], strides = [1, 1]} : vector<512x1024xi32> to vector<512x512xi32>
    %shift_right_arithmetic3A_18 = arith.constant 16 : i32
    %shift_right_arithmetic3A_19 = vector.broadcast %shift_right_arithmetic3A_18 : i32 to vector<512x512xi32>
    %shift_right_arithmetic3A_20 = arith.shrsi %slice3A, %shift_right_arithmetic3A_19 : vector<512x512xi32>
    %and3A_21 = arith.constant 65535 : i32
    %and3A_22 = vector.broadcast %and3A_21 : i32 to vector<512x512xi32>
    %and3A_23 = arith.andi %shift_right_arithmetic3A_20, %and3A_22 : vector<512x512xi32>
    %slice3A_24 = vector.extract_strided_slice %add3A_17 {offsets = [0, 512], sizes = [512, 512], strides = [1, 1]} : vector<512x1024xi32> to vector<512x512xi32>
    %and3A_25 = arith.constant -65536 : i32
    %and3A_26 = vector.broadcast %and3A_25 : i32 to vector<512x512xi32>
    %and3A_27 = arith.andi %slice3A_24, %and3A_26 : vector<512x512xi32>
    %or3A = arith.ori %and3A_23, %and3A_27 : vector<512x512xi32>
    %swap3A = arith.constant 0 : index
    %swap3A_28 = arith.constant 0 : index
    %swap3A_29 = vector.load %arg6[%swap3A, %swap3A_28] : memref<512x512xi32, #tpu.memory_space<vmem>>, vector<512x512xi32>
    tpu.vector_store %arg6[%swap3A, %swap3A_28], %or3A {strides = array<i32>} : memref<512x512xi32, #tpu.memory_space<vmem>>, vector<512x512xi32>,
    %reduce_max3A = arith.constant dense<0xFF800000> : vector<512xf32>
    %reduce_max3A_30 = vector.multi_reduction <maximumf>, %add3A_9, %reduce_max3A [1] : vector<512x8xf32> to vector<512xf32>
    %broadcast_in_dim3A = vector.shape_cast %reduce_max3A_30 : vector<512xf32> to vector<512x1xf32>
    %sub3A = vector.broadcast %broadcast_in_dim3A : vector<512x1xf32> to vector<512x8xf32>
    %sub3A_31 = arith.subf %add3A_9, %sub3A : vector<512x8xf32>
    %exp3A = math.exp %sub3A_31 : vector<512x8xf32>
    %reduce_sum3A = arith.constant dense<0.000000e+00> : vector<512xf32>
    %reduce_sum3A_32 = vector.multi_reduction <add>, %exp3A, %reduce_sum3A [1] : vector<512x8xf32> to vector<512xf32>
    %broadcast_in_dim3A_33 = vector.shape_cast %reduce_sum3A_32 : vector<512xf32> to vector<512x1xf32>
    %div3A = vector.broadcast %broadcast_in_dim3A_33 : vector<512x1xf32> to vector<512x8xf32>
    %div3A_34 = arith.divf %exp3A, %div3A : vector<512x8xf32>
    %iota3A = tpu.iota {dimensions = array<i32: 1>} : vector<512x8xi32>
    %reduce_max3A_35 = arith.constant dense<0xFF800000> : vector<512xf32>
    %reduce_max3A_36 = vector.multi_reduction <maximumf>, %div3A_34, %reduce_max3A_35 [1] : vector<512x8xf32> to vector<512xf32>
    %broadcast_in_dim3A_37 = vector.shape_cast %reduce_max3A_36 : vector<512xf32> to vector<512x1xf32>
    %eq3A = vector.broadcast %broadcast_in_dim3A_37 : vector<512x1xf32> to vector<512x8xf32>
    %eq3A_38 = arith.cmpf oeq, %div3A_34, %eq3A : vector<512x8xf32>
    %jit3A = arith.constant 8 : i32
    %broadcast_in_dim3A_39 = vector.broadcast %jit3A : i32 to vector<512x8xi32>
    %select_n3A = arith.select %eq3A_38, %iota3A, %broadcast_in_dim3A_39 : vector<512x8xi1>, vector<512x8xi32>
    %reduce_min3A = arith.constant dense<2147483647> : vector<512xi32>
    %reduce_min3A_40 = vector.multi_reduction <minsi>, %select_n3A, %reduce_min3A [1] : vector<512x8xi32> to vector<512xi32>
    %broadcast_in_dim3A_41 = vector.shape_cast %reduce_min3A_40 : vector<512xi32> to vector<512x1xi32>
    %eq3A_42 = vector.broadcast %broadcast_in_dim3A_41 : vector<512x1xi32> to vector<512x8xi32>
    %eq3A_43 = arith.cmpi eq, %iota3A, %eq3A_42 : vector<512x8xi32>
    %jit3A_44 = arith.constant 0xFF800000 : f32
    %broadcast_in_dim3A_45 = vector.broadcast %jit3A_44 : f32 to vector<512x8xf32>
    %select_n3A_46 = arith.select %eq3A_43, %broadcast_in_dim3A_45, %div3A_34 : vector<512x8xi1>, vector<512x8xf32>
    %reduce_max3A_47 = arith.constant dense<0xFF800000> : vector<512xf32>
    %reduce_max3A_48 = vector.multi_reduction <maximumf>, %select_n3A_46, %reduce_max3A_47 [1] : vector<512x8xf32> to vector<512xf32>
    %broadcast_in_dim3A_49 = vector.shape_cast %reduce_max3A_48 : vector<512xf32> to vector<512x1xf32>
    %eq3A_50 = vector.broadcast %broadcast_in_dim3A_49 : vector<512x1xf32> to vector<512x8xf32>
    %eq3A_51 = arith.cmpf oeq, %select_n3A_46, %eq3A_50 : vector<512x8xf32>
    %jit3A_52 = arith.constant 8 : i32
    %broadcast_in_dim3A_53 = vector.broadcast %jit3A_52 : i32 to vector<512x8xi32>
    %select_n3A_54 = arith.select %eq3A_51, %iota3A, %broadcast_in_dim3A_53 : vector<512x8xi1>, vector<512x8xi32>
    %reduce_min3A_55 = arith.constant dense<2147483647> : vector<512xi32>
    %reduce_min3A_56 = vector.multi_reduction <minsi>, %select_n3A_54, %reduce_min3A_55 [1] : vector<512x8xi32> to vector<512xi32>
    %broadcast_in_dim3A_57 = vector.shape_cast %reduce_min3A_56 : vector<512xi32> to vector<512x1xi32>
    %concatenate3A = tpu.concatenate %broadcast_in_dim3A_41, %broadcast_in_dim3A_57 in 1 : vector<512x1xi32>, vector<512x1xi32> -> vector<512x2xi32>
    %swap3A_58 = arith.constant 0 : index
    %swap3A_59 = arith.constant 0 : index
    %swap3A_60 = vector.load %arg4[%swap3A_58, %swap3A_59] : memref<512x2xi32, #tpu.memory_space<vmem>>, vector<512x2xi32>
    tpu.vector_store %arg4[%swap3A_58, %swap3A_59], %concatenate3A {strides = array<i32>} : memref<512x2xi32, #tpu.memory_space<vmem>>, vector<512x2xi32>,
    %concatenate3A_61 = tpu.concatenate %broadcast_in_dim3A_37, %broadcast_in_dim3A_49 in 1 : vector<512x1xf32>, vector<512x1xf32> -> vector<512x2xf32>
    %swap3A_62 = arith.constant 0 : index
    %swap3A_63 = arith.constant 0 : index
    %swap3A_64 = vector.load %arg5[%swap3A_62, %swap3A_63] : memref<512x2xf32, #tpu.memory_space<vmem>>, vector<512x2xf32>
    tpu.vector_store %arg5[%swap3A_62, %swap3A_63], %concatenate3A_61 {strides = array<i32>} : memref<512x2xf32, #tpu.memory_space<vmem>>, vector<512x2xf32>,
    return
  }
  func.func @transform_0(%arg0: i32) -> (i32, i32) {
    %c0_i32 = arith.constant 0 : i32
    %c0_i32_0 = arith.constant 0 : i32
    return %arg0, %c0_i32 : i32, i32
  }
  func.func @transform_1(%arg0: i32) -> (i32, i32) {
    %c0_i32 = arith.constant 0 : i32
    %c0_i32_0 = arith.constant 0 : i32
    %c0_i32_1 = arith.constant 0 : i32
    return %c0_i32, %c0_i32_0 : i32, i32
  }
  func.func @transform_2(%arg0: i32) -> (i32, i32) {
    %c0_i32 = arith.constant 0 : i32
    %c0_i32_0 = arith.constant 0 : i32
    %c0_i32_1 = arith.constant 0 : i32
    return %c0_i32, %c0_i32_0 : i32, i32
  }
  func.func @transform_3(%arg0: i32) -> (i32, i32) {
    %c0_i32 = arith.constant 0 : i32
    %c0_i32_0 = arith.constant 0 : i32
    return %arg0, %c0_i32 : i32, i32
  }
  func.func @transform_4(%arg0: i32) -> (i32, i32) {
    %c0_i32 = arith.constant 0 : i32
    %c0_i32_0 = arith.constant 0 : i32
    return %arg0, %c0_i32 : i32, i32
  }
  func.func @transform_5(%arg0: i32) -> (i32, i32) {
    %c0_i32 = arith.constant 0 : i32
    %c0_i32_0 = arith.constant 0 : i32
    return %arg0, %c0_i32 : i32, i32
  }
}

module attributes {stable_mosaic.version = 14 : i64} {
  func.func @_meta_body(%arg0: memref<64x128xi32, #tpu.memory_space<vmem>>, %arg1: memref<64x128xi32, #tpu.memory_space<vmem>>, %arg2: memref<4x72xi32, #tpu.memory_space<vmem>>) attributes {dimension_semantics = [], scalar_prefetch = 0 : i64, scratch_operands = 0 : i64, tpu.core_type = #tpu.core_type<tc>} {
    %get3A = arith.constant 0 : index
    %get3A_0 = arith.constant 0 : index
    %get3A_1 = vector.load %arg0[%get3A, %get3A_0] : memref<64x128xi32, #tpu.memory_space<vmem>>, vector<64x128xi32>
    %broadcast_in_dim3A = arith.constant 0.000000e+00 : f32
    %broadcast_in_dim3A_2 = vector.broadcast %broadcast_in_dim3A : f32 to vector<64x128xf32>
    %eq3A = arith.constant 0 : i32
    %eq3A_3 = vector.broadcast %eq3A : i32 to vector<64x128xi32>
    %eq3A_4 = arith.cmpi eq, %get3A_1, %eq3A_3 : vector<64x128xi32>
    %convert_element_type3A = arith.extui %eq3A_4 : vector<64x128xi1> to vector<64x128xi32>
    %convert_element_type3A_5 = arith.sitofp %convert_element_type3A : vector<64x128xi32> to vector<64x128xf32>
    %broadcast_in_dim3A_6 = arith.constant 0.000000e+00 : f32
    %broadcast_in_dim3A_7 = vector.broadcast %broadcast_in_dim3A_6 : f32 to vector<64x1xf32>
    %slice3A = vector.extract_strided_slice %convert_element_type3A_5 {offsets = [0, 0], sizes = [64, 127], strides = [1, 1]} : vector<64x128xf32> to vector<64x127xf32>
    %concatenate3A = tpu.concatenate %broadcast_in_dim3A_7, %slice3A in 1 : vector<64x1xf32>, vector<64x127xf32> -> vector<64x128xf32>
    %add3A = arith.addf %convert_element_type3A_5, %concatenate3A : vector<64x128xf32>
    %broadcast_in_dim3A_8 = arith.constant 0.000000e+00 : f32
    %broadcast_in_dim3A_9 = vector.broadcast %broadcast_in_dim3A_8 : f32 to vector<64x2xf32>
    %slice3A_10 = vector.extract_strided_slice %add3A {offsets = [0, 0], sizes = [64, 126], strides = [1, 1]} : vector<64x128xf32> to vector<64x126xf32>
    %concatenate3A_11 = tpu.concatenate %broadcast_in_dim3A_9, %slice3A_10 in 1 : vector<64x2xf32>, vector<64x126xf32> -> vector<64x128xf32>
    %add3A_12 = arith.addf %add3A, %concatenate3A_11 : vector<64x128xf32>
    %broadcast_in_dim3A_13 = arith.constant 0.000000e+00 : f32
    %broadcast_in_dim3A_14 = vector.broadcast %broadcast_in_dim3A_13 : f32 to vector<64x4xf32>
    %slice3A_15 = vector.extract_strided_slice %add3A_12 {offsets = [0, 0], sizes = [64, 124], strides = [1, 1]} : vector<64x128xf32> to vector<64x124xf32>
    %concatenate3A_16 = tpu.concatenate %broadcast_in_dim3A_14, %slice3A_15 in 1 : vector<64x4xf32>, vector<64x124xf32> -> vector<64x128xf32>
    %add3A_17 = arith.addf %add3A_12, %concatenate3A_16 : vector<64x128xf32>
    %broadcast_in_dim3A_18 = arith.constant 0.000000e+00 : f32
    %broadcast_in_dim3A_19 = vector.broadcast %broadcast_in_dim3A_18 : f32 to vector<64x8xf32>
    %slice3A_20 = vector.extract_strided_slice %add3A_17 {offsets = [0, 0], sizes = [64, 120], strides = [1, 1]} : vector<64x128xf32> to vector<64x120xf32>
    %concatenate3A_21 = tpu.concatenate %broadcast_in_dim3A_19, %slice3A_20 in 1 : vector<64x8xf32>, vector<64x120xf32> -> vector<64x128xf32>
    %add3A_22 = arith.addf %add3A_17, %concatenate3A_21 : vector<64x128xf32>
    %broadcast_in_dim3A_23 = arith.constant 0.000000e+00 : f32
    %broadcast_in_dim3A_24 = vector.broadcast %broadcast_in_dim3A_23 : f32 to vector<64x16xf32>
    %slice3A_25 = vector.extract_strided_slice %add3A_22 {offsets = [0, 0], sizes = [64, 112], strides = [1, 1]} : vector<64x128xf32> to vector<64x112xf32>
    %concatenate3A_26 = tpu.concatenate %broadcast_in_dim3A_24, %slice3A_25 in 1 : vector<64x16xf32>, vector<64x112xf32> -> vector<64x128xf32>
    %add3A_27 = arith.addf %add3A_22, %concatenate3A_26 : vector<64x128xf32>
    %broadcast_in_dim3A_28 = arith.constant 0.000000e+00 : f32
    %broadcast_in_dim3A_29 = vector.broadcast %broadcast_in_dim3A_28 : f32 to vector<64x32xf32>
    %slice3A_30 = vector.extract_strided_slice %add3A_27 {offsets = [0, 0], sizes = [64, 96], strides = [1, 1]} : vector<64x128xf32> to vector<64x96xf32>
    %concatenate3A_31 = tpu.concatenate %broadcast_in_dim3A_29, %slice3A_30 in 1 : vector<64x32xf32>, vector<64x96xf32> -> vector<64x128xf32>
    %add3A_32 = arith.addf %add3A_27, %concatenate3A_31 : vector<64x128xf32>
    %broadcast_in_dim3A_33 = arith.constant 0.000000e+00 : f32
    %broadcast_in_dim3A_34 = vector.broadcast %broadcast_in_dim3A_33 : f32 to vector<64x64xf32>
    %slice3A_35 = vector.extract_strided_slice %add3A_32 {offsets = [0, 0], sizes = [64, 64], strides = [1, 1]} : vector<64x128xf32> to vector<64x64xf32>
    %concatenate3A_36 = tpu.concatenate %broadcast_in_dim3A_34, %slice3A_35 in 1 : vector<64x64xf32>, vector<64x64xf32> -> vector<64x128xf32>
    %add3A_37 = arith.addf %add3A_32, %concatenate3A_36 : vector<64x128xf32>
    %slice3A_38 = vector.extract_strided_slice %add3A_37 {offsets = [0, 127], sizes = [64, 1], strides = [1, 1]} : vector<64x128xf32> to vector<64x1xf32>
    %broadcast_in_dim3A_39 = arith.constant 0.000000e+00 : f32
    %broadcast_in_dim3A_40 = vector.broadcast %broadcast_in_dim3A_39 : f32 to vector<1x1xf32>
    %slice3A_41 = vector.extract_strided_slice %slice3A_38 {offsets = [0, 0], sizes = [63, 1], strides = [1, 1]} : vector<64x1xf32> to vector<63x1xf32>
    %concatenate3A_42 = tpu.concatenate %broadcast_in_dim3A_40, %slice3A_41 in 0 : vector<1x1xf32>, vector<63x1xf32> -> vector<64x1xf32>
    %add3A_43 = arith.addf %slice3A_38, %concatenate3A_42 : vector<64x1xf32>
    %broadcast_in_dim3A_44 = arith.constant 0.000000e+00 : f32
    %broadcast_in_dim3A_45 = vector.broadcast %broadcast_in_dim3A_44 : f32 to vector<2x1xf32>
    %slice3A_46 = vector.extract_strided_slice %add3A_43 {offsets = [0, 0], sizes = [62, 1], strides = [1, 1]} : vector<64x1xf32> to vector<62x1xf32>
    %concatenate3A_47 = tpu.concatenate %broadcast_in_dim3A_45, %slice3A_46 in 0 : vector<2x1xf32>, vector<62x1xf32> -> vector<64x1xf32>
    %add3A_48 = arith.addf %add3A_43, %concatenate3A_47 : vector<64x1xf32>
    %broadcast_in_dim3A_49 = arith.constant 0.000000e+00 : f32
    %broadcast_in_dim3A_50 = vector.broadcast %broadcast_in_dim3A_49 : f32 to vector<4x1xf32>
    %slice3A_51 = vector.extract_strided_slice %add3A_48 {offsets = [0, 0], sizes = [60, 1], strides = [1, 1]} : vector<64x1xf32> to vector<60x1xf32>
    %concatenate3A_52 = tpu.concatenate %broadcast_in_dim3A_50, %slice3A_51 in 0 : vector<4x1xf32>, vector<60x1xf32> -> vector<64x1xf32>
    %add3A_53 = arith.addf %add3A_48, %concatenate3A_52 : vector<64x1xf32>
    %broadcast_in_dim3A_54 = arith.constant 0.000000e+00 : f32
    %broadcast_in_dim3A_55 = vector.broadcast %broadcast_in_dim3A_54 : f32 to vector<8x1xf32>
    %slice3A_56 = vector.extract_strided_slice %add3A_53 {offsets = [0, 0], sizes = [56, 1], strides = [1, 1]} : vector<64x1xf32> to vector<56x1xf32>
    %concatenate3A_57 = tpu.concatenate %broadcast_in_dim3A_55, %slice3A_56 in 0 : vector<8x1xf32>, vector<56x1xf32> -> vector<64x1xf32>
    %add3A_58 = arith.addf %add3A_53, %concatenate3A_57 : vector<64x1xf32>
    %broadcast_in_dim3A_59 = arith.constant 0.000000e+00 : f32
    %broadcast_in_dim3A_60 = vector.broadcast %broadcast_in_dim3A_59 : f32 to vector<16x1xf32>
    %slice3A_61 = vector.extract_strided_slice %add3A_58 {offsets = [0, 0], sizes = [48, 1], strides = [1, 1]} : vector<64x1xf32> to vector<48x1xf32>
    %concatenate3A_62 = tpu.concatenate %broadcast_in_dim3A_60, %slice3A_61 in 0 : vector<16x1xf32>, vector<48x1xf32> -> vector<64x1xf32>
    %add3A_63 = arith.addf %add3A_58, %concatenate3A_62 : vector<64x1xf32>
    %broadcast_in_dim3A_64 = arith.constant 0.000000e+00 : f32
    %broadcast_in_dim3A_65 = vector.broadcast %broadcast_in_dim3A_64 : f32 to vector<32x1xf32>
    %slice3A_66 = vector.extract_strided_slice %add3A_63 {offsets = [0, 0], sizes = [32, 1], strides = [1, 1]} : vector<64x1xf32> to vector<32x1xf32>
    %concatenate3A_67 = tpu.concatenate %broadcast_in_dim3A_65, %slice3A_66 in 0 : vector<32x1xf32>, vector<32x1xf32> -> vector<64x1xf32>
    %add3A_68 = arith.addf %add3A_63, %concatenate3A_67 : vector<64x1xf32>
    %sub3A = arith.subf %add3A_37, %convert_element_type3A_5 : vector<64x128xf32>
    %sub3A_69 = arith.subf %add3A_68, %slice3A_38 : vector<64x1xf32>
    %add3A_70 = vector.broadcast %sub3A_69 : vector<64x1xf32> to vector<64x128xf32>
    %add3A_71 = arith.addf %sub3A, %add3A_70 : vector<64x128xf32>
    %mul3A = arith.mulf %add3A_71, %convert_element_type3A_5 : vector<64x128xf32>
    %add3A_72 = arith.addf %broadcast_in_dim3A_2, %mul3A : vector<64x128xf32>
    %reduce_sum3A = vector.shape_cast %convert_element_type3A_5 : vector<64x128xf32> to vector<1x64x128xf32>
    %reduce_sum3A_73 = arith.constant dense<0.000000e+00> : vector<1xf32>
    %reduce_sum3A_74 = vector.multi_reduction <add>, %reduce_sum3A, %reduce_sum3A_73 [1, 2] : vector<1x64x128xf32> to vector<1xf32>
    %reduce_sum3A_75 = vector.shape_cast %reduce_sum3A_74 : vector<1xf32> to vector<1x1x1xf32>
    %reduce_sum3A_76 = vector.extract %reduce_sum3A_75[0, 0, 0] : f32 from vector<1x1x1xf32>
    %reshape3A = vector.broadcast %reduce_sum3A_76 : f32 to vector<1x1xf32>
    %eq3A_77 = arith.constant 1 : i32
    %eq3A_78 = vector.broadcast %eq3A_77 : i32 to vector<64x128xi32>
    %eq3A_79 = arith.cmpi eq, %get3A_1, %eq3A_78 : vector<64x128xi32>
    %convert_element_type3A_80 = arith.extui %eq3A_79 : vector<64x128xi1> to vector<64x128xi32>
    %convert_element_type3A_81 = arith.sitofp %convert_element_type3A_80 : vector<64x128xi32> to vector<64x128xf32>
    %broadcast_in_dim3A_82 = arith.constant 0.000000e+00 : f32
    %broadcast_in_dim3A_83 = vector.broadcast %broadcast_in_dim3A_82 : f32 to vector<64x1xf32>
    %slice3A_84 = vector.extract_strided_slice %convert_element_type3A_81 {offsets = [0, 0], sizes = [64, 127], strides = [1, 1]} : vector<64x128xf32> to vector<64x127xf32>
    %concatenate3A_85 = tpu.concatenate %broadcast_in_dim3A_83, %slice3A_84 in 1 : vector<64x1xf32>, vector<64x127xf32> -> vector<64x128xf32>
    %add3A_86 = arith.addf %convert_element_type3A_81, %concatenate3A_85 : vector<64x128xf32>
    %broadcast_in_dim3A_87 = arith.constant 0.000000e+00 : f32
    %broadcast_in_dim3A_88 = vector.broadcast %broadcast_in_dim3A_87 : f32 to vector<64x2xf32>
    %slice3A_89 = vector.extract_strided_slice %add3A_86 {offsets = [0, 0], sizes = [64, 126], strides = [1, 1]} : vector<64x128xf32> to vector<64x126xf32>
    %concatenate3A_90 = tpu.concatenate %broadcast_in_dim3A_88, %slice3A_89 in 1 : vector<64x2xf32>, vector<64x126xf32> -> vector<64x128xf32>
    %add3A_91 = arith.addf %add3A_86, %concatenate3A_90 : vector<64x128xf32>
    %broadcast_in_dim3A_92 = arith.constant 0.000000e+00 : f32
    %broadcast_in_dim3A_93 = vector.broadcast %broadcast_in_dim3A_92 : f32 to vector<64x4xf32>
    %slice3A_94 = vector.extract_strided_slice %add3A_91 {offsets = [0, 0], sizes = [64, 124], strides = [1, 1]} : vector<64x128xf32> to vector<64x124xf32>
    %concatenate3A_95 = tpu.concatenate %broadcast_in_dim3A_93, %slice3A_94 in 1 : vector<64x4xf32>, vector<64x124xf32> -> vector<64x128xf32>
    %add3A_96 = arith.addf %add3A_91, %concatenate3A_95 : vector<64x128xf32>
    %broadcast_in_dim3A_97 = arith.constant 0.000000e+00 : f32
    %broadcast_in_dim3A_98 = vector.broadcast %broadcast_in_dim3A_97 : f32 to vector<64x8xf32>
    %slice3A_99 = vector.extract_strided_slice %add3A_96 {offsets = [0, 0], sizes = [64, 120], strides = [1, 1]} : vector<64x128xf32> to vector<64x120xf32>
    %concatenate3A_100 = tpu.concatenate %broadcast_in_dim3A_98, %slice3A_99 in 1 : vector<64x8xf32>, vector<64x120xf32> -> vector<64x128xf32>
    %add3A_101 = arith.addf %add3A_96, %concatenate3A_100 : vector<64x128xf32>
    %broadcast_in_dim3A_102 = arith.constant 0.000000e+00 : f32
    %broadcast_in_dim3A_103 = vector.broadcast %broadcast_in_dim3A_102 : f32 to vector<64x16xf32>
    %slice3A_104 = vector.extract_strided_slice %add3A_101 {offsets = [0, 0], sizes = [64, 112], strides = [1, 1]} : vector<64x128xf32> to vector<64x112xf32>
    %concatenate3A_105 = tpu.concatenate %broadcast_in_dim3A_103, %slice3A_104 in 1 : vector<64x16xf32>, vector<64x112xf32> -> vector<64x128xf32>
    %add3A_106 = arith.addf %add3A_101, %concatenate3A_105 : vector<64x128xf32>
    %broadcast_in_dim3A_107 = arith.constant 0.000000e+00 : f32
    %broadcast_in_dim3A_108 = vector.broadcast %broadcast_in_dim3A_107 : f32 to vector<64x32xf32>
    %slice3A_109 = vector.extract_strided_slice %add3A_106 {offsets = [0, 0], sizes = [64, 96], strides = [1, 1]} : vector<64x128xf32> to vector<64x96xf32>
    %concatenate3A_110 = tpu.concatenate %broadcast_in_dim3A_108, %slice3A_109 in 1 : vector<64x32xf32>, vector<64x96xf32> -> vector<64x128xf32>
    %add3A_111 = arith.addf %add3A_106, %concatenate3A_110 : vector<64x128xf32>
    %broadcast_in_dim3A_112 = arith.constant 0.000000e+00 : f32
    %broadcast_in_dim3A_113 = vector.broadcast %broadcast_in_dim3A_112 : f32 to vector<64x64xf32>
    %slice3A_114 = vector.extract_strided_slice %add3A_111 {offsets = [0, 0], sizes = [64, 64], strides = [1, 1]} : vector<64x128xf32> to vector<64x64xf32>
    %concatenate3A_115 = tpu.concatenate %broadcast_in_dim3A_113, %slice3A_114 in 1 : vector<64x64xf32>, vector<64x64xf32> -> vector<64x128xf32>
    %add3A_116 = arith.addf %add3A_111, %concatenate3A_115 : vector<64x128xf32>
    %slice3A_117 = vector.extract_strided_slice %add3A_116 {offsets = [0, 127], sizes = [64, 1], strides = [1, 1]} : vector<64x128xf32> to vector<64x1xf32>
    %broadcast_in_dim3A_118 = arith.constant 0.000000e+00 : f32
    %broadcast_in_dim3A_119 = vector.broadcast %broadcast_in_dim3A_118 : f32 to vector<1x1xf32>
    %slice3A_120 = vector.extract_strided_slice %slice3A_117 {offsets = [0, 0], sizes = [63, 1], strides = [1, 1]} : vector<64x1xf32> to vector<63x1xf32>
    %concatenate3A_121 = tpu.concatenate %broadcast_in_dim3A_119, %slice3A_120 in 0 : vector<1x1xf32>, vector<63x1xf32> -> vector<64x1xf32>
    %add3A_122 = arith.addf %slice3A_117, %concatenate3A_121 : vector<64x1xf32>
    %broadcast_in_dim3A_123 = arith.constant 0.000000e+00 : f32
    %broadcast_in_dim3A_124 = vector.broadcast %broadcast_in_dim3A_123 : f32 to vector<2x1xf32>
    %slice3A_125 = vector.extract_strided_slice %add3A_122 {offsets = [0, 0], sizes = [62, 1], strides = [1, 1]} : vector<64x1xf32> to vector<62x1xf32>
    %concatenate3A_126 = tpu.concatenate %broadcast_in_dim3A_124, %slice3A_125 in 0 : vector<2x1xf32>, vector<62x1xf32> -> vector<64x1xf32>
    %add3A_127 = arith.addf %add3A_122, %concatenate3A_126 : vector<64x1xf32>
    %broadcast_in_dim3A_128 = arith.constant 0.000000e+00 : f32
    %broadcast_in_dim3A_129 = vector.broadcast %broadcast_in_dim3A_128 : f32 to vector<4x1xf32>
    %slice3A_130 = vector.extract_strided_slice %add3A_127 {offsets = [0, 0], sizes = [60, 1], strides = [1, 1]} : vector<64x1xf32> to vector<60x1xf32>
    %concatenate3A_131 = tpu.concatenate %broadcast_in_dim3A_129, %slice3A_130 in 0 : vector<4x1xf32>, vector<60x1xf32> -> vector<64x1xf32>
    %add3A_132 = arith.addf %add3A_127, %concatenate3A_131 : vector<64x1xf32>
    %broadcast_in_dim3A_133 = arith.constant 0.000000e+00 : f32
    %broadcast_in_dim3A_134 = vector.broadcast %broadcast_in_dim3A_133 : f32 to vector<8x1xf32>
    %slice3A_135 = vector.extract_strided_slice %add3A_132 {offsets = [0, 0], sizes = [56, 1], strides = [1, 1]} : vector<64x1xf32> to vector<56x1xf32>
    %concatenate3A_136 = tpu.concatenate %broadcast_in_dim3A_134, %slice3A_135 in 0 : vector<8x1xf32>, vector<56x1xf32> -> vector<64x1xf32>
    %add3A_137 = arith.addf %add3A_132, %concatenate3A_136 : vector<64x1xf32>
    %broadcast_in_dim3A_138 = arith.constant 0.000000e+00 : f32
    %broadcast_in_dim3A_139 = vector.broadcast %broadcast_in_dim3A_138 : f32 to vector<16x1xf32>
    %slice3A_140 = vector.extract_strided_slice %add3A_137 {offsets = [0, 0], sizes = [48, 1], strides = [1, 1]} : vector<64x1xf32> to vector<48x1xf32>
    %concatenate3A_141 = tpu.concatenate %broadcast_in_dim3A_139, %slice3A_140 in 0 : vector<16x1xf32>, vector<48x1xf32> -> vector<64x1xf32>
    %add3A_142 = arith.addf %add3A_137, %concatenate3A_141 : vector<64x1xf32>
    %broadcast_in_dim3A_143 = arith.constant 0.000000e+00 : f32
    %broadcast_in_dim3A_144 = vector.broadcast %broadcast_in_dim3A_143 : f32 to vector<32x1xf32>
    %slice3A_145 = vector.extract_strided_slice %add3A_142 {offsets = [0, 0], sizes = [32, 1], strides = [1, 1]} : vector<64x1xf32> to vector<32x1xf32>
    %concatenate3A_146 = tpu.concatenate %broadcast_in_dim3A_144, %slice3A_145 in 0 : vector<32x1xf32>, vector<32x1xf32> -> vector<64x1xf32>
    %add3A_147 = arith.addf %add3A_142, %concatenate3A_146 : vector<64x1xf32>
    %sub3A_148 = arith.subf %add3A_116, %convert_element_type3A_81 : vector<64x128xf32>
    %sub3A_149 = arith.subf %add3A_147, %slice3A_117 : vector<64x1xf32>
    %add3A_150 = vector.broadcast %sub3A_149 : vector<64x1xf32> to vector<64x128xf32>
    %add3A_151 = arith.addf %sub3A_148, %add3A_150 : vector<64x128xf32>
    %mul3A_152 = arith.mulf %add3A_151, %convert_element_type3A_81 : vector<64x128xf32>
    %add3A_153 = arith.addf %add3A_72, %mul3A_152 : vector<64x128xf32>
    %reduce_sum3A_154 = vector.shape_cast %convert_element_type3A_81 : vector<64x128xf32> to vector<1x64x128xf32>
    %reduce_sum3A_155 = arith.constant dense<0.000000e+00> : vector<1xf32>
    %reduce_sum3A_156 = vector.multi_reduction <add>, %reduce_sum3A_154, %reduce_sum3A_155 [1, 2] : vector<1x64x128xf32> to vector<1xf32>
    %reduce_sum3A_157 = vector.shape_cast %reduce_sum3A_156 : vector<1xf32> to vector<1x1x1xf32>
    %reduce_sum3A_158 = vector.extract %reduce_sum3A_157[0, 0, 0] : f32 from vector<1x1x1xf32>
    %reshape3A_159 = vector.broadcast %reduce_sum3A_158 : f32 to vector<1x1xf32>
    %eq3A_160 = arith.constant 2 : i32
    %eq3A_161 = vector.broadcast %eq3A_160 : i32 to vector<64x128xi32>
    %eq3A_162 = arith.cmpi eq, %get3A_1, %eq3A_161 : vector<64x128xi32>
    %convert_element_type3A_163 = arith.extui %eq3A_162 : vector<64x128xi1> to vector<64x128xi32>
    %convert_element_type3A_164 = arith.sitofp %convert_element_type3A_163 : vector<64x128xi32> to vector<64x128xf32>
    %broadcast_in_dim3A_165 = arith.constant 0.000000e+00 : f32
    %broadcast_in_dim3A_166 = vector.broadcast %broadcast_in_dim3A_165 : f32 to vector<64x1xf32>
    %slice3A_167 = vector.extract_strided_slice %convert_element_type3A_164 {offsets = [0, 0], sizes = [64, 127], strides = [1, 1]} : vector<64x128xf32> to vector<64x127xf32>
    %concatenate3A_168 = tpu.concatenate %broadcast_in_dim3A_166, %slice3A_167 in 1 : vector<64x1xf32>, vector<64x127xf32> -> vector<64x128xf32>
    %add3A_169 = arith.addf %convert_element_type3A_164, %concatenate3A_168 : vector<64x128xf32>
    %broadcast_in_dim3A_170 = arith.constant 0.000000e+00 : f32
    %broadcast_in_dim3A_171 = vector.broadcast %broadcast_in_dim3A_170 : f32 to vector<64x2xf32>
    %slice3A_172 = vector.extract_strided_slice %add3A_169 {offsets = [0, 0], sizes = [64, 126], strides = [1, 1]} : vector<64x128xf32> to vector<64x126xf32>
    %concatenate3A_173 = tpu.concatenate %broadcast_in_dim3A_171, %slice3A_172 in 1 : vector<64x2xf32>, vector<64x126xf32> -> vector<64x128xf32>
    %add3A_174 = arith.addf %add3A_169, %concatenate3A_173 : vector<64x128xf32>
    %broadcast_in_dim3A_175 = arith.constant 0.000000e+00 : f32
    %broadcast_in_dim3A_176 = vector.broadcast %broadcast_in_dim3A_175 : f32 to vector<64x4xf32>
    %slice3A_177 = vector.extract_strided_slice %add3A_174 {offsets = [0, 0], sizes = [64, 124], strides = [1, 1]} : vector<64x128xf32> to vector<64x124xf32>
    %concatenate3A_178 = tpu.concatenate %broadcast_in_dim3A_176, %slice3A_177 in 1 : vector<64x4xf32>, vector<64x124xf32> -> vector<64x128xf32>
    %add3A_179 = arith.addf %add3A_174, %concatenate3A_178 : vector<64x128xf32>
    %broadcast_in_dim3A_180 = arith.constant 0.000000e+00 : f32
    %broadcast_in_dim3A_181 = vector.broadcast %broadcast_in_dim3A_180 : f32 to vector<64x8xf32>
    %slice3A_182 = vector.extract_strided_slice %add3A_179 {offsets = [0, 0], sizes = [64, 120], strides = [1, 1]} : vector<64x128xf32> to vector<64x120xf32>
    %concatenate3A_183 = tpu.concatenate %broadcast_in_dim3A_181, %slice3A_182 in 1 : vector<64x8xf32>, vector<64x120xf32> -> vector<64x128xf32>
    %add3A_184 = arith.addf %add3A_179, %concatenate3A_183 : vector<64x128xf32>
    %broadcast_in_dim3A_185 = arith.constant 0.000000e+00 : f32
    %broadcast_in_dim3A_186 = vector.broadcast %broadcast_in_dim3A_185 : f32 to vector<64x16xf32>
    %slice3A_187 = vector.extract_strided_slice %add3A_184 {offsets = [0, 0], sizes = [64, 112], strides = [1, 1]} : vector<64x128xf32> to vector<64x112xf32>
    %concatenate3A_188 = tpu.concatenate %broadcast_in_dim3A_186, %slice3A_187 in 1 : vector<64x16xf32>, vector<64x112xf32> -> vector<64x128xf32>
    %add3A_189 = arith.addf %add3A_184, %concatenate3A_188 : vector<64x128xf32>
    %broadcast_in_dim3A_190 = arith.constant 0.000000e+00 : f32
    %broadcast_in_dim3A_191 = vector.broadcast %broadcast_in_dim3A_190 : f32 to vector<64x32xf32>
    %slice3A_192 = vector.extract_strided_slice %add3A_189 {offsets = [0, 0], sizes = [64, 96], strides = [1, 1]} : vector<64x128xf32> to vector<64x96xf32>
    %concatenate3A_193 = tpu.concatenate %broadcast_in_dim3A_191, %slice3A_192 in 1 : vector<64x32xf32>, vector<64x96xf32> -> vector<64x128xf32>
    %add3A_194 = arith.addf %add3A_189, %concatenate3A_193 : vector<64x128xf32>
    %broadcast_in_dim3A_195 = arith.constant 0.000000e+00 : f32
    %broadcast_in_dim3A_196 = vector.broadcast %broadcast_in_dim3A_195 : f32 to vector<64x64xf32>
    %slice3A_197 = vector.extract_strided_slice %add3A_194 {offsets = [0, 0], sizes = [64, 64], strides = [1, 1]} : vector<64x128xf32> to vector<64x64xf32>
    %concatenate3A_198 = tpu.concatenate %broadcast_in_dim3A_196, %slice3A_197 in 1 : vector<64x64xf32>, vector<64x64xf32> -> vector<64x128xf32>
    %add3A_199 = arith.addf %add3A_194, %concatenate3A_198 : vector<64x128xf32>
    %slice3A_200 = vector.extract_strided_slice %add3A_199 {offsets = [0, 127], sizes = [64, 1], strides = [1, 1]} : vector<64x128xf32> to vector<64x1xf32>
    %broadcast_in_dim3A_201 = arith.constant 0.000000e+00 : f32
    %broadcast_in_dim3A_202 = vector.broadcast %broadcast_in_dim3A_201 : f32 to vector<1x1xf32>
    %slice3A_203 = vector.extract_strided_slice %slice3A_200 {offsets = [0, 0], sizes = [63, 1], strides = [1, 1]} : vector<64x1xf32> to vector<63x1xf32>
    %concatenate3A_204 = tpu.concatenate %broadcast_in_dim3A_202, %slice3A_203 in 0 : vector<1x1xf32>, vector<63x1xf32> -> vector<64x1xf32>
    %add3A_205 = arith.addf %slice3A_200, %concatenate3A_204 : vector<64x1xf32>
    %broadcast_in_dim3A_206 = arith.constant 0.000000e+00 : f32
    %broadcast_in_dim3A_207 = vector.broadcast %broadcast_in_dim3A_206 : f32 to vector<2x1xf32>
    %slice3A_208 = vector.extract_strided_slice %add3A_205 {offsets = [0, 0], sizes = [62, 1], strides = [1, 1]} : vector<64x1xf32> to vector<62x1xf32>
    %concatenate3A_209 = tpu.concatenate %broadcast_in_dim3A_207, %slice3A_208 in 0 : vector<2x1xf32>, vector<62x1xf32> -> vector<64x1xf32>
    %add3A_210 = arith.addf %add3A_205, %concatenate3A_209 : vector<64x1xf32>
    %broadcast_in_dim3A_211 = arith.constant 0.000000e+00 : f32
    %broadcast_in_dim3A_212 = vector.broadcast %broadcast_in_dim3A_211 : f32 to vector<4x1xf32>
    %slice3A_213 = vector.extract_strided_slice %add3A_210 {offsets = [0, 0], sizes = [60, 1], strides = [1, 1]} : vector<64x1xf32> to vector<60x1xf32>
    %concatenate3A_214 = tpu.concatenate %broadcast_in_dim3A_212, %slice3A_213 in 0 : vector<4x1xf32>, vector<60x1xf32> -> vector<64x1xf32>
    %add3A_215 = arith.addf %add3A_210, %concatenate3A_214 : vector<64x1xf32>
    %broadcast_in_dim3A_216 = arith.constant 0.000000e+00 : f32
    %broadcast_in_dim3A_217 = vector.broadcast %broadcast_in_dim3A_216 : f32 to vector<8x1xf32>
    %slice3A_218 = vector.extract_strided_slice %add3A_215 {offsets = [0, 0], sizes = [56, 1], strides = [1, 1]} : vector<64x1xf32> to vector<56x1xf32>
    %concatenate3A_219 = tpu.concatenate %broadcast_in_dim3A_217, %slice3A_218 in 0 : vector<8x1xf32>, vector<56x1xf32> -> vector<64x1xf32>
    %add3A_220 = arith.addf %add3A_215, %concatenate3A_219 : vector<64x1xf32>
    %broadcast_in_dim3A_221 = arith.constant 0.000000e+00 : f32
    %broadcast_in_dim3A_222 = vector.broadcast %broadcast_in_dim3A_221 : f32 to vector<16x1xf32>
    %slice3A_223 = vector.extract_strided_slice %add3A_220 {offsets = [0, 0], sizes = [48, 1], strides = [1, 1]} : vector<64x1xf32> to vector<48x1xf32>
    %concatenate3A_224 = tpu.concatenate %broadcast_in_dim3A_222, %slice3A_223 in 0 : vector<16x1xf32>, vector<48x1xf32> -> vector<64x1xf32>
    %add3A_225 = arith.addf %add3A_220, %concatenate3A_224 : vector<64x1xf32>
    %broadcast_in_dim3A_226 = arith.constant 0.000000e+00 : f32
    %broadcast_in_dim3A_227 = vector.broadcast %broadcast_in_dim3A_226 : f32 to vector<32x1xf32>
    %slice3A_228 = vector.extract_strided_slice %add3A_225 {offsets = [0, 0], sizes = [32, 1], strides = [1, 1]} : vector<64x1xf32> to vector<32x1xf32>
    %concatenate3A_229 = tpu.concatenate %broadcast_in_dim3A_227, %slice3A_228 in 0 : vector<32x1xf32>, vector<32x1xf32> -> vector<64x1xf32>
    %add3A_230 = arith.addf %add3A_225, %concatenate3A_229 : vector<64x1xf32>
    %sub3A_231 = arith.subf %add3A_199, %convert_element_type3A_164 : vector<64x128xf32>
    %sub3A_232 = arith.subf %add3A_230, %slice3A_200 : vector<64x1xf32>
    %add3A_233 = vector.broadcast %sub3A_232 : vector<64x1xf32> to vector<64x128xf32>
    %add3A_234 = arith.addf %sub3A_231, %add3A_233 : vector<64x128xf32>
    %mul3A_235 = arith.mulf %add3A_234, %convert_element_type3A_164 : vector<64x128xf32>
    %add3A_236 = arith.addf %add3A_153, %mul3A_235 : vector<64x128xf32>
    %reduce_sum3A_237 = vector.shape_cast %convert_element_type3A_164 : vector<64x128xf32> to vector<1x64x128xf32>
    %reduce_sum3A_238 = arith.constant dense<0.000000e+00> : vector<1xf32>
    %reduce_sum3A_239 = vector.multi_reduction <add>, %reduce_sum3A_237, %reduce_sum3A_238 [1, 2] : vector<1x64x128xf32> to vector<1xf32>
    %reduce_sum3A_240 = vector.shape_cast %reduce_sum3A_239 : vector<1xf32> to vector<1x1x1xf32>
    %reduce_sum3A_241 = vector.extract %reduce_sum3A_240[0, 0, 0] : f32 from vector<1x1x1xf32>
    %reshape3A_242 = vector.broadcast %reduce_sum3A_241 : f32 to vector<1x1xf32>
    %eq3A_243 = arith.constant 3 : i32
    %eq3A_244 = vector.broadcast %eq3A_243 : i32 to vector<64x128xi32>
    %eq3A_245 = arith.cmpi eq, %get3A_1, %eq3A_244 : vector<64x128xi32>
    %convert_element_type3A_246 = arith.extui %eq3A_245 : vector<64x128xi1> to vector<64x128xi32>
    %convert_element_type3A_247 = arith.sitofp %convert_element_type3A_246 : vector<64x128xi32> to vector<64x128xf32>
    %broadcast_in_dim3A_248 = arith.constant 0.000000e+00 : f32
    %broadcast_in_dim3A_249 = vector.broadcast %broadcast_in_dim3A_248 : f32 to vector<64x1xf32>
    %slice3A_250 = vector.extract_strided_slice %convert_element_type3A_247 {offsets = [0, 0], sizes = [64, 127], strides = [1, 1]} : vector<64x128xf32> to vector<64x127xf32>
    %concatenate3A_251 = tpu.concatenate %broadcast_in_dim3A_249, %slice3A_250 in 1 : vector<64x1xf32>, vector<64x127xf32> -> vector<64x128xf32>
    %add3A_252 = arith.addf %convert_element_type3A_247, %concatenate3A_251 : vector<64x128xf32>
    %broadcast_in_dim3A_253 = arith.constant 0.000000e+00 : f32
    %broadcast_in_dim3A_254 = vector.broadcast %broadcast_in_dim3A_253 : f32 to vector<64x2xf32>
    %slice3A_255 = vector.extract_strided_slice %add3A_252 {offsets = [0, 0], sizes = [64, 126], strides = [1, 1]} : vector<64x128xf32> to vector<64x126xf32>
    %concatenate3A_256 = tpu.concatenate %broadcast_in_dim3A_254, %slice3A_255 in 1 : vector<64x2xf32>, vector<64x126xf32> -> vector<64x128xf32>
    %add3A_257 = arith.addf %add3A_252, %concatenate3A_256 : vector<64x128xf32>
    %broadcast_in_dim3A_258 = arith.constant 0.000000e+00 : f32
    %broadcast_in_dim3A_259 = vector.broadcast %broadcast_in_dim3A_258 : f32 to vector<64x4xf32>
    %slice3A_260 = vector.extract_strided_slice %add3A_257 {offsets = [0, 0], sizes = [64, 124], strides = [1, 1]} : vector<64x128xf32> to vector<64x124xf32>
    %concatenate3A_261 = tpu.concatenate %broadcast_in_dim3A_259, %slice3A_260 in 1 : vector<64x4xf32>, vector<64x124xf32> -> vector<64x128xf32>
    %add3A_262 = arith.addf %add3A_257, %concatenate3A_261 : vector<64x128xf32>
    %broadcast_in_dim3A_263 = arith.constant 0.000000e+00 : f32
    %broadcast_in_dim3A_264 = vector.broadcast %broadcast_in_dim3A_263 : f32 to vector<64x8xf32>
    %slice3A_265 = vector.extract_strided_slice %add3A_262 {offsets = [0, 0], sizes = [64, 120], strides = [1, 1]} : vector<64x128xf32> to vector<64x120xf32>
    %concatenate3A_266 = tpu.concatenate %broadcast_in_dim3A_264, %slice3A_265 in 1 : vector<64x8xf32>, vector<64x120xf32> -> vector<64x128xf32>
    %add3A_267 = arith.addf %add3A_262, %concatenate3A_266 : vector<64x128xf32>
    %broadcast_in_dim3A_268 = arith.constant 0.000000e+00 : f32
    %broadcast_in_dim3A_269 = vector.broadcast %broadcast_in_dim3A_268 : f32 to vector<64x16xf32>
    %slice3A_270 = vector.extract_strided_slice %add3A_267 {offsets = [0, 0], sizes = [64, 112], strides = [1, 1]} : vector<64x128xf32> to vector<64x112xf32>
    %concatenate3A_271 = tpu.concatenate %broadcast_in_dim3A_269, %slice3A_270 in 1 : vector<64x16xf32>, vector<64x112xf32> -> vector<64x128xf32>
    %add3A_272 = arith.addf %add3A_267, %concatenate3A_271 : vector<64x128xf32>
    %broadcast_in_dim3A_273 = arith.constant 0.000000e+00 : f32
    %broadcast_in_dim3A_274 = vector.broadcast %broadcast_in_dim3A_273 : f32 to vector<64x32xf32>
    %slice3A_275 = vector.extract_strided_slice %add3A_272 {offsets = [0, 0], sizes = [64, 96], strides = [1, 1]} : vector<64x128xf32> to vector<64x96xf32>
    %concatenate3A_276 = tpu.concatenate %broadcast_in_dim3A_274, %slice3A_275 in 1 : vector<64x32xf32>, vector<64x96xf32> -> vector<64x128xf32>
    %add3A_277 = arith.addf %add3A_272, %concatenate3A_276 : vector<64x128xf32>
    %broadcast_in_dim3A_278 = arith.constant 0.000000e+00 : f32
    %broadcast_in_dim3A_279 = vector.broadcast %broadcast_in_dim3A_278 : f32 to vector<64x64xf32>
    %slice3A_280 = vector.extract_strided_slice %add3A_277 {offsets = [0, 0], sizes = [64, 64], strides = [1, 1]} : vector<64x128xf32> to vector<64x64xf32>
    %concatenate3A_281 = tpu.concatenate %broadcast_in_dim3A_279, %slice3A_280 in 1 : vector<64x64xf32>, vector<64x64xf32> -> vector<64x128xf32>
    %add3A_282 = arith.addf %add3A_277, %concatenate3A_281 : vector<64x128xf32>
    %slice3A_283 = vector.extract_strided_slice %add3A_282 {offsets = [0, 127], sizes = [64, 1], strides = [1, 1]} : vector<64x128xf32> to vector<64x1xf32>
    %broadcast_in_dim3A_284 = arith.constant 0.000000e+00 : f32
    %broadcast_in_dim3A_285 = vector.broadcast %broadcast_in_dim3A_284 : f32 to vector<1x1xf32>
    %slice3A_286 = vector.extract_strided_slice %slice3A_283 {offsets = [0, 0], sizes = [63, 1], strides = [1, 1]} : vector<64x1xf32> to vector<63x1xf32>
    %concatenate3A_287 = tpu.concatenate %broadcast_in_dim3A_285, %slice3A_286 in 0 : vector<1x1xf32>, vector<63x1xf32> -> vector<64x1xf32>
    %add3A_288 = arith.addf %slice3A_283, %concatenate3A_287 : vector<64x1xf32>
    %broadcast_in_dim3A_289 = arith.constant 0.000000e+00 : f32
    %broadcast_in_dim3A_290 = vector.broadcast %broadcast_in_dim3A_289 : f32 to vector<2x1xf32>
    %slice3A_291 = vector.extract_strided_slice %add3A_288 {offsets = [0, 0], sizes = [62, 1], strides = [1, 1]} : vector<64x1xf32> to vector<62x1xf32>
    %concatenate3A_292 = tpu.concatenate %broadcast_in_dim3A_290, %slice3A_291 in 0 : vector<2x1xf32>, vector<62x1xf32> -> vector<64x1xf32>
    %add3A_293 = arith.addf %add3A_288, %concatenate3A_292 : vector<64x1xf32>
    %broadcast_in_dim3A_294 = arith.constant 0.000000e+00 : f32
    %broadcast_in_dim3A_295 = vector.broadcast %broadcast_in_dim3A_294 : f32 to vector<4x1xf32>
    %slice3A_296 = vector.extract_strided_slice %add3A_293 {offsets = [0, 0], sizes = [60, 1], strides = [1, 1]} : vector<64x1xf32> to vector<60x1xf32>
    %concatenate3A_297 = tpu.concatenate %broadcast_in_dim3A_295, %slice3A_296 in 0 : vector<4x1xf32>, vector<60x1xf32> -> vector<64x1xf32>
    %add3A_298 = arith.addf %add3A_293, %concatenate3A_297 : vector<64x1xf32>
    %broadcast_in_dim3A_299 = arith.constant 0.000000e+00 : f32
    %broadcast_in_dim3A_300 = vector.broadcast %broadcast_in_dim3A_299 : f32 to vector<8x1xf32>
    %slice3A_301 = vector.extract_strided_slice %add3A_298 {offsets = [0, 0], sizes = [56, 1], strides = [1, 1]} : vector<64x1xf32> to vector<56x1xf32>
    %concatenate3A_302 = tpu.concatenate %broadcast_in_dim3A_300, %slice3A_301 in 0 : vector<8x1xf32>, vector<56x1xf32> -> vector<64x1xf32>
    %add3A_303 = arith.addf %add3A_298, %concatenate3A_302 : vector<64x1xf32>
    %broadcast_in_dim3A_304 = arith.constant 0.000000e+00 : f32
    %broadcast_in_dim3A_305 = vector.broadcast %broadcast_in_dim3A_304 : f32 to vector<16x1xf32>
    %slice3A_306 = vector.extract_strided_slice %add3A_303 {offsets = [0, 0], sizes = [48, 1], strides = [1, 1]} : vector<64x1xf32> to vector<48x1xf32>
    %concatenate3A_307 = tpu.concatenate %broadcast_in_dim3A_305, %slice3A_306 in 0 : vector<16x1xf32>, vector<48x1xf32> -> vector<64x1xf32>
    %add3A_308 = arith.addf %add3A_303, %concatenate3A_307 : vector<64x1xf32>
    %broadcast_in_dim3A_309 = arith.constant 0.000000e+00 : f32
    %broadcast_in_dim3A_310 = vector.broadcast %broadcast_in_dim3A_309 : f32 to vector<32x1xf32>
    %slice3A_311 = vector.extract_strided_slice %add3A_308 {offsets = [0, 0], sizes = [32, 1], strides = [1, 1]} : vector<64x1xf32> to vector<32x1xf32>
    %concatenate3A_312 = tpu.concatenate %broadcast_in_dim3A_310, %slice3A_311 in 0 : vector<32x1xf32>, vector<32x1xf32> -> vector<64x1xf32>
    %add3A_313 = arith.addf %add3A_308, %concatenate3A_312 : vector<64x1xf32>
    %sub3A_314 = arith.subf %add3A_282, %convert_element_type3A_247 : vector<64x128xf32>
    %sub3A_315 = arith.subf %add3A_313, %slice3A_283 : vector<64x1xf32>
    %add3A_316 = vector.broadcast %sub3A_315 : vector<64x1xf32> to vector<64x128xf32>
    %add3A_317 = arith.addf %sub3A_314, %add3A_316 : vector<64x128xf32>
    %mul3A_318 = arith.mulf %add3A_317, %convert_element_type3A_247 : vector<64x128xf32>
    %add3A_319 = arith.addf %add3A_236, %mul3A_318 : vector<64x128xf32>
    %reduce_sum3A_320 = vector.shape_cast %convert_element_type3A_247 : vector<64x128xf32> to vector<1x64x128xf32>
    %reduce_sum3A_321 = arith.constant dense<0.000000e+00> : vector<1xf32>
    %reduce_sum3A_322 = vector.multi_reduction <add>, %reduce_sum3A_320, %reduce_sum3A_321 [1, 2] : vector<1x64x128xf32> to vector<1xf32>
    %reduce_sum3A_323 = vector.shape_cast %reduce_sum3A_322 : vector<1xf32> to vector<1x1x1xf32>
    %reduce_sum3A_324 = vector.extract %reduce_sum3A_323[0, 0, 0] : f32 from vector<1x1x1xf32>
    %reshape3A_325 = vector.broadcast %reduce_sum3A_324 : f32 to vector<1x1xf32>
    %eq3A_326 = arith.constant 4 : i32
    %eq3A_327 = vector.broadcast %eq3A_326 : i32 to vector<64x128xi32>
    %eq3A_328 = arith.cmpi eq, %get3A_1, %eq3A_327 : vector<64x128xi32>
    %convert_element_type3A_329 = arith.extui %eq3A_328 : vector<64x128xi1> to vector<64x128xi32>
    %convert_element_type3A_330 = arith.sitofp %convert_element_type3A_329 : vector<64x128xi32> to vector<64x128xf32>
    %broadcast_in_dim3A_331 = arith.constant 0.000000e+00 : f32
    %broadcast_in_dim3A_332 = vector.broadcast %broadcast_in_dim3A_331 : f32 to vector<64x1xf32>
    %slice3A_333 = vector.extract_strided_slice %convert_element_type3A_330 {offsets = [0, 0], sizes = [64, 127], strides = [1, 1]} : vector<64x128xf32> to vector<64x127xf32>
    %concatenate3A_334 = tpu.concatenate %broadcast_in_dim3A_332, %slice3A_333 in 1 : vector<64x1xf32>, vector<64x127xf32> -> vector<64x128xf32>
    %add3A_335 = arith.addf %convert_element_type3A_330, %concatenate3A_334 : vector<64x128xf32>
    %broadcast_in_dim3A_336 = arith.constant 0.000000e+00 : f32
    %broadcast_in_dim3A_337 = vector.broadcast %broadcast_in_dim3A_336 : f32 to vector<64x2xf32>
    %slice3A_338 = vector.extract_strided_slice %add3A_335 {offsets = [0, 0], sizes = [64, 126], strides = [1, 1]} : vector<64x128xf32> to vector<64x126xf32>
    %concatenate3A_339 = tpu.concatenate %broadcast_in_dim3A_337, %slice3A_338 in 1 : vector<64x2xf32>, vector<64x126xf32> -> vector<64x128xf32>
    %add3A_340 = arith.addf %add3A_335, %concatenate3A_339 : vector<64x128xf32>
    %broadcast_in_dim3A_341 = arith.constant 0.000000e+00 : f32
    %broadcast_in_dim3A_342 = vector.broadcast %broadcast_in_dim3A_341 : f32 to vector<64x4xf32>
    %slice3A_343 = vector.extract_strided_slice %add3A_340 {offsets = [0, 0], sizes = [64, 124], strides = [1, 1]} : vector<64x128xf32> to vector<64x124xf32>
    %concatenate3A_344 = tpu.concatenate %broadcast_in_dim3A_342, %slice3A_343 in 1 : vector<64x4xf32>, vector<64x124xf32> -> vector<64x128xf32>
    %add3A_345 = arith.addf %add3A_340, %concatenate3A_344 : vector<64x128xf32>
    %broadcast_in_dim3A_346 = arith.constant 0.000000e+00 : f32
    %broadcast_in_dim3A_347 = vector.broadcast %broadcast_in_dim3A_346 : f32 to vector<64x8xf32>
    %slice3A_348 = vector.extract_strided_slice %add3A_345 {offsets = [0, 0], sizes = [64, 120], strides = [1, 1]} : vector<64x128xf32> to vector<64x120xf32>
    %concatenate3A_349 = tpu.concatenate %broadcast_in_dim3A_347, %slice3A_348 in 1 : vector<64x8xf32>, vector<64x120xf32> -> vector<64x128xf32>
    %add3A_350 = arith.addf %add3A_345, %concatenate3A_349 : vector<64x128xf32>
    %broadcast_in_dim3A_351 = arith.constant 0.000000e+00 : f32
    %broadcast_in_dim3A_352 = vector.broadcast %broadcast_in_dim3A_351 : f32 to vector<64x16xf32>
    %slice3A_353 = vector.extract_strided_slice %add3A_350 {offsets = [0, 0], sizes = [64, 112], strides = [1, 1]} : vector<64x128xf32> to vector<64x112xf32>
    %concatenate3A_354 = tpu.concatenate %broadcast_in_dim3A_352, %slice3A_353 in 1 : vector<64x16xf32>, vector<64x112xf32> -> vector<64x128xf32>
    %add3A_355 = arith.addf %add3A_350, %concatenate3A_354 : vector<64x128xf32>
    %broadcast_in_dim3A_356 = arith.constant 0.000000e+00 : f32
    %broadcast_in_dim3A_357 = vector.broadcast %broadcast_in_dim3A_356 : f32 to vector<64x32xf32>
    %slice3A_358 = vector.extract_strided_slice %add3A_355 {offsets = [0, 0], sizes = [64, 96], strides = [1, 1]} : vector<64x128xf32> to vector<64x96xf32>
    %concatenate3A_359 = tpu.concatenate %broadcast_in_dim3A_357, %slice3A_358 in 1 : vector<64x32xf32>, vector<64x96xf32> -> vector<64x128xf32>
    %add3A_360 = arith.addf %add3A_355, %concatenate3A_359 : vector<64x128xf32>
    %broadcast_in_dim3A_361 = arith.constant 0.000000e+00 : f32
    %broadcast_in_dim3A_362 = vector.broadcast %broadcast_in_dim3A_361 : f32 to vector<64x64xf32>
    %slice3A_363 = vector.extract_strided_slice %add3A_360 {offsets = [0, 0], sizes = [64, 64], strides = [1, 1]} : vector<64x128xf32> to vector<64x64xf32>
    %concatenate3A_364 = tpu.concatenate %broadcast_in_dim3A_362, %slice3A_363 in 1 : vector<64x64xf32>, vector<64x64xf32> -> vector<64x128xf32>
    %add3A_365 = arith.addf %add3A_360, %concatenate3A_364 : vector<64x128xf32>
    %slice3A_366 = vector.extract_strided_slice %add3A_365 {offsets = [0, 127], sizes = [64, 1], strides = [1, 1]} : vector<64x128xf32> to vector<64x1xf32>
    %broadcast_in_dim3A_367 = arith.constant 0.000000e+00 : f32
    %broadcast_in_dim3A_368 = vector.broadcast %broadcast_in_dim3A_367 : f32 to vector<1x1xf32>
    %slice3A_369 = vector.extract_strided_slice %slice3A_366 {offsets = [0, 0], sizes = [63, 1], strides = [1, 1]} : vector<64x1xf32> to vector<63x1xf32>
    %concatenate3A_370 = tpu.concatenate %broadcast_in_dim3A_368, %slice3A_369 in 0 : vector<1x1xf32>, vector<63x1xf32> -> vector<64x1xf32>
    %add3A_371 = arith.addf %slice3A_366, %concatenate3A_370 : vector<64x1xf32>
    %broadcast_in_dim3A_372 = arith.constant 0.000000e+00 : f32
    %broadcast_in_dim3A_373 = vector.broadcast %broadcast_in_dim3A_372 : f32 to vector<2x1xf32>
    %slice3A_374 = vector.extract_strided_slice %add3A_371 {offsets = [0, 0], sizes = [62, 1], strides = [1, 1]} : vector<64x1xf32> to vector<62x1xf32>
    %concatenate3A_375 = tpu.concatenate %broadcast_in_dim3A_373, %slice3A_374 in 0 : vector<2x1xf32>, vector<62x1xf32> -> vector<64x1xf32>
    %add3A_376 = arith.addf %add3A_371, %concatenate3A_375 : vector<64x1xf32>
    %broadcast_in_dim3A_377 = arith.constant 0.000000e+00 : f32
    %broadcast_in_dim3A_378 = vector.broadcast %broadcast_in_dim3A_377 : f32 to vector<4x1xf32>
    %slice3A_379 = vector.extract_strided_slice %add3A_376 {offsets = [0, 0], sizes = [60, 1], strides = [1, 1]} : vector<64x1xf32> to vector<60x1xf32>
    %concatenate3A_380 = tpu.concatenate %broadcast_in_dim3A_378, %slice3A_379 in 0 : vector<4x1xf32>, vector<60x1xf32> -> vector<64x1xf32>
    %add3A_381 = arith.addf %add3A_376, %concatenate3A_380 : vector<64x1xf32>
    %broadcast_in_dim3A_382 = arith.constant 0.000000e+00 : f32
    %broadcast_in_dim3A_383 = vector.broadcast %broadcast_in_dim3A_382 : f32 to vector<8x1xf32>
    %slice3A_384 = vector.extract_strided_slice %add3A_381 {offsets = [0, 0], sizes = [56, 1], strides = [1, 1]} : vector<64x1xf32> to vector<56x1xf32>
    %concatenate3A_385 = tpu.concatenate %broadcast_in_dim3A_383, %slice3A_384 in 0 : vector<8x1xf32>, vector<56x1xf32> -> vector<64x1xf32>
    %add3A_386 = arith.addf %add3A_381, %concatenate3A_385 : vector<64x1xf32>
    %broadcast_in_dim3A_387 = arith.constant 0.000000e+00 : f32
    %broadcast_in_dim3A_388 = vector.broadcast %broadcast_in_dim3A_387 : f32 to vector<16x1xf32>
    %slice3A_389 = vector.extract_strided_slice %add3A_386 {offsets = [0, 0], sizes = [48, 1], strides = [1, 1]} : vector<64x1xf32> to vector<48x1xf32>
    %concatenate3A_390 = tpu.concatenate %broadcast_in_dim3A_388, %slice3A_389 in 0 : vector<16x1xf32>, vector<48x1xf32> -> vector<64x1xf32>
    %add3A_391 = arith.addf %add3A_386, %concatenate3A_390 : vector<64x1xf32>
    %broadcast_in_dim3A_392 = arith.constant 0.000000e+00 : f32
    %broadcast_in_dim3A_393 = vector.broadcast %broadcast_in_dim3A_392 : f32 to vector<32x1xf32>
    %slice3A_394 = vector.extract_strided_slice %add3A_391 {offsets = [0, 0], sizes = [32, 1], strides = [1, 1]} : vector<64x1xf32> to vector<32x1xf32>
    %concatenate3A_395 = tpu.concatenate %broadcast_in_dim3A_393, %slice3A_394 in 0 : vector<32x1xf32>, vector<32x1xf32> -> vector<64x1xf32>
    %add3A_396 = arith.addf %add3A_391, %concatenate3A_395 : vector<64x1xf32>
    %sub3A_397 = arith.subf %add3A_365, %convert_element_type3A_330 : vector<64x128xf32>
    %sub3A_398 = arith.subf %add3A_396, %slice3A_366 : vector<64x1xf32>
    %add3A_399 = vector.broadcast %sub3A_398 : vector<64x1xf32> to vector<64x128xf32>
    %add3A_400 = arith.addf %sub3A_397, %add3A_399 : vector<64x128xf32>
    %mul3A_401 = arith.mulf %add3A_400, %convert_element_type3A_330 : vector<64x128xf32>
    %add3A_402 = arith.addf %add3A_319, %mul3A_401 : vector<64x128xf32>
    %reduce_sum3A_403 = vector.shape_cast %convert_element_type3A_330 : vector<64x128xf32> to vector<1x64x128xf32>
    %reduce_sum3A_404 = arith.constant dense<0.000000e+00> : vector<1xf32>
    %reduce_sum3A_405 = vector.multi_reduction <add>, %reduce_sum3A_403, %reduce_sum3A_404 [1, 2] : vector<1x64x128xf32> to vector<1xf32>
    %reduce_sum3A_406 = vector.shape_cast %reduce_sum3A_405 : vector<1xf32> to vector<1x1x1xf32>
    %reduce_sum3A_407 = vector.extract %reduce_sum3A_406[0, 0, 0] : f32 from vector<1x1x1xf32>
    %reshape3A_408 = vector.broadcast %reduce_sum3A_407 : f32 to vector<1x1xf32>
    %eq3A_409 = arith.constant 5 : i32
    %eq3A_410 = vector.broadcast %eq3A_409 : i32 to vector<64x128xi32>
    %eq3A_411 = arith.cmpi eq, %get3A_1, %eq3A_410 : vector<64x128xi32>
    %convert_element_type3A_412 = arith.extui %eq3A_411 : vector<64x128xi1> to vector<64x128xi32>
    %convert_element_type3A_413 = arith.sitofp %convert_element_type3A_412 : vector<64x128xi32> to vector<64x128xf32>
    %broadcast_in_dim3A_414 = arith.constant 0.000000e+00 : f32
    %broadcast_in_dim3A_415 = vector.broadcast %broadcast_in_dim3A_414 : f32 to vector<64x1xf32>
    %slice3A_416 = vector.extract_strided_slice %convert_element_type3A_413 {offsets = [0, 0], sizes = [64, 127], strides = [1, 1]} : vector<64x128xf32> to vector<64x127xf32>
    %concatenate3A_417 = tpu.concatenate %broadcast_in_dim3A_415, %slice3A_416 in 1 : vector<64x1xf32>, vector<64x127xf32> -> vector<64x128xf32>
    %add3A_418 = arith.addf %convert_element_type3A_413, %concatenate3A_417 : vector<64x128xf32>
    %broadcast_in_dim3A_419 = arith.constant 0.000000e+00 : f32
    %broadcast_in_dim3A_420 = vector.broadcast %broadcast_in_dim3A_419 : f32 to vector<64x2xf32>
    %slice3A_421 = vector.extract_strided_slice %add3A_418 {offsets = [0, 0], sizes = [64, 126], strides = [1, 1]} : vector<64x128xf32> to vector<64x126xf32>
    %concatenate3A_422 = tpu.concatenate %broadcast_in_dim3A_420, %slice3A_421 in 1 : vector<64x2xf32>, vector<64x126xf32> -> vector<64x128xf32>
    %add3A_423 = arith.addf %add3A_418, %concatenate3A_422 : vector<64x128xf32>
    %broadcast_in_dim3A_424 = arith.constant 0.000000e+00 : f32
    %broadcast_in_dim3A_425 = vector.broadcast %broadcast_in_dim3A_424 : f32 to vector<64x4xf32>
    %slice3A_426 = vector.extract_strided_slice %add3A_423 {offsets = [0, 0], sizes = [64, 124], strides = [1, 1]} : vector<64x128xf32> to vector<64x124xf32>
    %concatenate3A_427 = tpu.concatenate %broadcast_in_dim3A_425, %slice3A_426 in 1 : vector<64x4xf32>, vector<64x124xf32> -> vector<64x128xf32>
    %add3A_428 = arith.addf %add3A_423, %concatenate3A_427 : vector<64x128xf32>
    %broadcast_in_dim3A_429 = arith.constant 0.000000e+00 : f32
    %broadcast_in_dim3A_430 = vector.broadcast %broadcast_in_dim3A_429 : f32 to vector<64x8xf32>
    %slice3A_431 = vector.extract_strided_slice %add3A_428 {offsets = [0, 0], sizes = [64, 120], strides = [1, 1]} : vector<64x128xf32> to vector<64x120xf32>
    %concatenate3A_432 = tpu.concatenate %broadcast_in_dim3A_430, %slice3A_431 in 1 : vector<64x8xf32>, vector<64x120xf32> -> vector<64x128xf32>
    %add3A_433 = arith.addf %add3A_428, %concatenate3A_432 : vector<64x128xf32>
    %broadcast_in_dim3A_434 = arith.constant 0.000000e+00 : f32
    %broadcast_in_dim3A_435 = vector.broadcast %broadcast_in_dim3A_434 : f32 to vector<64x16xf32>
    %slice3A_436 = vector.extract_strided_slice %add3A_433 {offsets = [0, 0], sizes = [64, 112], strides = [1, 1]} : vector<64x128xf32> to vector<64x112xf32>
    %concatenate3A_437 = tpu.concatenate %broadcast_in_dim3A_435, %slice3A_436 in 1 : vector<64x16xf32>, vector<64x112xf32> -> vector<64x128xf32>
    %add3A_438 = arith.addf %add3A_433, %concatenate3A_437 : vector<64x128xf32>
    %broadcast_in_dim3A_439 = arith.constant 0.000000e+00 : f32
    %broadcast_in_dim3A_440 = vector.broadcast %broadcast_in_dim3A_439 : f32 to vector<64x32xf32>
    %slice3A_441 = vector.extract_strided_slice %add3A_438 {offsets = [0, 0], sizes = [64, 96], strides = [1, 1]} : vector<64x128xf32> to vector<64x96xf32>
    %concatenate3A_442 = tpu.concatenate %broadcast_in_dim3A_440, %slice3A_441 in 1 : vector<64x32xf32>, vector<64x96xf32> -> vector<64x128xf32>
    %add3A_443 = arith.addf %add3A_438, %concatenate3A_442 : vector<64x128xf32>
    %broadcast_in_dim3A_444 = arith.constant 0.000000e+00 : f32
    %broadcast_in_dim3A_445 = vector.broadcast %broadcast_in_dim3A_444 : f32 to vector<64x64xf32>
    %slice3A_446 = vector.extract_strided_slice %add3A_443 {offsets = [0, 0], sizes = [64, 64], strides = [1, 1]} : vector<64x128xf32> to vector<64x64xf32>
    %concatenate3A_447 = tpu.concatenate %broadcast_in_dim3A_445, %slice3A_446 in 1 : vector<64x64xf32>, vector<64x64xf32> -> vector<64x128xf32>
    %add3A_448 = arith.addf %add3A_443, %concatenate3A_447 : vector<64x128xf32>
    %slice3A_449 = vector.extract_strided_slice %add3A_448 {offsets = [0, 127], sizes = [64, 1], strides = [1, 1]} : vector<64x128xf32> to vector<64x1xf32>
    %broadcast_in_dim3A_450 = arith.constant 0.000000e+00 : f32
    %broadcast_in_dim3A_451 = vector.broadcast %broadcast_in_dim3A_450 : f32 to vector<1x1xf32>
    %slice3A_452 = vector.extract_strided_slice %slice3A_449 {offsets = [0, 0], sizes = [63, 1], strides = [1, 1]} : vector<64x1xf32> to vector<63x1xf32>
    %concatenate3A_453 = tpu.concatenate %broadcast_in_dim3A_451, %slice3A_452 in 0 : vector<1x1xf32>, vector<63x1xf32> -> vector<64x1xf32>
    %add3A_454 = arith.addf %slice3A_449, %concatenate3A_453 : vector<64x1xf32>
    %broadcast_in_dim3A_455 = arith.constant 0.000000e+00 : f32
    %broadcast_in_dim3A_456 = vector.broadcast %broadcast_in_dim3A_455 : f32 to vector<2x1xf32>
    %slice3A_457 = vector.extract_strided_slice %add3A_454 {offsets = [0, 0], sizes = [62, 1], strides = [1, 1]} : vector<64x1xf32> to vector<62x1xf32>
    %concatenate3A_458 = tpu.concatenate %broadcast_in_dim3A_456, %slice3A_457 in 0 : vector<2x1xf32>, vector<62x1xf32> -> vector<64x1xf32>
    %add3A_459 = arith.addf %add3A_454, %concatenate3A_458 : vector<64x1xf32>
    %broadcast_in_dim3A_460 = arith.constant 0.000000e+00 : f32
    %broadcast_in_dim3A_461 = vector.broadcast %broadcast_in_dim3A_460 : f32 to vector<4x1xf32>
    %slice3A_462 = vector.extract_strided_slice %add3A_459 {offsets = [0, 0], sizes = [60, 1], strides = [1, 1]} : vector<64x1xf32> to vector<60x1xf32>
    %concatenate3A_463 = tpu.concatenate %broadcast_in_dim3A_461, %slice3A_462 in 0 : vector<4x1xf32>, vector<60x1xf32> -> vector<64x1xf32>
    %add3A_464 = arith.addf %add3A_459, %concatenate3A_463 : vector<64x1xf32>
    %broadcast_in_dim3A_465 = arith.constant 0.000000e+00 : f32
    %broadcast_in_dim3A_466 = vector.broadcast %broadcast_in_dim3A_465 : f32 to vector<8x1xf32>
    %slice3A_467 = vector.extract_strided_slice %add3A_464 {offsets = [0, 0], sizes = [56, 1], strides = [1, 1]} : vector<64x1xf32> to vector<56x1xf32>
    %concatenate3A_468 = tpu.concatenate %broadcast_in_dim3A_466, %slice3A_467 in 0 : vector<8x1xf32>, vector<56x1xf32> -> vector<64x1xf32>
    %add3A_469 = arith.addf %add3A_464, %concatenate3A_468 : vector<64x1xf32>
    %broadcast_in_dim3A_470 = arith.constant 0.000000e+00 : f32
    %broadcast_in_dim3A_471 = vector.broadcast %broadcast_in_dim3A_470 : f32 to vector<16x1xf32>
    %slice3A_472 = vector.extract_strided_slice %add3A_469 {offsets = [0, 0], sizes = [48, 1], strides = [1, 1]} : vector<64x1xf32> to vector<48x1xf32>
    %concatenate3A_473 = tpu.concatenate %broadcast_in_dim3A_471, %slice3A_472 in 0 : vector<16x1xf32>, vector<48x1xf32> -> vector<64x1xf32>
    %add3A_474 = arith.addf %add3A_469, %concatenate3A_473 : vector<64x1xf32>
    %broadcast_in_dim3A_475 = arith.constant 0.000000e+00 : f32
    %broadcast_in_dim3A_476 = vector.broadcast %broadcast_in_dim3A_475 : f32 to vector<32x1xf32>
    %slice3A_477 = vector.extract_strided_slice %add3A_474 {offsets = [0, 0], sizes = [32, 1], strides = [1, 1]} : vector<64x1xf32> to vector<32x1xf32>
    %concatenate3A_478 = tpu.concatenate %broadcast_in_dim3A_476, %slice3A_477 in 0 : vector<32x1xf32>, vector<32x1xf32> -> vector<64x1xf32>
    %add3A_479 = arith.addf %add3A_474, %concatenate3A_478 : vector<64x1xf32>
    %sub3A_480 = arith.subf %add3A_448, %convert_element_type3A_413 : vector<64x128xf32>
    %sub3A_481 = arith.subf %add3A_479, %slice3A_449 : vector<64x1xf32>
    %add3A_482 = vector.broadcast %sub3A_481 : vector<64x1xf32> to vector<64x128xf32>
    %add3A_483 = arith.addf %sub3A_480, %add3A_482 : vector<64x128xf32>
    %mul3A_484 = arith.mulf %add3A_483, %convert_element_type3A_413 : vector<64x128xf32>
    %add3A_485 = arith.addf %add3A_402, %mul3A_484 : vector<64x128xf32>
    %reduce_sum3A_486 = vector.shape_cast %convert_element_type3A_413 : vector<64x128xf32> to vector<1x64x128xf32>
    %reduce_sum3A_487 = arith.constant dense<0.000000e+00> : vector<1xf32>
    %reduce_sum3A_488 = vector.multi_reduction <add>, %reduce_sum3A_486, %reduce_sum3A_487 [1, 2] : vector<1x64x128xf32> to vector<1xf32>
    %reduce_sum3A_489 = vector.shape_cast %reduce_sum3A_488 : vector<1xf32> to vector<1x1x1xf32>
    %reduce_sum3A_490 = vector.extract %reduce_sum3A_489[0, 0, 0] : f32 from vector<1x1x1xf32>
    %reshape3A_491 = vector.broadcast %reduce_sum3A_490 : f32 to vector<1x1xf32>
    %eq3A_492 = arith.constant 6 : i32
    %eq3A_493 = vector.broadcast %eq3A_492 : i32 to vector<64x128xi32>
    %eq3A_494 = arith.cmpi eq, %get3A_1, %eq3A_493 : vector<64x128xi32>
    %convert_element_type3A_495 = arith.extui %eq3A_494 : vector<64x128xi1> to vector<64x128xi32>
    %convert_element_type3A_496 = arith.sitofp %convert_element_type3A_495 : vector<64x128xi32> to vector<64x128xf32>
    %broadcast_in_dim3A_497 = arith.constant 0.000000e+00 : f32
    %broadcast_in_dim3A_498 = vector.broadcast %broadcast_in_dim3A_497 : f32 to vector<64x1xf32>
    %slice3A_499 = vector.extract_strided_slice %convert_element_type3A_496 {offsets = [0, 0], sizes = [64, 127], strides = [1, 1]} : vector<64x128xf32> to vector<64x127xf32>
    %concatenate3A_500 = tpu.concatenate %broadcast_in_dim3A_498, %slice3A_499 in 1 : vector<64x1xf32>, vector<64x127xf32> -> vector<64x128xf32>
    %add3A_501 = arith.addf %convert_element_type3A_496, %concatenate3A_500 : vector<64x128xf32>
    %broadcast_in_dim3A_502 = arith.constant 0.000000e+00 : f32
    %broadcast_in_dim3A_503 = vector.broadcast %broadcast_in_dim3A_502 : f32 to vector<64x2xf32>
    %slice3A_504 = vector.extract_strided_slice %add3A_501 {offsets = [0, 0], sizes = [64, 126], strides = [1, 1]} : vector<64x128xf32> to vector<64x126xf32>
    %concatenate3A_505 = tpu.concatenate %broadcast_in_dim3A_503, %slice3A_504 in 1 : vector<64x2xf32>, vector<64x126xf32> -> vector<64x128xf32>
    %add3A_506 = arith.addf %add3A_501, %concatenate3A_505 : vector<64x128xf32>
    %broadcast_in_dim3A_507 = arith.constant 0.000000e+00 : f32
    %broadcast_in_dim3A_508 = vector.broadcast %broadcast_in_dim3A_507 : f32 to vector<64x4xf32>
    %slice3A_509 = vector.extract_strided_slice %add3A_506 {offsets = [0, 0], sizes = [64, 124], strides = [1, 1]} : vector<64x128xf32> to vector<64x124xf32>
    %concatenate3A_510 = tpu.concatenate %broadcast_in_dim3A_508, %slice3A_509 in 1 : vector<64x4xf32>, vector<64x124xf32> -> vector<64x128xf32>
    %add3A_511 = arith.addf %add3A_506, %concatenate3A_510 : vector<64x128xf32>
    %broadcast_in_dim3A_512 = arith.constant 0.000000e+00 : f32
    %broadcast_in_dim3A_513 = vector.broadcast %broadcast_in_dim3A_512 : f32 to vector<64x8xf32>
    %slice3A_514 = vector.extract_strided_slice %add3A_511 {offsets = [0, 0], sizes = [64, 120], strides = [1, 1]} : vector<64x128xf32> to vector<64x120xf32>
    %concatenate3A_515 = tpu.concatenate %broadcast_in_dim3A_513, %slice3A_514 in 1 : vector<64x8xf32>, vector<64x120xf32> -> vector<64x128xf32>
    %add3A_516 = arith.addf %add3A_511, %concatenate3A_515 : vector<64x128xf32>
    %broadcast_in_dim3A_517 = arith.constant 0.000000e+00 : f32
    %broadcast_in_dim3A_518 = vector.broadcast %broadcast_in_dim3A_517 : f32 to vector<64x16xf32>
    %slice3A_519 = vector.extract_strided_slice %add3A_516 {offsets = [0, 0], sizes = [64, 112], strides = [1, 1]} : vector<64x128xf32> to vector<64x112xf32>
    %concatenate3A_520 = tpu.concatenate %broadcast_in_dim3A_518, %slice3A_519 in 1 : vector<64x16xf32>, vector<64x112xf32> -> vector<64x128xf32>
    %add3A_521 = arith.addf %add3A_516, %concatenate3A_520 : vector<64x128xf32>
    %broadcast_in_dim3A_522 = arith.constant 0.000000e+00 : f32
    %broadcast_in_dim3A_523 = vector.broadcast %broadcast_in_dim3A_522 : f32 to vector<64x32xf32>
    %slice3A_524 = vector.extract_strided_slice %add3A_521 {offsets = [0, 0], sizes = [64, 96], strides = [1, 1]} : vector<64x128xf32> to vector<64x96xf32>
    %concatenate3A_525 = tpu.concatenate %broadcast_in_dim3A_523, %slice3A_524 in 1 : vector<64x32xf32>, vector<64x96xf32> -> vector<64x128xf32>
    %add3A_526 = arith.addf %add3A_521, %concatenate3A_525 : vector<64x128xf32>
    %broadcast_in_dim3A_527 = arith.constant 0.000000e+00 : f32
    %broadcast_in_dim3A_528 = vector.broadcast %broadcast_in_dim3A_527 : f32 to vector<64x64xf32>
    %slice3A_529 = vector.extract_strided_slice %add3A_526 {offsets = [0, 0], sizes = [64, 64], strides = [1, 1]} : vector<64x128xf32> to vector<64x64xf32>
    %concatenate3A_530 = tpu.concatenate %broadcast_in_dim3A_528, %slice3A_529 in 1 : vector<64x64xf32>, vector<64x64xf32> -> vector<64x128xf32>
    %add3A_531 = arith.addf %add3A_526, %concatenate3A_530 : vector<64x128xf32>
    %slice3A_532 = vector.extract_strided_slice %add3A_531 {offsets = [0, 127], sizes = [64, 1], strides = [1, 1]} : vector<64x128xf32> to vector<64x1xf32>
    %broadcast_in_dim3A_533 = arith.constant 0.000000e+00 : f32
    %broadcast_in_dim3A_534 = vector.broadcast %broadcast_in_dim3A_533 : f32 to vector<1x1xf32>
    %slice3A_535 = vector.extract_strided_slice %slice3A_532 {offsets = [0, 0], sizes = [63, 1], strides = [1, 1]} : vector<64x1xf32> to vector<63x1xf32>
    %concatenate3A_536 = tpu.concatenate %broadcast_in_dim3A_534, %slice3A_535 in 0 : vector<1x1xf32>, vector<63x1xf32> -> vector<64x1xf32>
    %add3A_537 = arith.addf %slice3A_532, %concatenate3A_536 : vector<64x1xf32>
    %broadcast_in_dim3A_538 = arith.constant 0.000000e+00 : f32
    %broadcast_in_dim3A_539 = vector.broadcast %broadcast_in_dim3A_538 : f32 to vector<2x1xf32>
    %slice3A_540 = vector.extract_strided_slice %add3A_537 {offsets = [0, 0], sizes = [62, 1], strides = [1, 1]} : vector<64x1xf32> to vector<62x1xf32>
    %concatenate3A_541 = tpu.concatenate %broadcast_in_dim3A_539, %slice3A_540 in 0 : vector<2x1xf32>, vector<62x1xf32> -> vector<64x1xf32>
    %add3A_542 = arith.addf %add3A_537, %concatenate3A_541 : vector<64x1xf32>
    %broadcast_in_dim3A_543 = arith.constant 0.000000e+00 : f32
    %broadcast_in_dim3A_544 = vector.broadcast %broadcast_in_dim3A_543 : f32 to vector<4x1xf32>
    %slice3A_545 = vector.extract_strided_slice %add3A_542 {offsets = [0, 0], sizes = [60, 1], strides = [1, 1]} : vector<64x1xf32> to vector<60x1xf32>
    %concatenate3A_546 = tpu.concatenate %broadcast_in_dim3A_544, %slice3A_545 in 0 : vector<4x1xf32>, vector<60x1xf32> -> vector<64x1xf32>
    %add3A_547 = arith.addf %add3A_542, %concatenate3A_546 : vector<64x1xf32>
    %broadcast_in_dim3A_548 = arith.constant 0.000000e+00 : f32
    %broadcast_in_dim3A_549 = vector.broadcast %broadcast_in_dim3A_548 : f32 to vector<8x1xf32>
    %slice3A_550 = vector.extract_strided_slice %add3A_547 {offsets = [0, 0], sizes = [56, 1], strides = [1, 1]} : vector<64x1xf32> to vector<56x1xf32>
    %concatenate3A_551 = tpu.concatenate %broadcast_in_dim3A_549, %slice3A_550 in 0 : vector<8x1xf32>, vector<56x1xf32> -> vector<64x1xf32>
    %add3A_552 = arith.addf %add3A_547, %concatenate3A_551 : vector<64x1xf32>
    %broadcast_in_dim3A_553 = arith.constant 0.000000e+00 : f32
    %broadcast_in_dim3A_554 = vector.broadcast %broadcast_in_dim3A_553 : f32 to vector<16x1xf32>
    %slice3A_555 = vector.extract_strided_slice %add3A_552 {offsets = [0, 0], sizes = [48, 1], strides = [1, 1]} : vector<64x1xf32> to vector<48x1xf32>
    %concatenate3A_556 = tpu.concatenate %broadcast_in_dim3A_554, %slice3A_555 in 0 : vector<16x1xf32>, vector<48x1xf32> -> vector<64x1xf32>
    %add3A_557 = arith.addf %add3A_552, %concatenate3A_556 : vector<64x1xf32>
    %broadcast_in_dim3A_558 = arith.constant 0.000000e+00 : f32
    %broadcast_in_dim3A_559 = vector.broadcast %broadcast_in_dim3A_558 : f32 to vector<32x1xf32>
    %slice3A_560 = vector.extract_strided_slice %add3A_557 {offsets = [0, 0], sizes = [32, 1], strides = [1, 1]} : vector<64x1xf32> to vector<32x1xf32>
    %concatenate3A_561 = tpu.concatenate %broadcast_in_dim3A_559, %slice3A_560 in 0 : vector<32x1xf32>, vector<32x1xf32> -> vector<64x1xf32>
    %add3A_562 = arith.addf %add3A_557, %concatenate3A_561 : vector<64x1xf32>
    %sub3A_563 = arith.subf %add3A_531, %convert_element_type3A_496 : vector<64x128xf32>
    %sub3A_564 = arith.subf %add3A_562, %slice3A_532 : vector<64x1xf32>
    %add3A_565 = vector.broadcast %sub3A_564 : vector<64x1xf32> to vector<64x128xf32>
    %add3A_566 = arith.addf %sub3A_563, %add3A_565 : vector<64x128xf32>
    %mul3A_567 = arith.mulf %add3A_566, %convert_element_type3A_496 : vector<64x128xf32>
    %add3A_568 = arith.addf %add3A_485, %mul3A_567 : vector<64x128xf32>
    %reduce_sum3A_569 = vector.shape_cast %convert_element_type3A_496 : vector<64x128xf32> to vector<1x64x128xf32>
    %reduce_sum3A_570 = arith.constant dense<0.000000e+00> : vector<1xf32>
    %reduce_sum3A_571 = vector.multi_reduction <add>, %reduce_sum3A_569, %reduce_sum3A_570 [1, 2] : vector<1x64x128xf32> to vector<1xf32>
    %reduce_sum3A_572 = vector.shape_cast %reduce_sum3A_571 : vector<1xf32> to vector<1x1x1xf32>
    %reduce_sum3A_573 = vector.extract %reduce_sum3A_572[0, 0, 0] : f32 from vector<1x1x1xf32>
    %reshape3A_574 = vector.broadcast %reduce_sum3A_573 : f32 to vector<1x1xf32>
    %eq3A_575 = arith.constant 7 : i32
    %eq3A_576 = vector.broadcast %eq3A_575 : i32 to vector<64x128xi32>
    %eq3A_577 = arith.cmpi eq, %get3A_1, %eq3A_576 : vector<64x128xi32>
    %convert_element_type3A_578 = arith.extui %eq3A_577 : vector<64x128xi1> to vector<64x128xi32>
    %convert_element_type3A_579 = arith.sitofp %convert_element_type3A_578 : vector<64x128xi32> to vector<64x128xf32>
    %broadcast_in_dim3A_580 = arith.constant 0.000000e+00 : f32
    %broadcast_in_dim3A_581 = vector.broadcast %broadcast_in_dim3A_580 : f32 to vector<64x1xf32>
    %slice3A_582 = vector.extract_strided_slice %convert_element_type3A_579 {offsets = [0, 0], sizes = [64, 127], strides = [1, 1]} : vector<64x128xf32> to vector<64x127xf32>
    %concatenate3A_583 = tpu.concatenate %broadcast_in_dim3A_581, %slice3A_582 in 1 : vector<64x1xf32>, vector<64x127xf32> -> vector<64x128xf32>
    %add3A_584 = arith.addf %convert_element_type3A_579, %concatenate3A_583 : vector<64x128xf32>
    %broadcast_in_dim3A_585 = arith.constant 0.000000e+00 : f32
    %broadcast_in_dim3A_586 = vector.broadcast %broadcast_in_dim3A_585 : f32 to vector<64x2xf32>
    %slice3A_587 = vector.extract_strided_slice %add3A_584 {offsets = [0, 0], sizes = [64, 126], strides = [1, 1]} : vector<64x128xf32> to vector<64x126xf32>
    %concatenate3A_588 = tpu.concatenate %broadcast_in_dim3A_586, %slice3A_587 in 1 : vector<64x2xf32>, vector<64x126xf32> -> vector<64x128xf32>
    %add3A_589 = arith.addf %add3A_584, %concatenate3A_588 : vector<64x128xf32>
    %broadcast_in_dim3A_590 = arith.constant 0.000000e+00 : f32
    %broadcast_in_dim3A_591 = vector.broadcast %broadcast_in_dim3A_590 : f32 to vector<64x4xf32>
    %slice3A_592 = vector.extract_strided_slice %add3A_589 {offsets = [0, 0], sizes = [64, 124], strides = [1, 1]} : vector<64x128xf32> to vector<64x124xf32>
    %concatenate3A_593 = tpu.concatenate %broadcast_in_dim3A_591, %slice3A_592 in 1 : vector<64x4xf32>, vector<64x124xf32> -> vector<64x128xf32>
    %add3A_594 = arith.addf %add3A_589, %concatenate3A_593 : vector<64x128xf32>
    %broadcast_in_dim3A_595 = arith.constant 0.000000e+00 : f32
    %broadcast_in_dim3A_596 = vector.broadcast %broadcast_in_dim3A_595 : f32 to vector<64x8xf32>
    %slice3A_597 = vector.extract_strided_slice %add3A_594 {offsets = [0, 0], sizes = [64, 120], strides = [1, 1]} : vector<64x128xf32> to vector<64x120xf32>
    %concatenate3A_598 = tpu.concatenate %broadcast_in_dim3A_596, %slice3A_597 in 1 : vector<64x8xf32>, vector<64x120xf32> -> vector<64x128xf32>
    %add3A_599 = arith.addf %add3A_594, %concatenate3A_598 : vector<64x128xf32>
    %broadcast_in_dim3A_600 = arith.constant 0.000000e+00 : f32
    %broadcast_in_dim3A_601 = vector.broadcast %broadcast_in_dim3A_600 : f32 to vector<64x16xf32>
    %slice3A_602 = vector.extract_strided_slice %add3A_599 {offsets = [0, 0], sizes = [64, 112], strides = [1, 1]} : vector<64x128xf32> to vector<64x112xf32>
    %concatenate3A_603 = tpu.concatenate %broadcast_in_dim3A_601, %slice3A_602 in 1 : vector<64x16xf32>, vector<64x112xf32> -> vector<64x128xf32>
    %add3A_604 = arith.addf %add3A_599, %concatenate3A_603 : vector<64x128xf32>
    %broadcast_in_dim3A_605 = arith.constant 0.000000e+00 : f32
    %broadcast_in_dim3A_606 = vector.broadcast %broadcast_in_dim3A_605 : f32 to vector<64x32xf32>
    %slice3A_607 = vector.extract_strided_slice %add3A_604 {offsets = [0, 0], sizes = [64, 96], strides = [1, 1]} : vector<64x128xf32> to vector<64x96xf32>
    %concatenate3A_608 = tpu.concatenate %broadcast_in_dim3A_606, %slice3A_607 in 1 : vector<64x32xf32>, vector<64x96xf32> -> vector<64x128xf32>
    %add3A_609 = arith.addf %add3A_604, %concatenate3A_608 : vector<64x128xf32>
    %broadcast_in_dim3A_610 = arith.constant 0.000000e+00 : f32
    %broadcast_in_dim3A_611 = vector.broadcast %broadcast_in_dim3A_610 : f32 to vector<64x64xf32>
    %slice3A_612 = vector.extract_strided_slice %add3A_609 {offsets = [0, 0], sizes = [64, 64], strides = [1, 1]} : vector<64x128xf32> to vector<64x64xf32>
    %concatenate3A_613 = tpu.concatenate %broadcast_in_dim3A_611, %slice3A_612 in 1 : vector<64x64xf32>, vector<64x64xf32> -> vector<64x128xf32>
    %add3A_614 = arith.addf %add3A_609, %concatenate3A_613 : vector<64x128xf32>
    %slice3A_615 = vector.extract_strided_slice %add3A_614 {offsets = [0, 127], sizes = [64, 1], strides = [1, 1]} : vector<64x128xf32> to vector<64x1xf32>
    %broadcast_in_dim3A_616 = arith.constant 0.000000e+00 : f32
    %broadcast_in_dim3A_617 = vector.broadcast %broadcast_in_dim3A_616 : f32 to vector<1x1xf32>
    %slice3A_618 = vector.extract_strided_slice %slice3A_615 {offsets = [0, 0], sizes = [63, 1], strides = [1, 1]} : vector<64x1xf32> to vector<63x1xf32>
    %concatenate3A_619 = tpu.concatenate %broadcast_in_dim3A_617, %slice3A_618 in 0 : vector<1x1xf32>, vector<63x1xf32> -> vector<64x1xf32>
    %add3A_620 = arith.addf %slice3A_615, %concatenate3A_619 : vector<64x1xf32>
    %broadcast_in_dim3A_621 = arith.constant 0.000000e+00 : f32
    %broadcast_in_dim3A_622 = vector.broadcast %broadcast_in_dim3A_621 : f32 to vector<2x1xf32>
    %slice3A_623 = vector.extract_strided_slice %add3A_620 {offsets = [0, 0], sizes = [62, 1], strides = [1, 1]} : vector<64x1xf32> to vector<62x1xf32>
    %concatenate3A_624 = tpu.concatenate %broadcast_in_dim3A_622, %slice3A_623 in 0 : vector<2x1xf32>, vector<62x1xf32> -> vector<64x1xf32>
    %add3A_625 = arith.addf %add3A_620, %concatenate3A_624 : vector<64x1xf32>
    %broadcast_in_dim3A_626 = arith.constant 0.000000e+00 : f32
    %broadcast_in_dim3A_627 = vector.broadcast %broadcast_in_dim3A_626 : f32 to vector<4x1xf32>
    %slice3A_628 = vector.extract_strided_slice %add3A_625 {offsets = [0, 0], sizes = [60, 1], strides = [1, 1]} : vector<64x1xf32> to vector<60x1xf32>
    %concatenate3A_629 = tpu.concatenate %broadcast_in_dim3A_627, %slice3A_628 in 0 : vector<4x1xf32>, vector<60x1xf32> -> vector<64x1xf32>
    %add3A_630 = arith.addf %add3A_625, %concatenate3A_629 : vector<64x1xf32>
    %broadcast_in_dim3A_631 = arith.constant 0.000000e+00 : f32
    %broadcast_in_dim3A_632 = vector.broadcast %broadcast_in_dim3A_631 : f32 to vector<8x1xf32>
    %slice3A_633 = vector.extract_strided_slice %add3A_630 {offsets = [0, 0], sizes = [56, 1], strides = [1, 1]} : vector<64x1xf32> to vector<56x1xf32>
    %concatenate3A_634 = tpu.concatenate %broadcast_in_dim3A_632, %slice3A_633 in 0 : vector<8x1xf32>, vector<56x1xf32> -> vector<64x1xf32>
    %add3A_635 = arith.addf %add3A_630, %concatenate3A_634 : vector<64x1xf32>
    %broadcast_in_dim3A_636 = arith.constant 0.000000e+00 : f32
    %broadcast_in_dim3A_637 = vector.broadcast %broadcast_in_dim3A_636 : f32 to vector<16x1xf32>
    %slice3A_638 = vector.extract_strided_slice %add3A_635 {offsets = [0, 0], sizes = [48, 1], strides = [1, 1]} : vector<64x1xf32> to vector<48x1xf32>
    %concatenate3A_639 = tpu.concatenate %broadcast_in_dim3A_637, %slice3A_638 in 0 : vector<16x1xf32>, vector<48x1xf32> -> vector<64x1xf32>
    %add3A_640 = arith.addf %add3A_635, %concatenate3A_639 : vector<64x1xf32>
    %broadcast_in_dim3A_641 = arith.constant 0.000000e+00 : f32
    %broadcast_in_dim3A_642 = vector.broadcast %broadcast_in_dim3A_641 : f32 to vector<32x1xf32>
    %slice3A_643 = vector.extract_strided_slice %add3A_640 {offsets = [0, 0], sizes = [32, 1], strides = [1, 1]} : vector<64x1xf32> to vector<32x1xf32>
    %concatenate3A_644 = tpu.concatenate %broadcast_in_dim3A_642, %slice3A_643 in 0 : vector<32x1xf32>, vector<32x1xf32> -> vector<64x1xf32>
    %add3A_645 = arith.addf %add3A_640, %concatenate3A_644 : vector<64x1xf32>
    %sub3A_646 = arith.subf %add3A_614, %convert_element_type3A_579 : vector<64x128xf32>
    %sub3A_647 = arith.subf %add3A_645, %slice3A_615 : vector<64x1xf32>
    %add3A_648 = vector.broadcast %sub3A_647 : vector<64x1xf32> to vector<64x128xf32>
    %add3A_649 = arith.addf %sub3A_646, %add3A_648 : vector<64x128xf32>
    %mul3A_650 = arith.mulf %add3A_649, %convert_element_type3A_579 : vector<64x128xf32>
    %add3A_651 = arith.addf %add3A_568, %mul3A_650 : vector<64x128xf32>
    %reduce_sum3A_652 = vector.shape_cast %convert_element_type3A_579 : vector<64x128xf32> to vector<1x64x128xf32>
    %reduce_sum3A_653 = arith.constant dense<0.000000e+00> : vector<1xf32>
    %reduce_sum3A_654 = vector.multi_reduction <add>, %reduce_sum3A_652, %reduce_sum3A_653 [1, 2] : vector<1x64x128xf32> to vector<1xf32>
    %reduce_sum3A_655 = vector.shape_cast %reduce_sum3A_654 : vector<1xf32> to vector<1x1x1xf32>
    %reduce_sum3A_656 = vector.extract %reduce_sum3A_655[0, 0, 0] : f32 from vector<1x1x1xf32>
    %reshape3A_657 = vector.broadcast %reduce_sum3A_656 : f32 to vector<1x1xf32>
    %broadcast_in_dim3A_658 = arith.constant 0.000000e+00 : f32
    %broadcast_in_dim3A_659 = vector.broadcast %broadcast_in_dim3A_658 : f32 to vector<1x1xf32>
    %broadcast_in_dim3A_660 = arith.constant 0.000000e+00 : f32
    %broadcast_in_dim3A_661 = vector.broadcast %broadcast_in_dim3A_660 : f32 to vector<64x128xf32>
    %add3A_662 = arith.constant 1.270000e+02 : f32
    %add3A_663 = vector.broadcast %add3A_662 : f32 to vector<1x1xf32>
    %add3A_664 = arith.addf %reshape3A, %add3A_663 : vector<1x1xf32>
    %div3A = arith.constant 1.280000e+02 : f32
    %div3A_665 = vector.broadcast %div3A : f32 to vector<1x1xf32>
    %div3A_666 = arith.divf %add3A_664, %div3A_665 : vector<1x1xf32>
    %floor3A = math.floor %div3A_666 : vector<1x1xf32>
    %mul3A_667 = arith.constant 1.280000e+02 : f32
    %mul3A_668 = vector.broadcast %mul3A_667 : f32 to vector<1x1xf32>
    %mul3A_669 = arith.mulf %floor3A, %mul3A_668 : vector<1x1xf32>
    %mul3A_670 = vector.broadcast %broadcast_in_dim3A_659 : vector<1x1xf32> to vector<64x128xf32>
    %mul3A_671 = arith.mulf %convert_element_type3A_5, %mul3A_670 : vector<64x128xf32>
    %add3A_672 = arith.addf %broadcast_in_dim3A_661, %mul3A_671 : vector<64x128xf32>
    %add3A_673 = arith.addf %broadcast_in_dim3A_659, %mul3A_669 : vector<1x1xf32>
    %add3A_674 = arith.addf %broadcast_in_dim3A_659, %mul3A_669 : vector<1x1xf32>
    %add3A_675 = arith.constant 1.270000e+02 : f32
    %add3A_676 = vector.broadcast %add3A_675 : f32 to vector<1x1xf32>
    %add3A_677 = arith.addf %reshape3A_159, %add3A_676 : vector<1x1xf32>
    %div3A_678 = arith.constant 1.280000e+02 : f32
    %div3A_679 = vector.broadcast %div3A_678 : f32 to vector<1x1xf32>
    %div3A_680 = arith.divf %add3A_677, %div3A_679 : vector<1x1xf32>
    %floor3A_681 = math.floor %div3A_680 : vector<1x1xf32>
    %mul3A_682 = arith.constant 1.280000e+02 : f32
    %mul3A_683 = vector.broadcast %mul3A_682 : f32 to vector<1x1xf32>
    %mul3A_684 = arith.mulf %floor3A_681, %mul3A_683 : vector<1x1xf32>
    %mul3A_685 = vector.broadcast %add3A_674 : vector<1x1xf32> to vector<64x128xf32>
    %mul3A_686 = arith.mulf %convert_element_type3A_81, %mul3A_685 : vector<64x128xf32>
    %add3A_687 = arith.addf %add3A_672, %mul3A_686 : vector<64x128xf32>
    %add3A_688 = arith.addf %add3A_674, %mul3A_684 : vector<1x1xf32>
    %add3A_689 = arith.addf %add3A_674, %mul3A_684 : vector<1x1xf32>
    %add3A_690 = arith.constant 1.270000e+02 : f32
    %add3A_691 = vector.broadcast %add3A_690 : f32 to vector<1x1xf32>
    %add3A_692 = arith.addf %reshape3A_242, %add3A_691 : vector<1x1xf32>
    %div3A_693 = arith.constant 1.280000e+02 : f32
    %div3A_694 = vector.broadcast %div3A_693 : f32 to vector<1x1xf32>
    %div3A_695 = arith.divf %add3A_692, %div3A_694 : vector<1x1xf32>
    %floor3A_696 = math.floor %div3A_695 : vector<1x1xf32>
    %mul3A_697 = arith.constant 1.280000e+02 : f32
    %mul3A_698 = vector.broadcast %mul3A_697 : f32 to vector<1x1xf32>
    %mul3A_699 = arith.mulf %floor3A_696, %mul3A_698 : vector<1x1xf32>
    %mul3A_700 = vector.broadcast %add3A_689 : vector<1x1xf32> to vector<64x128xf32>
    %mul3A_701 = arith.mulf %convert_element_type3A_164, %mul3A_700 : vector<64x128xf32>
    %add3A_702 = arith.addf %add3A_687, %mul3A_701 : vector<64x128xf32>
    %add3A_703 = arith.addf %add3A_689, %mul3A_699 : vector<1x1xf32>
    %add3A_704 = arith.addf %add3A_689, %mul3A_699 : vector<1x1xf32>
    %add3A_705 = arith.constant 1.270000e+02 : f32
    %add3A_706 = vector.broadcast %add3A_705 : f32 to vector<1x1xf32>
    %add3A_707 = arith.addf %reshape3A_325, %add3A_706 : vector<1x1xf32>
    %div3A_708 = arith.constant 1.280000e+02 : f32
    %div3A_709 = vector.broadcast %div3A_708 : f32 to vector<1x1xf32>
    %div3A_710 = arith.divf %add3A_707, %div3A_709 : vector<1x1xf32>
    %floor3A_711 = math.floor %div3A_710 : vector<1x1xf32>
    %mul3A_712 = arith.constant 1.280000e+02 : f32
    %mul3A_713 = vector.broadcast %mul3A_712 : f32 to vector<1x1xf32>
    %mul3A_714 = arith.mulf %floor3A_711, %mul3A_713 : vector<1x1xf32>
    %mul3A_715 = vector.broadcast %add3A_704 : vector<1x1xf32> to vector<64x128xf32>
    %mul3A_716 = arith.mulf %convert_element_type3A_247, %mul3A_715 : vector<64x128xf32>
    %add3A_717 = arith.addf %add3A_702, %mul3A_716 : vector<64x128xf32>
    %add3A_718 = arith.addf %add3A_704, %mul3A_714 : vector<1x1xf32>
    %add3A_719 = arith.addf %add3A_704, %mul3A_714 : vector<1x1xf32>
    %add3A_720 = arith.constant 1.270000e+02 : f32
    %add3A_721 = vector.broadcast %add3A_720 : f32 to vector<1x1xf32>
    %add3A_722 = arith.addf %reshape3A_408, %add3A_721 : vector<1x1xf32>
    %div3A_723 = arith.constant 1.280000e+02 : f32
    %div3A_724 = vector.broadcast %div3A_723 : f32 to vector<1x1xf32>
    %div3A_725 = arith.divf %add3A_722, %div3A_724 : vector<1x1xf32>
    %floor3A_726 = math.floor %div3A_725 : vector<1x1xf32>
    %mul3A_727 = arith.constant 1.280000e+02 : f32
    %mul3A_728 = vector.broadcast %mul3A_727 : f32 to vector<1x1xf32>
    %mul3A_729 = arith.mulf %floor3A_726, %mul3A_728 : vector<1x1xf32>
    %mul3A_730 = vector.broadcast %add3A_719 : vector<1x1xf32> to vector<64x128xf32>
    %mul3A_731 = arith.mulf %convert_element_type3A_330, %mul3A_730 : vector<64x128xf32>
    %add3A_732 = arith.addf %add3A_717, %mul3A_731 : vector<64x128xf32>
    %add3A_733 = arith.addf %add3A_719, %mul3A_729 : vector<1x1xf32>
    %add3A_734 = arith.addf %add3A_719, %mul3A_729 : vector<1x1xf32>
    %add3A_735 = arith.constant 1.270000e+02 : f32
    %add3A_736 = vector.broadcast %add3A_735 : f32 to vector<1x1xf32>
    %add3A_737 = arith.addf %reshape3A_491, %add3A_736 : vector<1x1xf32>
    %div3A_738 = arith.constant 1.280000e+02 : f32
    %div3A_739 = vector.broadcast %div3A_738 : f32 to vector<1x1xf32>
    %div3A_740 = arith.divf %add3A_737, %div3A_739 : vector<1x1xf32>
    %floor3A_741 = math.floor %div3A_740 : vector<1x1xf32>
    %mul3A_742 = arith.constant 1.280000e+02 : f32
    %mul3A_743 = vector.broadcast %mul3A_742 : f32 to vector<1x1xf32>
    %mul3A_744 = arith.mulf %floor3A_741, %mul3A_743 : vector<1x1xf32>
    %mul3A_745 = vector.broadcast %add3A_734 : vector<1x1xf32> to vector<64x128xf32>
    %mul3A_746 = arith.mulf %convert_element_type3A_413, %mul3A_745 : vector<64x128xf32>
    %add3A_747 = arith.addf %add3A_732, %mul3A_746 : vector<64x128xf32>
    %add3A_748 = arith.addf %add3A_734, %mul3A_744 : vector<1x1xf32>
    %add3A_749 = arith.addf %add3A_734, %mul3A_744 : vector<1x1xf32>
    %add3A_750 = arith.constant 1.270000e+02 : f32
    %add3A_751 = vector.broadcast %add3A_750 : f32 to vector<1x1xf32>
    %add3A_752 = arith.addf %reshape3A_574, %add3A_751 : vector<1x1xf32>
    %div3A_753 = arith.constant 1.280000e+02 : f32
    %div3A_754 = vector.broadcast %div3A_753 : f32 to vector<1x1xf32>
    %div3A_755 = arith.divf %add3A_752, %div3A_754 : vector<1x1xf32>
    %floor3A_756 = math.floor %div3A_755 : vector<1x1xf32>
    %mul3A_757 = arith.constant 1.280000e+02 : f32
    %mul3A_758 = vector.broadcast %mul3A_757 : f32 to vector<1x1xf32>
    %mul3A_759 = arith.mulf %floor3A_756, %mul3A_758 : vector<1x1xf32>
    %mul3A_760 = vector.broadcast %add3A_749 : vector<1x1xf32> to vector<64x128xf32>
    %mul3A_761 = arith.mulf %convert_element_type3A_496, %mul3A_760 : vector<64x128xf32>
    %add3A_762 = arith.addf %add3A_747, %mul3A_761 : vector<64x128xf32>
    %add3A_763 = arith.addf %add3A_749, %mul3A_759 : vector<1x1xf32>
    %add3A_764 = arith.addf %add3A_749, %mul3A_759 : vector<1x1xf32>
    %add3A_765 = arith.constant 1.270000e+02 : f32
    %add3A_766 = vector.broadcast %add3A_765 : f32 to vector<1x1xf32>
    %add3A_767 = arith.addf %reshape3A_657, %add3A_766 : vector<1x1xf32>
    %div3A_768 = arith.constant 1.280000e+02 : f32
    %div3A_769 = vector.broadcast %div3A_768 : f32 to vector<1x1xf32>
    %div3A_770 = arith.divf %add3A_767, %div3A_769 : vector<1x1xf32>
    %floor3A_771 = math.floor %div3A_770 : vector<1x1xf32>
    %mul3A_772 = arith.constant 1.280000e+02 : f32
    %mul3A_773 = vector.broadcast %mul3A_772 : f32 to vector<1x1xf32>
    %mul3A_774 = arith.mulf %floor3A_771, %mul3A_773 : vector<1x1xf32>
    %mul3A_775 = vector.broadcast %add3A_764 : vector<1x1xf32> to vector<64x128xf32>
    %mul3A_776 = arith.mulf %convert_element_type3A_579, %mul3A_775 : vector<64x128xf32>
    %add3A_777 = arith.addf %add3A_762, %mul3A_776 : vector<64x128xf32>
    %add3A_778 = arith.addf %add3A_764, %mul3A_774 : vector<1x1xf32>
    %add3A_779 = arith.addf %add3A_651, %add3A_777 : vector<64x128xf32>
    %convert_element_type3A_780 = arith.fptosi %add3A_779 : vector<64x128xf32> to vector<64x128xi32>
    %swap3A = arith.constant 0 : index
    %swap3A_781 = arith.constant 0 : index
    %swap3A_782 = vector.load %arg1[%swap3A, %swap3A_781] : memref<64x128xi32, #tpu.memory_space<vmem>>, vector<64x128xi32>
    tpu.vector_store %arg1[%swap3A, %swap3A_781], %convert_element_type3A_780 {strides = array<i32>} : memref<64x128xi32, #tpu.memory_space<vmem>>, vector<64x128xi32>,
    %iota3A = tpu.iota {dimensions = array<i32: 1>} : vector<1x72xi32>
    %mul3A_783 = arith.constant 128 : i32
    %mul3A_784 = vector.broadcast %mul3A_783 : i32 to vector<1x72xi32>
    %mul3A_785 = arith.muli %iota3A, %mul3A_784 : vector<1x72xi32>
    %convert_element_type3A_786 = arith.sitofp %mul3A_785 : vector<1x72xi32> to vector<1x72xf32>
    %broadcast_in_dim3A_787 = arith.constant 0 : i32
    %broadcast_in_dim3A_788 = vector.broadcast %broadcast_in_dim3A_787 : i32 to vector<1x72xi32>
    %ge3A = vector.broadcast %add3A_673 : vector<1x1xf32> to vector<1x72xf32>
    %ge3A_789 = arith.cmpf oge, %convert_element_type3A_786, %ge3A : vector<1x72xf32>
    %convert_element_type3A_790 = arith.extui %ge3A_789 : vector<1x72xi1> to vector<1x72xi32>
    %add3A_791 = arith.addi %broadcast_in_dim3A_788, %convert_element_type3A_790 : vector<1x72xi32>
    %ge3A_792 = vector.broadcast %add3A_688 : vector<1x1xf32> to vector<1x72xf32>
    %ge3A_793 = arith.cmpf oge, %convert_element_type3A_786, %ge3A_792 : vector<1x72xf32>
    %convert_element_type3A_794 = arith.extui %ge3A_793 : vector<1x72xi1> to vector<1x72xi32>
    %add3A_795 = arith.addi %add3A_791, %convert_element_type3A_794 : vector<1x72xi32>
    %ge3A_796 = vector.broadcast %add3A_703 : vector<1x1xf32> to vector<1x72xf32>
    %ge3A_797 = arith.cmpf oge, %convert_element_type3A_786, %ge3A_796 : vector<1x72xf32>
    %convert_element_type3A_798 = arith.extui %ge3A_797 : vector<1x72xi1> to vector<1x72xi32>
    %add3A_799 = arith.addi %add3A_795, %convert_element_type3A_798 : vector<1x72xi32>
    %ge3A_800 = vector.broadcast %add3A_718 : vector<1x1xf32> to vector<1x72xf32>
    %ge3A_801 = arith.cmpf oge, %convert_element_type3A_786, %ge3A_800 : vector<1x72xf32>
    %convert_element_type3A_802 = arith.extui %ge3A_801 : vector<1x72xi1> to vector<1x72xi32>
    %add3A_803 = arith.addi %add3A_799, %convert_element_type3A_802 : vector<1x72xi32>
    %ge3A_804 = vector.broadcast %add3A_733 : vector<1x1xf32> to vector<1x72xf32>
    %ge3A_805 = arith.cmpf oge, %convert_element_type3A_786, %ge3A_804 : vector<1x72xf32>
    %convert_element_type3A_806 = arith.extui %ge3A_805 : vector<1x72xi1> to vector<1x72xi32>
    %add3A_807 = arith.addi %add3A_803, %convert_element_type3A_806 : vector<1x72xi32>
    %ge3A_808 = vector.broadcast %add3A_748 : vector<1x1xf32> to vector<1x72xf32>
    %ge3A_809 = arith.cmpf oge, %convert_element_type3A_786, %ge3A_808 : vector<1x72xf32>
    %convert_element_type3A_810 = arith.extui %ge3A_809 : vector<1x72xi1> to vector<1x72xi32>
    %add3A_811 = arith.addi %add3A_807, %convert_element_type3A_810 : vector<1x72xi32>
    %ge3A_812 = vector.broadcast %add3A_763 : vector<1x1xf32> to vector<1x72xf32>
    %ge3A_813 = arith.cmpf oge, %convert_element_type3A_786, %ge3A_812 : vector<1x72xf32>
    %convert_element_type3A_814 = arith.extui %ge3A_813 : vector<1x72xi1> to vector<1x72xi32>
    %add3A_815 = arith.addi %add3A_811, %convert_element_type3A_814 : vector<1x72xi32>
    %ge3A_816 = vector.broadcast %add3A_778 : vector<1x1xf32> to vector<1x72xf32>
    %ge3A_817 = arith.cmpf oge, %convert_element_type3A_786, %ge3A_816 : vector<1x72xf32>
    %convert_element_type3A_818 = arith.extui %ge3A_817 : vector<1x72xi1> to vector<1x72xi32>
    %add3A_819 = arith.addi %add3A_815, %convert_element_type3A_818 : vector<1x72xi32>
    %min3A = arith.constant 7 : i32
    %min3A_820 = vector.broadcast %min3A : i32 to vector<1x72xi32>
    %min3A_821 = arith.minsi %add3A_819, %min3A_820 : vector<1x72xi32>
    %broadcast_in_dim3A_822 = arith.constant -1 : i32
    %broadcast_in_dim3A_823 = vector.broadcast %broadcast_in_dim3A_822 : i32 to vector<1x1xi32>
    %slice3A_824 = vector.extract_strided_slice %min3A_821 {offsets = [0, 0], sizes = [1, 71], strides = [1, 1]} : vector<1x72xi32> to vector<1x71xi32>
    %concatenate3A_825 = tpu.concatenate %broadcast_in_dim3A_823, %slice3A_824 in 1 : vector<1x1xi32>, vector<1x71xi32> -> vector<1x72xi32>
    %ne3A = arith.cmpi ne, %min3A_821, %concatenate3A_825 : vector<1x72xi32>
    %convert_element_type3A_826 = arith.extui %ne3A : vector<1x72xi1> to vector<1x72xi32>
    %broadcast_in_dim3A_827 = arith.constant 0 : i32
    %broadcast_in_dim3A_828 = vector.broadcast %broadcast_in_dim3A_827 : i32 to vector<1x1xi32>
    %slice3A_829 = vector.extract_strided_slice %convert_element_type3A_826 {offsets = [0, 0], sizes = [1, 71], strides = [1, 1]} : vector<1x72xi32> to vector<1x71xi32>
    %concatenate3A_830 = tpu.concatenate %broadcast_in_dim3A_828, %slice3A_829 in 1 : vector<1x1xi32>, vector<1x71xi32> -> vector<1x72xi32>
    %add3A_831 = arith.addi %convert_element_type3A_826, %concatenate3A_830 : vector<1x72xi32>
    %broadcast_in_dim3A_832 = arith.constant 0 : i32
    %broadcast_in_dim3A_833 = vector.broadcast %broadcast_in_dim3A_832 : i32 to vector<1x2xi32>
    %slice3A_834 = vector.extract_strided_slice %add3A_831 {offsets = [0, 0], sizes = [1, 70], strides = [1, 1]} : vector<1x72xi32> to vector<1x70xi32>
    %concatenate3A_835 = tpu.concatenate %broadcast_in_dim3A_833, %slice3A_834 in 1 : vector<1x2xi32>, vector<1x70xi32> -> vector<1x72xi32>
    %add3A_836 = arith.addi %add3A_831, %concatenate3A_835 : vector<1x72xi32>
    %broadcast_in_dim3A_837 = arith.constant 0 : i32
    %broadcast_in_dim3A_838 = vector.broadcast %broadcast_in_dim3A_837 : i32 to vector<1x4xi32>
    %slice3A_839 = vector.extract_strided_slice %add3A_836 {offsets = [0, 0], sizes = [1, 68], strides = [1, 1]} : vector<1x72xi32> to vector<1x68xi32>
    %concatenate3A_840 = tpu.concatenate %broadcast_in_dim3A_838, %slice3A_839 in 1 : vector<1x4xi32>, vector<1x68xi32> -> vector<1x72xi32>
    %add3A_841 = arith.addi %add3A_836, %concatenate3A_840 : vector<1x72xi32>
    %broadcast_in_dim3A_842 = arith.constant 0 : i32
    %broadcast_in_dim3A_843 = vector.broadcast %broadcast_in_dim3A_842 : i32 to vector<1x8xi32>
    %slice3A_844 = vector.extract_strided_slice %add3A_841 {offsets = [0, 0], sizes = [1, 64], strides = [1, 1]} : vector<1x72xi32> to vector<1x64xi32>
    %concatenate3A_845 = tpu.concatenate %broadcast_in_dim3A_843, %slice3A_844 in 1 : vector<1x8xi32>, vector<1x64xi32> -> vector<1x72xi32>
    %add3A_846 = arith.addi %add3A_841, %concatenate3A_845 : vector<1x72xi32>
    %broadcast_in_dim3A_847 = arith.constant 0 : i32
    %broadcast_in_dim3A_848 = vector.broadcast %broadcast_in_dim3A_847 : i32 to vector<1x16xi32>
    %slice3A_849 = vector.extract_strided_slice %add3A_846 {offsets = [0, 0], sizes = [1, 56], strides = [1, 1]} : vector<1x72xi32> to vector<1x56xi32>
    %concatenate3A_850 = tpu.concatenate %broadcast_in_dim3A_848, %slice3A_849 in 1 : vector<1x16xi32>, vector<1x56xi32> -> vector<1x72xi32>
    %add3A_851 = arith.addi %add3A_846, %concatenate3A_850 : vector<1x72xi32>
    %broadcast_in_dim3A_852 = arith.constant 0 : i32
    %broadcast_in_dim3A_853 = vector.broadcast %broadcast_in_dim3A_852 : i32 to vector<1x32xi32>
    %slice3A_854 = vector.extract_strided_slice %add3A_851 {offsets = [0, 0], sizes = [1, 40], strides = [1, 1]} : vector<1x72xi32> to vector<1x40xi32>
    %concatenate3A_855 = tpu.concatenate %broadcast_in_dim3A_853, %slice3A_854 in 1 : vector<1x32xi32>, vector<1x40xi32> -> vector<1x72xi32>
    %add3A_856 = arith.addi %add3A_851, %concatenate3A_855 : vector<1x72xi32>
    %broadcast_in_dim3A_857 = arith.constant 0 : i32
    %broadcast_in_dim3A_858 = vector.broadcast %broadcast_in_dim3A_857 : i32 to vector<1x64xi32>
    %slice3A_859 = vector.extract_strided_slice %add3A_856 {offsets = [0, 0], sizes = [1, 8], strides = [1, 1]} : vector<1x72xi32> to vector<1x8xi32>
    %concatenate3A_860 = tpu.concatenate %broadcast_in_dim3A_858, %slice3A_859 in 1 : vector<1x64xi32>, vector<1x8xi32> -> vector<1x72xi32>
    %add3A_861 = arith.addi %add3A_856, %concatenate3A_860 : vector<1x72xi32>
    %sub3A_862 = arith.constant 1 : i32
    %sub3A_863 = vector.broadcast %sub3A_862 : i32 to vector<1x72xi32>
    %sub3A_864 = arith.subi %add3A_861, %sub3A_863 : vector<1x72xi32>
    %and3A = arith.constant 1 : i32
    %and3A_865 = vector.broadcast %and3A : i32 to vector<1x72xi32>
    %and3A_866 = arith.andi %sub3A_864, %and3A_865 : vector<1x72xi32>
    %broadcast_in_dim3A_867 = arith.constant 7.000000e+00 : f32
    %broadcast_in_dim3A_868 = vector.broadcast %broadcast_in_dim3A_867 : f32 to vector<1x1xf32>
    %gt3A = arith.constant 0.000000e+00 : f32
    %gt3A_869 = vector.broadcast %gt3A : f32 to vector<1x1xf32>
    %gt3A_870 = arith.cmpf ogt, %reshape3A_657, %gt3A_869 : vector<1x1xf32>
    %jit3A = arith.constant 7.000000e+00 : f32
    %broadcast_in_dim3A_871 = vector.broadcast %jit3A : f32 to vector<1x1xf32>
    %select_n3A = arith.select %gt3A_870, %broadcast_in_dim3A_871, %broadcast_in_dim3A_868 : vector<1x1xi1>, vector<1x1xf32>
    %gt3A_872 = arith.constant 0.000000e+00 : f32
    %gt3A_873 = vector.broadcast %gt3A_872 : f32 to vector<1x1xf32>
    %gt3A_874 = arith.cmpf ogt, %reshape3A_574, %gt3A_873 : vector<1x1xf32>
    %jit3A_875 = arith.constant 6.000000e+00 : f32
    %broadcast_in_dim3A_876 = vector.broadcast %jit3A_875 : f32 to vector<1x1xf32>
    %select_n3A_877 = arith.select %gt3A_874, %broadcast_in_dim3A_876, %select_n3A : vector<1x1xi1>, vector<1x1xf32>
    %gt3A_878 = arith.constant 0.000000e+00 : f32
    %gt3A_879 = vector.broadcast %gt3A_878 : f32 to vector<1x1xf32>
    %gt3A_880 = arith.cmpf ogt, %reshape3A_491, %gt3A_879 : vector<1x1xf32>
    %jit3A_881 = arith.constant 5.000000e+00 : f32
    %broadcast_in_dim3A_882 = vector.broadcast %jit3A_881 : f32 to vector<1x1xf32>
    %select_n3A_883 = arith.select %gt3A_880, %broadcast_in_dim3A_882, %select_n3A_877 : vector<1x1xi1>, vector<1x1xf32>
    %gt3A_884 = arith.constant 0.000000e+00 : f32
    %gt3A_885 = vector.broadcast %gt3A_884 : f32 to vector<1x1xf32>
    %gt3A_886 = arith.cmpf ogt, %reshape3A_408, %gt3A_885 : vector<1x1xf32>
    %jit3A_887 = arith.constant 4.000000e+00 : f32
    %broadcast_in_dim3A_888 = vector.broadcast %jit3A_887 : f32 to vector<1x1xf32>
    %select_n3A_889 = arith.select %gt3A_886, %broadcast_in_dim3A_888, %select_n3A_883 : vector<1x1xi1>, vector<1x1xf32>
    %gt3A_890 = arith.constant 0.000000e+00 : f32
    %gt3A_891 = vector.broadcast %gt3A_890 : f32 to vector<1x1xf32>
    %gt3A_892 = arith.cmpf ogt, %reshape3A_325, %gt3A_891 : vector<1x1xf32>
    %jit3A_893 = arith.constant 3.000000e+00 : f32
    %broadcast_in_dim3A_894 = vector.broadcast %jit3A_893 : f32 to vector<1x1xf32>
    %select_n3A_895 = arith.select %gt3A_892, %broadcast_in_dim3A_894, %select_n3A_889 : vector<1x1xi1>, vector<1x1xf32>
    %gt3A_896 = arith.constant 0.000000e+00 : f32
    %gt3A_897 = vector.broadcast %gt3A_896 : f32 to vector<1x1xf32>
    %gt3A_898 = arith.cmpf ogt, %reshape3A_242, %gt3A_897 : vector<1x1xf32>
    %jit3A_899 = arith.constant 2.000000e+00 : f32
    %broadcast_in_dim3A_900 = vector.broadcast %jit3A_899 : f32 to vector<1x1xf32>
    %select_n3A_901 = arith.select %gt3A_898, %broadcast_in_dim3A_900, %select_n3A_895 : vector<1x1xi1>, vector<1x1xf32>
    %gt3A_902 = arith.constant 0.000000e+00 : f32
    %gt3A_903 = vector.broadcast %gt3A_902 : f32 to vector<1x1xf32>
    %gt3A_904 = arith.cmpf ogt, %reshape3A_159, %gt3A_903 : vector<1x1xf32>
    %jit3A_905 = arith.constant 1.000000e+00 : f32
    %broadcast_in_dim3A_906 = vector.broadcast %jit3A_905 : f32 to vector<1x1xf32>
    %select_n3A_907 = arith.select %gt3A_904, %broadcast_in_dim3A_906, %select_n3A_901 : vector<1x1xi1>, vector<1x1xf32>
    %broadcast_in_dim3A_908 = arith.constant 0.000000e+00 : f32
    %broadcast_in_dim3A_909 = vector.broadcast %broadcast_in_dim3A_908 : f32 to vector<1x72xf32>
    %eq3A_910 = arith.constant 0 : i32
    %eq3A_911 = vector.broadcast %eq3A_910 : i32 to vector<1x72xi32>
    %eq3A_912 = arith.cmpi eq, %min3A_821, %eq3A_911 : vector<1x72xi32>
    %convert_element_type3A_913 = arith.extui %eq3A_912 : vector<1x72xi1> to vector<1x72xi32>
    %convert_element_type3A_914 = arith.sitofp %convert_element_type3A_913 : vector<1x72xi32> to vector<1x72xf32>
    %mul3A_915 = vector.broadcast %select_n3A_907 : vector<1x1xf32> to vector<1x72xf32>
    %mul3A_916 = arith.mulf %convert_element_type3A_914, %mul3A_915 : vector<1x72xf32>
    %add3A_917 = arith.addf %broadcast_in_dim3A_909, %mul3A_916 : vector<1x72xf32>
    %eq3A_918 = arith.constant 1 : i32
    %eq3A_919 = vector.broadcast %eq3A_918 : i32 to vector<1x72xi32>
    %eq3A_920 = arith.cmpi eq, %min3A_821, %eq3A_919 : vector<1x72xi32>
    %convert_element_type3A_921 = arith.extui %eq3A_920 : vector<1x72xi1> to vector<1x72xi32>
    %convert_element_type3A_922 = arith.sitofp %convert_element_type3A_921 : vector<1x72xi32> to vector<1x72xf32>
    %mul3A_923 = vector.broadcast %select_n3A_901 : vector<1x1xf32> to vector<1x72xf32>
    %mul3A_924 = arith.mulf %convert_element_type3A_922, %mul3A_923 : vector<1x72xf32>
    %add3A_925 = arith.addf %add3A_917, %mul3A_924 : vector<1x72xf32>
    %eq3A_926 = arith.constant 2 : i32
    %eq3A_927 = vector.broadcast %eq3A_926 : i32 to vector<1x72xi32>
    %eq3A_928 = arith.cmpi eq, %min3A_821, %eq3A_927 : vector<1x72xi32>
    %convert_element_type3A_929 = arith.extui %eq3A_928 : vector<1x72xi1> to vector<1x72xi32>
    %convert_element_type3A_930 = arith.sitofp %convert_element_type3A_929 : vector<1x72xi32> to vector<1x72xf32>
    %mul3A_931 = vector.broadcast %select_n3A_895 : vector<1x1xf32> to vector<1x72xf32>
    %mul3A_932 = arith.mulf %convert_element_type3A_930, %mul3A_931 : vector<1x72xf32>
    %add3A_933 = arith.addf %add3A_925, %mul3A_932 : vector<1x72xf32>
    %eq3A_934 = arith.constant 3 : i32
    %eq3A_935 = vector.broadcast %eq3A_934 : i32 to vector<1x72xi32>
    %eq3A_936 = arith.cmpi eq, %min3A_821, %eq3A_935 : vector<1x72xi32>
    %convert_element_type3A_937 = arith.extui %eq3A_936 : vector<1x72xi1> to vector<1x72xi32>
    %convert_element_type3A_938 = arith.sitofp %convert_element_type3A_937 : vector<1x72xi32> to vector<1x72xf32>
    %mul3A_939 = vector.broadcast %select_n3A_889 : vector<1x1xf32> to vector<1x72xf32>
    %mul3A_940 = arith.mulf %convert_element_type3A_938, %mul3A_939 : vector<1x72xf32>
    %add3A_941 = arith.addf %add3A_933, %mul3A_940 : vector<1x72xf32>
    %eq3A_942 = arith.constant 4 : i32
    %eq3A_943 = vector.broadcast %eq3A_942 : i32 to vector<1x72xi32>
    %eq3A_944 = arith.cmpi eq, %min3A_821, %eq3A_943 : vector<1x72xi32>
    %convert_element_type3A_945 = arith.extui %eq3A_944 : vector<1x72xi1> to vector<1x72xi32>
    %convert_element_type3A_946 = arith.sitofp %convert_element_type3A_945 : vector<1x72xi32> to vector<1x72xf32>
    %mul3A_947 = vector.broadcast %select_n3A_883 : vector<1x1xf32> to vector<1x72xf32>
    %mul3A_948 = arith.mulf %convert_element_type3A_946, %mul3A_947 : vector<1x72xf32>
    %add3A_949 = arith.addf %add3A_941, %mul3A_948 : vector<1x72xf32>
    %eq3A_950 = arith.constant 5 : i32
    %eq3A_951 = vector.broadcast %eq3A_950 : i32 to vector<1x72xi32>
    %eq3A_952 = arith.cmpi eq, %min3A_821, %eq3A_951 : vector<1x72xi32>
    %convert_element_type3A_953 = arith.extui %eq3A_952 : vector<1x72xi1> to vector<1x72xi32>
    %convert_element_type3A_954 = arith.sitofp %convert_element_type3A_953 : vector<1x72xi32> to vector<1x72xf32>
    %mul3A_955 = vector.broadcast %select_n3A_877 : vector<1x1xf32> to vector<1x72xf32>
    %mul3A_956 = arith.mulf %convert_element_type3A_954, %mul3A_955 : vector<1x72xf32>
    %add3A_957 = arith.addf %add3A_949, %mul3A_956 : vector<1x72xf32>
    %eq3A_958 = arith.constant 6 : i32
    %eq3A_959 = vector.broadcast %eq3A_958 : i32 to vector<1x72xi32>
    %eq3A_960 = arith.cmpi eq, %min3A_821, %eq3A_959 : vector<1x72xi32>
    %convert_element_type3A_961 = arith.extui %eq3A_960 : vector<1x72xi1> to vector<1x72xi32>
    %convert_element_type3A_962 = arith.sitofp %convert_element_type3A_961 : vector<1x72xi32> to vector<1x72xf32>
    %mul3A_963 = vector.broadcast %select_n3A : vector<1x1xf32> to vector<1x72xf32>
    %mul3A_964 = arith.mulf %convert_element_type3A_962, %mul3A_963 : vector<1x72xf32>
    %add3A_965 = arith.addf %add3A_957, %mul3A_964 : vector<1x72xf32>
    %eq3A_966 = arith.constant 7 : i32
    %eq3A_967 = vector.broadcast %eq3A_966 : i32 to vector<1x72xi32>
    %eq3A_968 = arith.cmpi eq, %min3A_821, %eq3A_967 : vector<1x72xi32>
    %convert_element_type3A_969 = arith.extui %eq3A_968 : vector<1x72xi1> to vector<1x72xi32>
    %convert_element_type3A_970 = arith.sitofp %convert_element_type3A_969 : vector<1x72xi32> to vector<1x72xf32>
    %mul3A_971 = vector.broadcast %broadcast_in_dim3A_868 : vector<1x1xf32> to vector<1x72xf32>
    %mul3A_972 = arith.mulf %convert_element_type3A_970, %mul3A_971 : vector<1x72xf32>
    %add3A_973 = arith.addf %add3A_965, %mul3A_972 : vector<1x72xf32>
    %convert_element_type3A_974 = arith.fptosi %add3A_973 : vector<1x72xf32> to vector<1x72xi32>
    %concatenate3A_975 = tpu.concatenate %min3A_821, %and3A_866, %convert_element_type3A_826, %convert_element_type3A_974 in 0 : vector<1x72xi32>, vector<1x72xi32>, vector<1x72xi32>, vector<1x72xi32> -> vector<4x72xi32>
    %swap3A_976 = arith.constant 0 : index
    %swap3A_977 = arith.constant 0 : index
    %swap3A_978 = vector.load %arg2[%swap3A_976, %swap3A_977] : memref<4x72xi32, #tpu.memory_space<vmem>>, vector<4x72xi32>
    tpu.vector_store %arg2[%swap3A_976, %swap3A_977], %concatenate3A_975 {strides = array<i32>} : memref<4x72xi32, #tpu.memory_space<vmem>>, vector<4x72xi32>,
    return
  }
}

module attributes {stable_mosaic.version = 14 : i64} {
  func.func @_ffn_body(%arg0: i32, %arg1: memref<4x72xi32, #tpu.memory_space<smem>>, %arg2: memref<128x512xi32, #tpu.memory_space<vmem>>, %arg3: memref<8x1024x1536xf32, #tpu.memory_space<any>>, %arg4: memref<1x1x1536xf32, #tpu.memory_space<vmem>>, %arg5: memref<8x1536x1024xf32, #tpu.memory_space<any>>, %arg6: memref<1x1x1024xf32, #tpu.memory_space<vmem>>, %arg7: memref<128x1xf32, #tpu.memory_space<vmem>>, %arg8: memref<128x1024xf32, #tpu.memory_space<vmem>>, %arg9: memref<2x1024x1536xf32, #tpu.memory_space<vmem>>, %arg10: memref<2x1536x1024xf32, #tpu.memory_space<vmem>>, %arg11: memref<!tpu.dma_semaphore, #tpu.memory_space<semaphore_mem>>) attributes {dimension_semantics = [#tpu.dimension_semantics<arbitrary>], iteration_bounds = array<i64: 72>, scalar_prefetch = 1 : i64, scratch_operands = 3 : i64, tpu.core_type = #tpu.core_type<tc>, window_params = [{transform_indices = @transform_0, window_bounds = array<i64: 128, 512>}, {}, {transform_indices = @transform_2, window_bounds = array<i64: 1, 1, 1536>}, {}, {transform_indices = @transform_4, window_bounds = array<i64: 1, 1, 1024>}, {transform_indices = @transform_5, window_bounds = array<i64: 128, 1>}, {transform_indices = @transform_6, window_bounds = array<i64: 128, 1024>}]} {
    %get3A = arith.constant 0 : index
    %get3A_0 = arith.index_cast %arg0 : i32 to index
    %get3A_1 = memref.load %arg1[%get3A, %get3A_0] : memref<4x72xi32, #tpu.memory_space<smem>>
    %get3A_2 = arith.constant 1 : index
    %get3A_3 = arith.index_cast %arg0 : i32 to index
    %get3A_4 = memref.load %arg1[%get3A_2, %get3A_3] : memref<4x72xi32, #tpu.memory_space<smem>>
    %get3A_5 = arith.constant 2 : index
    %get3A_6 = arith.index_cast %arg0 : i32 to index
    %get3A_7 = memref.load %arg1[%get3A_5, %get3A_6] : memref<4x72xi32, #tpu.memory_space<smem>>
    %get3A_8 = arith.constant 3 : index
    %get3A_9 = arith.index_cast %arg0 : i32 to index
    %get3A_10 = memref.load %arg1[%get3A_8, %get3A_9] : memref<4x72xi32, #tpu.memory_space<smem>>
    %eq3A = arith.constant 0 : i32
    %eq3A_11 = arith.cmpi eq, %arg0, %eq3A : i32
    %convert_element_type3A = arith.extui %eq3A_11 : i1 to i32
    %cond3A = arith.constant 0 : i32
    %cond3A_12 = arith.cmpi ne, %convert_element_type3A, %cond3A : i32
    scf.if %cond3A_12 {
      %dma_start3A = arith.constant 0 : i32
      %dma_start3A_75 = arith.constant 0 : i32
      %dma_start3A_76 = tpu.memref_slice %arg9[%get3A_4, %dma_start3A, %dma_start3A_75] : memref<2x1024x1536xf32, #tpu.memory_space<vmem>> -> memref<1x1024x1536xf32, #tpu.memory_space<vmem>>
      %dma_start3A_77 = tpu.memref_squeeze %dma_start3A_76 : memref<1x1024x1536xf32, #tpu.memory_space<vmem>> -> memref<1024x1536xf32, #tpu.memory_space<vmem>>
      %dma_start3A_78 = arith.constant 0 : i32
      %dma_start3A_79 = arith.constant 0 : i32
      %dma_start3A_80 = tpu.memref_slice %arg3[%get3A_1, %dma_start3A_78, %dma_start3A_79] : memref<8x1024x1536xf32, #tpu.memory_space<any>> -> memref<1x1024x1536xf32, #tpu.memory_space<any>>
      %dma_start3A_81 = tpu.memref_squeeze %dma_start3A_80 : memref<1x1024x1536xf32, #tpu.memory_space<any>> -> memref<1024x1536xf32, #tpu.memory_space<any>>
      tpu.enqueue_dma source(%dma_start3A_81 : memref<1024x1536xf32, #tpu.memory_space<any>>) target(%dma_start3A_77 : memref<1024x1536xf32, #tpu.memory_space<vmem>>) target_semaphore(%arg11 : memref<!tpu.dma_semaphore, #tpu.memory_space<semaphore_mem>>)
      %dma_start3A_82 = arith.constant 0 : i32
      %dma_start3A_83 = arith.constant 0 : i32
      %dma_start3A_84 = tpu.memref_slice %arg10[%get3A_4, %dma_start3A_82, %dma_start3A_83] : memref<2x1536x1024xf32, #tpu.memory_space<vmem>> -> memref<1x1536x1024xf32, #tpu.memory_space<vmem>>
      %dma_start3A_85 = tpu.memref_squeeze %dma_start3A_84 : memref<1x1536x1024xf32, #tpu.memory_space<vmem>> -> memref<1536x1024xf32, #tpu.memory_space<vmem>>
      %dma_start3A_86 = arith.constant 0 : i32
      %dma_start3A_87 = arith.constant 0 : i32
      %dma_start3A_88 = tpu.memref_slice %arg5[%get3A_1, %dma_start3A_86, %dma_start3A_87] : memref<8x1536x1024xf32, #tpu.memory_space<any>> -> memref<1x1536x1024xf32, #tpu.memory_space<any>>
      %dma_start3A_89 = tpu.memref_squeeze %dma_start3A_88 : memref<1x1536x1024xf32, #tpu.memory_space<any>> -> memref<1536x1024xf32, #tpu.memory_space<any>>
      tpu.enqueue_dma source(%dma_start3A_89 : memref<1536x1024xf32, #tpu.memory_space<any>>) target(%dma_start3A_85 : memref<1536x1024xf32, #tpu.memory_space<vmem>>) target_semaphore(%arg11 : memref<!tpu.dma_semaphore, #tpu.memory_space<semaphore_mem>>)
      %dma_wait3A = arith.constant 0 : i32
      %dma_wait3A_90 = arith.constant 0 : i32
      %dma_wait3A_91 = tpu.memref_slice %arg9[%get3A_4, %dma_wait3A, %dma_wait3A_90] : memref<2x1024x1536xf32, #tpu.memory_space<vmem>> -> memref<1x1024x1536xf32, #tpu.memory_space<vmem>>
      %dma_wait3A_92 = tpu.memref_squeeze %dma_wait3A_91 : memref<1x1024x1536xf32, #tpu.memory_space<vmem>> -> memref<1024x1536xf32, #tpu.memory_space<vmem>>
      %dma_wait3A_93 = arith.constant 0 : i32
      %dma_wait3A_94 = arith.constant 0 : i32
      %dma_wait3A_95 = tpu.memref_slice %arg3[%get3A_1, %dma_wait3A_93, %dma_wait3A_94] : memref<8x1024x1536xf32, #tpu.memory_space<any>> -> memref<1x1024x1536xf32, #tpu.memory_space<any>>
      %dma_wait3A_96 = tpu.memref_squeeze %dma_wait3A_95 : memref<1x1024x1536xf32, #tpu.memory_space<any>> -> memref<1024x1536xf32, #tpu.memory_space<any>>
      tpu.wait_dma2 semaphore(%arg11 : memref<!tpu.dma_semaphore, #tpu.memory_space<semaphore_mem>>) src(%dma_wait3A_96 : memref<1024x1536xf32, #tpu.memory_space<any>>) dst(%dma_wait3A_92 : memref<1024x1536xf32, #tpu.memory_space<vmem>>)
      %dma_wait3A_97 = arith.constant 0 : i32
      %dma_wait3A_98 = arith.constant 0 : i32
      %dma_wait3A_99 = tpu.memref_slice %arg10[%get3A_4, %dma_wait3A_97, %dma_wait3A_98] : memref<2x1536x1024xf32, #tpu.memory_space<vmem>> -> memref<1x1536x1024xf32, #tpu.memory_space<vmem>>
      %dma_wait3A_100 = tpu.memref_squeeze %dma_wait3A_99 : memref<1x1536x1024xf32, #tpu.memory_space<vmem>> -> memref<1536x1024xf32, #tpu.memory_space<vmem>>
      %dma_wait3A_101 = arith.constant 0 : i32
      %dma_wait3A_102 = arith.constant 0 : i32
      %dma_wait3A_103 = tpu.memref_slice %arg5[%get3A_1, %dma_wait3A_101, %dma_wait3A_102] : memref<8x1536x1024xf32, #tpu.memory_space<any>> -> memref<1x1536x1024xf32, #tpu.memory_space<any>>
      %dma_wait3A_104 = tpu.memref_squeeze %dma_wait3A_103 : memref<1x1536x1024xf32, #tpu.memory_space<any>> -> memref<1536x1024xf32, #tpu.memory_space<any>>
      tpu.wait_dma2 semaphore(%arg11 : memref<!tpu.dma_semaphore, #tpu.memory_space<semaphore_mem>>) src(%dma_wait3A_104 : memref<1536x1024xf32, #tpu.memory_space<any>>) dst(%dma_wait3A_100 : memref<1536x1024xf32, #tpu.memory_space<vmem>>)
      %sub3A = arith.constant 1 : i32
      %sub3A_105 = arith.subi %sub3A, %get3A_4 : i32
      %dma_start3A_106 = arith.constant 0 : i32
      %dma_start3A_107 = arith.constant 0 : i32
      %dma_start3A_108 = tpu.memref_slice %arg9[%sub3A_105, %dma_start3A_106, %dma_start3A_107] : memref<2x1024x1536xf32, #tpu.memory_space<vmem>> -> memref<1x1024x1536xf32, #tpu.memory_space<vmem>>
      %dma_start3A_109 = tpu.memref_squeeze %dma_start3A_108 : memref<1x1024x1536xf32, #tpu.memory_space<vmem>> -> memref<1024x1536xf32, #tpu.memory_space<vmem>>
      %dma_start3A_110 = arith.constant 0 : i32
      %dma_start3A_111 = arith.constant 0 : i32
      %dma_start3A_112 = tpu.memref_slice %arg3[%get3A_10, %dma_start3A_110, %dma_start3A_111] : memref<8x1024x1536xf32, #tpu.memory_space<any>> -> memref<1x1024x1536xf32, #tpu.memory_space<any>>
      %dma_start3A_113 = tpu.memref_squeeze %dma_start3A_112 : memref<1x1024x1536xf32, #tpu.memory_space<any>> -> memref<1024x1536xf32, #tpu.memory_space<any>>
      tpu.enqueue_dma source(%dma_start3A_113 : memref<1024x1536xf32, #tpu.memory_space<any>>) target(%dma_start3A_109 : memref<1024x1536xf32, #tpu.memory_space<vmem>>) target_semaphore(%arg11 : memref<!tpu.dma_semaphore, #tpu.memory_space<semaphore_mem>>)
      %dma_start3A_114 = arith.constant 0 : i32
      %dma_start3A_115 = arith.constant 0 : i32
      %dma_start3A_116 = tpu.memref_slice %arg10[%sub3A_105, %dma_start3A_114, %dma_start3A_115] : memref<2x1536x1024xf32, #tpu.memory_space<vmem>> -> memref<1x1536x1024xf32, #tpu.memory_space<vmem>>
      %dma_start3A_117 = tpu.memref_squeeze %dma_start3A_116 : memref<1x1536x1024xf32, #tpu.memory_space<vmem>> -> memref<1536x1024xf32, #tpu.memory_space<vmem>>
      %dma_start3A_118 = arith.constant 0 : i32
      %dma_start3A_119 = arith.constant 0 : i32
      %dma_start3A_120 = tpu.memref_slice %arg5[%get3A_10, %dma_start3A_118, %dma_start3A_119] : memref<8x1536x1024xf32, #tpu.memory_space<any>> -> memref<1x1536x1024xf32, #tpu.memory_space<any>>
      %dma_start3A_121 = tpu.memref_squeeze %dma_start3A_120 : memref<1x1536x1024xf32, #tpu.memory_space<any>> -> memref<1536x1024xf32, #tpu.memory_space<any>>
      tpu.enqueue_dma source(%dma_start3A_121 : memref<1536x1024xf32, #tpu.memory_space<any>>) target(%dma_start3A_117 : memref<1536x1024xf32, #tpu.memory_space<vmem>>) target_semaphore(%arg11 : memref<!tpu.dma_semaphore, #tpu.memory_space<semaphore_mem>>)
    } else {
    }
    %gt3A = arith.constant 0 : i32
    %gt3A_13 = arith.cmpi sgt, %arg0, %gt3A : i32
    %eq3A_14 = arith.constant 1 : i32
    %eq3A_15 = arith.cmpi eq, %get3A_7, %eq3A_14 : i32
    %and3A = arith.andi %gt3A_13, %eq3A_15 : i1
    %convert_element_type3A_16 = arith.extui %and3A : i1 to i32
    %cond3A_17 = arith.constant 0 : i32
    %cond3A_18 = arith.cmpi ne, %convert_element_type3A_16, %cond3A_17 : i32
    scf.if %cond3A_18 {
      %dma_wait3A = arith.constant 0 : i32
      %dma_wait3A_75 = arith.constant 0 : i32
      %dma_wait3A_76 = tpu.memref_slice %arg9[%get3A_4, %dma_wait3A, %dma_wait3A_75] : memref<2x1024x1536xf32, #tpu.memory_space<vmem>> -> memref<1x1024x1536xf32, #tpu.memory_space<vmem>>
      %dma_wait3A_77 = tpu.memref_squeeze %dma_wait3A_76 : memref<1x1024x1536xf32, #tpu.memory_space<vmem>> -> memref<1024x1536xf32, #tpu.memory_space<vmem>>
      %dma_wait3A_78 = arith.constant 0 : i32
      %dma_wait3A_79 = arith.constant 0 : i32
      %dma_wait3A_80 = tpu.memref_slice %arg3[%get3A_1, %dma_wait3A_78, %dma_wait3A_79] : memref<8x1024x1536xf32, #tpu.memory_space<any>> -> memref<1x1024x1536xf32, #tpu.memory_space<any>>
      %dma_wait3A_81 = tpu.memref_squeeze %dma_wait3A_80 : memref<1x1024x1536xf32, #tpu.memory_space<any>> -> memref<1024x1536xf32, #tpu.memory_space<any>>
      tpu.wait_dma2 semaphore(%arg11 : memref<!tpu.dma_semaphore, #tpu.memory_space<semaphore_mem>>) src(%dma_wait3A_81 : memref<1024x1536xf32, #tpu.memory_space<any>>) dst(%dma_wait3A_77 : memref<1024x1536xf32, #tpu.memory_space<vmem>>)
      %dma_wait3A_82 = arith.constant 0 : i32
      %dma_wait3A_83 = arith.constant 0 : i32
      %dma_wait3A_84 = tpu.memref_slice %arg10[%get3A_4, %dma_wait3A_82, %dma_wait3A_83] : memref<2x1536x1024xf32, #tpu.memory_space<vmem>> -> memref<1x1536x1024xf32, #tpu.memory_space<vmem>>
      %dma_wait3A_85 = tpu.memref_squeeze %dma_wait3A_84 : memref<1x1536x1024xf32, #tpu.memory_space<vmem>> -> memref<1536x1024xf32, #tpu.memory_space<vmem>>
      %dma_wait3A_86 = arith.constant 0 : i32
      %dma_wait3A_87 = arith.constant 0 : i32
      %dma_wait3A_88 = tpu.memref_slice %arg5[%get3A_1, %dma_wait3A_86, %dma_wait3A_87] : memref<8x1536x1024xf32, #tpu.memory_space<any>> -> memref<1x1536x1024xf32, #tpu.memory_space<any>>
      %dma_wait3A_89 = tpu.memref_squeeze %dma_wait3A_88 : memref<1x1536x1024xf32, #tpu.memory_space<any>> -> memref<1536x1024xf32, #tpu.memory_space<any>>
      tpu.wait_dma2 semaphore(%arg11 : memref<!tpu.dma_semaphore, #tpu.memory_space<semaphore_mem>>) src(%dma_wait3A_89 : memref<1536x1024xf32, #tpu.memory_space<any>>) dst(%dma_wait3A_85 : memref<1536x1024xf32, #tpu.memory_space<vmem>>)
      %sub3A = arith.constant 1 : i32
      %sub3A_90 = arith.subi %sub3A, %get3A_4 : i32
      %dma_start3A = arith.constant 0 : i32
      %dma_start3A_91 = arith.constant 0 : i32
      %dma_start3A_92 = tpu.memref_slice %arg9[%sub3A_90, %dma_start3A, %dma_start3A_91] : memref<2x1024x1536xf32, #tpu.memory_space<vmem>> -> memref<1x1024x1536xf32, #tpu.memory_space<vmem>>
      %dma_start3A_93 = tpu.memref_squeeze %dma_start3A_92 : memref<1x1024x1536xf32, #tpu.memory_space<vmem>> -> memref<1024x1536xf32, #tpu.memory_space<vmem>>
      %dma_start3A_94 = arith.constant 0 : i32
      %dma_start3A_95 = arith.constant 0 : i32
      %dma_start3A_96 = tpu.memref_slice %arg3[%get3A_10, %dma_start3A_94, %dma_start3A_95] : memref<8x1024x1536xf32, #tpu.memory_space<any>> -> memref<1x1024x1536xf32, #tpu.memory_space<any>>
      %dma_start3A_97 = tpu.memref_squeeze %dma_start3A_96 : memref<1x1024x1536xf32, #tpu.memory_space<any>> -> memref<1024x1536xf32, #tpu.memory_space<any>>
      tpu.enqueue_dma source(%dma_start3A_97 : memref<1024x1536xf32, #tpu.memory_space<any>>) target(%dma_start3A_93 : memref<1024x1536xf32, #tpu.memory_space<vmem>>) target_semaphore(%arg11 : memref<!tpu.dma_semaphore, #tpu.memory_space<semaphore_mem>>)
      %dma_start3A_98 = arith.constant 0 : i32
      %dma_start3A_99 = arith.constant 0 : i32
      %dma_start3A_100 = tpu.memref_slice %arg10[%sub3A_90, %dma_start3A_98, %dma_start3A_99] : memref<2x1536x1024xf32, #tpu.memory_space<vmem>> -> memref<1x1536x1024xf32, #tpu.memory_space<vmem>>
      %dma_start3A_101 = tpu.memref_squeeze %dma_start3A_100 : memref<1x1536x1024xf32, #tpu.memory_space<vmem>> -> memref<1536x1024xf32, #tpu.memory_space<vmem>>
      %dma_start3A_102 = arith.constant 0 : i32
      %dma_start3A_103 = arith.constant 0 : i32
      %dma_start3A_104 = tpu.memref_slice %arg5[%get3A_10, %dma_start3A_102, %dma_start3A_103] : memref<8x1536x1024xf32, #tpu.memory_space<any>> -> memref<1x1536x1024xf32, #tpu.memory_space<any>>
      %dma_start3A_105 = tpu.memref_squeeze %dma_start3A_104 : memref<1x1536x1024xf32, #tpu.memory_space<any>> -> memref<1536x1024xf32, #tpu.memory_space<any>>
      tpu.enqueue_dma source(%dma_start3A_105 : memref<1536x1024xf32, #tpu.memory_space<any>>) target(%dma_start3A_101 : memref<1536x1024xf32, #tpu.memory_space<vmem>>) target_semaphore(%arg11 : memref<!tpu.dma_semaphore, #tpu.memory_space<semaphore_mem>>)
    } else {
    }
    %get3A_19 = arith.constant 0 : index
    %get3A_20 = arith.constant 0 : index
    %get3A_21 = vector.load %arg2[%get3A_19, %get3A_20] : memref<128x512xi32, #tpu.memory_space<vmem>>, vector<128x512xi32>
    %shift_left3A = arith.constant 16 : i32
    %shift_left3A_22 = vector.broadcast %shift_left3A : i32 to vector<128x512xi32>
    %shift_left3A_23 = arith.shli %get3A_21, %shift_left3A_22 : vector<128x512xi32>
    %bitcast_convert_type3A = tpu.bitcast %shift_left3A_23 : vector<128x512xi32> -> vector<128x512xf32>
    %and3A_24 = arith.constant -65536 : i32
    %and3A_25 = vector.broadcast %and3A_24 : i32 to vector<128x512xi32>
    %and3A_26 = arith.andi %get3A_21, %and3A_25 : vector<128x512xi32>
    %bitcast_convert_type3A_27 = tpu.bitcast %and3A_26 : vector<128x512xi32> -> vector<128x512xf32>
    %concatenate3A = tpu.concatenate %bitcast_convert_type3A, %bitcast_convert_type3A_27 in 1 : vector<128x512xf32>, vector<128x512xf32> -> vector<128x1024xf32>
    %get3A_28 = arith.index_cast %get3A_4 : i32 to index
    %get3A_29 = arith.constant 0 : index
    %get3A_30 = arith.constant 0 : index
    %get3A_31 = vector.load %arg9[%get3A_28, %get3A_29, %get3A_30] : memref<2x1024x1536xf32, #tpu.memory_space<vmem>>, vector<1x1024x1536xf32>
    %get3A_32 = vector.shape_cast %get3A_31 : vector<1x1024x1536xf32> to vector<1024x1536xf32>
    %dot_general3A = arith.constant dense<0.000000e+00> : vector<128x1536xf32>
    %dot_general3A_33 = tpu.matmul %concatenate3A, %get3A_32, %dot_general3A {dimension_numbers = #tpu.dot_dimension_numbers<[1], [0], [0], [1], [0, 0, 1, 1], [], []>, transpose_lhs_hint = false} : vector<128x1024xf32>, vector<1024x1536xf32>, vector<128x1536xf32> -> vector<128x1536xf32>
    %get3A_34 = arith.constant 0 : index
    %get3A_35 = arith.constant 0 : index
    %get3A_36 = arith.constant 0 : index
    %get3A_37 = vector.load %arg4[%get3A_34, %get3A_35, %get3A_36] : memref<1x1x1536xf32, #tpu.memory_space<vmem>>, vector<1x1x1536xf32>
    %get3A_38 = vector.shape_cast %get3A_37 : vector<1x1x1536xf32> to vector<1x1536xf32>
    %add3A = vector.broadcast %get3A_38 : vector<1x1536xf32> to vector<128x1536xf32>
    %add3A_39 = arith.addf %dot_general3A_33, %add3A : vector<128x1536xf32>
    %mul3A = arith.constant 5.000000e-01 : f32
    %mul3A_40 = vector.broadcast %mul3A : f32 to vector<128x1536xf32>
    %mul3A_41 = arith.mulf %mul3A_40, %add3A_39 : vector<128x1536xf32>
    %mul3A_42 = arith.constant 0.707106769 : f32
    %mul3A_43 = vector.broadcast %mul3A_42 : f32 to vector<128x1536xf32>
    %mul3A_44 = arith.mulf %add3A_39, %mul3A_43 : vector<128x1536xf32>
    %erf3A = math.erf %mul3A_44 : vector<128x1536xf32>
    %add3A_45 = arith.constant 1.000000e+00 : f32
    %add3A_46 = vector.broadcast %add3A_45 : f32 to vector<128x1536xf32>
    %add3A_47 = arith.addf %add3A_46, %erf3A : vector<128x1536xf32>
    %mul3A_48 = arith.mulf %mul3A_41, %add3A_47 : vector<128x1536xf32>
    %get3A_49 = arith.index_cast %get3A_4 : i32 to index
    %get3A_50 = arith.constant 0 : index
    %get3A_51 = arith.constant 0 : index
    %get3A_52 = vector.load %arg10[%get3A_49, %get3A_50, %get3A_51] : memref<2x1536x1024xf32, #tpu.memory_space<vmem>>, vector<1x1536x1024xf32>
    %get3A_53 = vector.shape_cast %get3A_52 : vector<1x1536x1024xf32> to vector<1536x1024xf32>
    %dot_general3A_54 = arith.constant dense<0.000000e+00> : vector<128x1024xf32>
    %dot_general3A_55 = tpu.matmul %mul3A_48, %get3A_53, %dot_general3A_54 {dimension_numbers = #tpu.dot_dimension_numbers<[1], [0], [0], [1], [0, 0, 1, 1], [], []>, transpose_lhs_hint = false} : vector<128x1536xf32>, vector<1536x1024xf32>, vector<128x1024xf32> -> vector<128x1024xf32>
    %get3A_56 = arith.constant 0 : index
    %get3A_57 = arith.constant 0 : index
    %get3A_58 = arith.constant 0 : index
    %get3A_59 = vector.load %arg6[%get3A_56, %get3A_57, %get3A_58] : memref<1x1x1024xf32, #tpu.memory_space<vmem>>, vector<1x1x1024xf32>
    %get3A_60 = vector.shape_cast %get3A_59 : vector<1x1x1024xf32> to vector<1x1024xf32>
    %add3A_61 = vector.broadcast %get3A_60 : vector<1x1024xf32> to vector<128x1024xf32>
    %add3A_62 = arith.addf %dot_general3A_55, %add3A_61 : vector<128x1024xf32>
    %get3A_63 = arith.constant 0 : index
    %get3A_64 = arith.constant 0 : index
    %get3A_65 = vector.load %arg7[%get3A_63, %get3A_64] : memref<128x1xf32, #tpu.memory_space<vmem>>, vector<128x1xf32>
    %mul3A_66 = vector.broadcast %get3A_65 : vector<128x1xf32> to vector<128x1024xf32>
    %mul3A_67 = arith.mulf %add3A_62, %mul3A_66 : vector<128x1024xf32>
    %swap3A = arith.constant 0 : index
    %swap3A_68 = arith.constant 0 : index
    %swap3A_69 = vector.load %arg8[%swap3A, %swap3A_68] : memref<128x1024xf32, #tpu.memory_space<vmem>>, vector<128x1024xf32>
    tpu.vector_store %arg8[%swap3A, %swap3A_68], %mul3A_67 {strides = array<i32>} : memref<128x1024xf32, #tpu.memory_space<vmem>>, vector<128x1024xf32>,
    %eq3A_70 = arith.constant 71 : i32
    %eq3A_71 = arith.cmpi eq, %arg0, %eq3A_70 : i32
    %convert_element_type3A_72 = arith.extui %eq3A_71 : i1 to i32
    %cond3A_73 = arith.constant 0 : i32
    %cond3A_74 = arith.cmpi ne, %convert_element_type3A_72, %cond3A_73 : i32
    scf.if %cond3A_74 {
      %sub3A = arith.constant 1 : i32
      %sub3A_75 = arith.subi %sub3A, %get3A_4 : i32
      %dma_wait3A = arith.constant 0 : i32
      %dma_wait3A_76 = arith.constant 0 : i32
      %dma_wait3A_77 = tpu.memref_slice %arg9[%sub3A_75, %dma_wait3A, %dma_wait3A_76] : memref<2x1024x1536xf32, #tpu.memory_space<vmem>> -> memref<1x1024x1536xf32, #tpu.memory_space<vmem>>
      %dma_wait3A_78 = tpu.memref_squeeze %dma_wait3A_77 : memref<1x1024x1536xf32, #tpu.memory_space<vmem>> -> memref<1024x1536xf32, #tpu.memory_space<vmem>>
      %dma_wait3A_79 = arith.constant 0 : i32
      %dma_wait3A_80 = arith.constant 0 : i32
      %dma_wait3A_81 = tpu.memref_slice %arg3[%get3A_10, %dma_wait3A_79, %dma_wait3A_80] : memref<8x1024x1536xf32, #tpu.memory_space<any>> -> memref<1x1024x1536xf32, #tpu.memory_space<any>>
      %dma_wait3A_82 = tpu.memref_squeeze %dma_wait3A_81 : memref<1x1024x1536xf32, #tpu.memory_space<any>> -> memref<1024x1536xf32, #tpu.memory_space<any>>
      tpu.wait_dma2 semaphore(%arg11 : memref<!tpu.dma_semaphore, #tpu.memory_space<semaphore_mem>>) src(%dma_wait3A_82 : memref<1024x1536xf32, #tpu.memory_space<any>>) dst(%dma_wait3A_78 : memref<1024x1536xf32, #tpu.memory_space<vmem>>)
      %dma_wait3A_83 = arith.constant 0 : i32
      %dma_wait3A_84 = arith.constant 0 : i32
      %dma_wait3A_85 = tpu.memref_slice %arg10[%sub3A_75, %dma_wait3A_83, %dma_wait3A_84] : memref<2x1536x1024xf32, #tpu.memory_space<vmem>> -> memref<1x1536x1024xf32, #tpu.memory_space<vmem>>
      %dma_wait3A_86 = tpu.memref_squeeze %dma_wait3A_85 : memref<1x1536x1024xf32, #tpu.memory_space<vmem>> -> memref<1536x1024xf32, #tpu.memory_space<vmem>>
      %dma_wait3A_87 = arith.constant 0 : i32
      %dma_wait3A_88 = arith.constant 0 : i32
      %dma_wait3A_89 = tpu.memref_slice %arg5[%get3A_10, %dma_wait3A_87, %dma_wait3A_88] : memref<8x1536x1024xf32, #tpu.memory_space<any>> -> memref<1x1536x1024xf32, #tpu.memory_space<any>>
      %dma_wait3A_90 = tpu.memref_squeeze %dma_wait3A_89 : memref<1x1536x1024xf32, #tpu.memory_space<any>> -> memref<1536x1024xf32, #tpu.memory_space<any>>
      tpu.wait_dma2 semaphore(%arg11 : memref<!tpu.dma_semaphore, #tpu.memory_space<semaphore_mem>>) src(%dma_wait3A_90 : memref<1536x1024xf32, #tpu.memory_space<any>>) dst(%dma_wait3A_86 : memref<1536x1024xf32, #tpu.memory_space<vmem>>)
    } else {
    }
    return
  }
  func.func @transform_0(%arg0: i32, %arg1: memref<4x72xi32, #tpu.memory_space<smem>>) -> (i32, i32) {
    %c0_i32 = arith.constant 0 : i32
    %c0_i32_0 = arith.constant 0 : i32
    return %arg0, %c0_i32 : i32, i32
  }
  func.func @transform_2(%arg0: i32, %arg1: memref<4x72xi32, #tpu.memory_space<smem>>) -> (i32, i32, i32) {
    %get3A = arith.constant 0 : index
    %get3A_0 = arith.index_cast %arg0 : i32 to index
    %get3A_1 = memref.load %arg1[%get3A, %get3A_0] : memref<4x72xi32, #tpu.memory_space<smem>>
    %c0_i32 = arith.constant 0 : i32
    %c0_i32_2 = arith.constant 0 : i32
    %c0_i32_3 = arith.constant 0 : i32
    return %get3A_1, %c0_i32, %c0_i32_2 : i32, i32, i32
  }
  func.func @transform_4(%arg0: i32, %arg1: memref<4x72xi32, #tpu.memory_space<smem>>) -> (i32, i32, i32) {
    %get3A = arith.constant 0 : index
    %get3A_0 = arith.index_cast %arg0 : i32 to index
    %get3A_1 = memref.load %arg1[%get3A, %get3A_0] : memref<4x72xi32, #tpu.memory_space<smem>>
    %c0_i32 = arith.constant 0 : i32
    %c0_i32_2 = arith.constant 0 : i32
    %c0_i32_3 = arith.constant 0 : i32
    return %get3A_1, %c0_i32, %c0_i32_2 : i32, i32, i32
  }
  func.func @transform_5(%arg0: i32, %arg1: memref<4x72xi32, #tpu.memory_space<smem>>) -> (i32, i32) {
    %c0_i32 = arith.constant 0 : i32
    %c0_i32_0 = arith.constant 0 : i32
    return %arg0, %c0_i32 : i32, i32
  }
  func.func @transform_6(%arg0: i32, %arg1: memref<4x72xi32, #tpu.memory_space<smem>>) -> (i32, i32) {
    %c0_i32 = arith.constant 0 : i32
    %c0_i32_0 = arith.constant 0 : i32
    return %arg0, %c0_i32 : i32, i32
  }
}

</mosaic_0001>

<sc_bundles>
// kernel: kernel.10.cloned.1.call-start
scs
__scs_entry_jumppad:
0x0: {  	(pc) =	sbr.rel $0x88, $3  }
0x1: {  	(tag) =	ssettag $0x0;
	lr =	simm.s32 $0x1  }
0x2: {  	[smem:$0x3F9A] =	sst lr;
	_ =	strace $0xD0000000  }
0x3: {  	_ = 	snop  }
0x4: {  	_ = 	snop  }
0x5: {  	_ = 	snop  }
0x6: {  	_ = 	snop  }
0x7: {  	_ = 	snop  }
__scs_overlays_trampoline_lowered:
0x8: {  	[smem:$0x3FA9] =	sst s0  }
0x9: {  	[smem:$0x3FAA] =	sst s1  }
0xa: {  	[smem:$0x3FAB] =	sst s2  }
0xb: {  	[smem:$0x3FAC] =	sst s3  }
0xc: {  	[smem:$0x3FAD] =	sst s4  }
0xd: {  	[smem:$0x3FAE] =	sst s5  }
0xe: {  	[smem:$0x3FAF] =	sst s6  }
0xf: {  	[smem:$0x3FB0] =	sst s7  }
0x10: {  	[smem:$0x3FB1] =	sst s8  }
0x11: {  	[smem:$0x3FB2] =	sst s9;
	s0 =	simm.s32 @!p0 $0x0  }
0x12: {  	s1 =	sld [smem:$0x3F98];
	s0 =	simm.s32 @p0 $0x1  }
0x13: {  	[smem:$0x3FB3] =	sst s0;
	s0 =	simm.s32 @!p1 $0x0  }
0x14: {  	s2 =	sld [smem:$0x3F97];
	s0 =	simm.s32 @p1 $0x1  }
0x15: {  	[smem:$0x3FB4] =	sst s0;
	s0 =	simm.s32 @!p2 $0x0  }
0x16: {  	s3 =	sld [smem:$0x3FDB];
	s0 =	simm.s32 @p2 $0x1  }
0x17: {  	s4 =	simm.s32 $0x1BF5;
	[smem:$0x3FB6] =	sst s0  }
0x18: {  	s0 =	sld [smem:$0x3F99];
	_ =	swait.ge [sflag:s4], $0x0  }
0x19: {  	s7 =	sld [smem:$0x3F9A]  }
0x1a: {  	s8 =	sadd.s32 $0xFFFFE003, lr  }
0x1b: {  	s9 =	sadd.s32 $0xFFFFFEF7, lr;
	s5 =	simm.s32 $0xFFFFFFFF;
	p2 =	slt.u32 s8, $0xFFFFF086  }
0x1c: {  	p1 =	slt.u32 s9, $0xF7A;
	s5 =	simm.s32 @!p2 $0x0  }
0x1d: {  	s5 =	simm.s32 @p1 $0x1;
	p0 =	seq.s32 s7, s2  }
0x1e: {  	s7 =	smul.u32 @!p0 $0xF7A, s2;
	p2 =	seq.s32 @!p0 s5, $0x0  }
0x1f: {  	s9 =	smul.u32 $0xF7A, s1;
	s8 =	simm.s32 @!p0 $0x1BF5;
	p2 =	por !p2, p0  }
0x20: {  	[sflag:s8] =	ssyncset.s32 @!p0 $0xFFFFF086;
	s6 =	sadd.s32 @!p0 s3, s7;
	s7 =	simm.s32 @!p0 $0x108  }
0x21: {  	s3 =	sadd.s32 s3, s9;
	s6 =	sadd.s32 @!p0 $0x88, s6;
	s7 =	simm.s32 @p2 $0x1082  }
0x22: {  	[simem:s7], [sflag:s8] =	dma.local @!p0 [hbm:s6], $0xF7A  }
0x23: {  	s9 =	sor.u32 $0xD0000000, s2;
	s6 =	simm.s32 $0x108;
	_ =	swait.ge @!p0 [sflag:s8], $0x0  }
0x24: {  	s3 =	sadd.s32 $0x88, s3;
	s6 =	simm.s32 @!p1 $0x1082;
	[sflag:s4] =	ssyncset.s32 $0xFFFFF086  }
0x25: {  	[simem:s6], [sflag:s4] =	dma.local [hbm:s3], $0xF7A  }
0x26: {  	[smem:$0x3F9A] =	sst s1;
	(tag) =	ssettag s2;
	_ =	strace s9  }
0x27: {  	s1 =	sld [smem:$0x3FAA]  }
0x28: {  	s2 =	sld [smem:$0x3FAB]  }
0x29: {  	s4 =	sld [smem:$0x3FAD]  }
0x2a: {  	p0 =	seq.s32 s5, $0x0;
	s5 =	sld [smem:$0x3FAE]  }
0x2b: {  	s6 =	sld [smem:$0x3FAF]  }
0x2c: {  	s7 =	sld [smem:$0x3FB0]  }
0x2d: {  	s3 =	simm.s32 $0x108;
	s8 =	sld [smem:$0x3FB1]  }
0x2e: {  	s3 =	simm.s32 @!p0 $0x1082;
	s9 =	sld [smem:$0x3FB2]  }
0x2f: {  	lr =	sadd.s32 s0, s3;
	s0 =	sld [smem:$0x3FA9]  }
0x30: {  	s3 =	sld [smem:$0x3FAC]  }
0x31: {  	[smem:$0x3FB5] =	sst s10  }
0x32: {  	s10 =	sld [smem:$0x3FB3];
	_ =	sdelay $0x3  }
0x33: {  	p0 =	seq.s32 s10, $0x1;
	s10 =	sld [smem:$0x3FB5];
	_ =	sdelay $0x3  }
0x34: {  	[smem:$0x3FB5] =	sst s10  }
0x35: {  	s10 =	sld [smem:$0x3FB4];
	_ =	sdelay $0x3  }
0x36: {  	p1 =	seq.s32 s10, $0x1;
	s10 =	sld [smem:$0x3FB5];
	_ =	sdelay $0x3  }
0x37: {  	[smem:$0x3FB5] =	sst s10  }
0x38: {  	s10 =	sld [smem:$0x3FB6]  }
0x39: {  	_ = 	snop;
	(pc) =	sbr.ind lr, $3  }
0x3a: {  	_ = 	snop  }
0x3b: {  	_ = 	snop  }
0x3c: {  	p2 =	seq.s32 s10, $0x1;
	s10 =	sld [smem:$0x3FB5]  }
0x3d: {  	_ =	shalt  }
0x3e: {  	_ =	shalt  }
0x3f: {  	_ =	shalt  }
0x40: {  	_ =	shalt  }
0x41: {  	_ =	shalt  }
0x42: {  	_ =	shalt  }
0x43: {  	_ =	shalt  }
0x44: {  	_ =	shalt  }
0x45: {  	_ =	shalt  }
0x46: {  	_ =	shalt  }
0x47: {  	_ =	shalt  }
0x48: {  	_ =	shalt  }
0x49: {  	_ =	shalt  }
0x4a: {  	_ =	shalt  }
0x4b: {  	_ =	shalt  }
0x4c: {  	_ =	shalt  }
0x4d: {  	_ =	shalt  }
0x4e: {  	_ =	shalt  }
0x4f: {  	_ =	shalt  }
0x50: {  	_ =	shalt  }
0x51: {  	_ =	shalt  }
0x52: {  	_ =	shalt  }
0x53: {  	_ =	shalt  }
0x54: {  	_ =	shalt  }
0x55: {  	_ =	shalt  }
0x56: {  	_ =	shalt  }
0x57: {  	_ =	shalt  }
0x58: {  	_ =	shalt  }
0x59: {  	_ =	shalt  }
0x5a: {  	_ =	shalt  }
0x5b: {  	_ =	shalt  }
0x5c: {  	_ =	shalt  }
0x5d: {  	_ =	shalt  }
0x5e: {  	_ =	shalt  }
0x5f: {  	_ =	shalt  }
0x60: {  	_ =	shalt  }
0x61: {  	_ =	shalt  }
0x62: {  	_ =	shalt  }
0x63: {  	_ =	shalt  }
0x64: {  	_ =	shalt  }
0x65: {  	_ =	shalt  }
0x66: {  	_ =	shalt  }
0x67: {  	_ =	shalt  }
0x68: {  	_ =	shalt  }
0x69: {  	_ =	shalt  }
0x6a: {  	_ =	shalt  }
0x6b: {  	_ =	shalt  }
0x6c: {  	_ =	shalt  }
0x6d: {  	_ =	shalt  }
0x6e: {  	_ =	shalt  }
0x6f: {  	_ =	shalt  }
0x70: {  	_ =	shalt  }
0x71: {  	_ =	shalt  }
0x72: {  	_ =	shalt  }
0x73: {  	_ =	shalt  }
0x74: {  	_ =	shalt  }
0x75: {  	_ =	shalt  }
0x76: {  	_ =	shalt  }
0x77: {  	_ =	shalt  }
0x78: {  	_ =	shalt  }
0x79: {  	_ =	shalt  }
0x7a: {  	_ =	shalt  }
0x7b: {  	_ =	shalt  }
0x7c: {  	_ =	shalt  }
0x7d: {  	_ =	shalt  }
0x7e: {  	_ =	shalt  }
0x7f: {  	_ =	shalt  }
0x80: {  	_ =	shalt  }
0x81: {  	_ =	shalt  }
0x82: {  	_ =	shalt  }
0x83: {  	_ =	shalt  }
0x84: {  	_ =	shalt  }
0x85: {  	_ =	shalt  }
0x86: {  	_ =	shalt  }
0x87: {  	_ =	shalt  }
.Lfunc_end0:
.L_simem_size_0:
called_computation.1_lowered:
.L_overlay_start_0:
0x88: {  	s2 =	sld [smem:$0x3FD9]  }
0x89: {  	s3 =	sld [smem:$0x3FFE];
	_ =	sdelay $0x1  }
0x8a: {  	s1 =	srdreg.scid  }
0x8b: {  	s0 =	sand.u32 $0x1, s1  }
0x8c: {  	s17 =	sshll.u32 s0, $0xA;
	s2 =	sadd.s32 s3, s2  }
0x8d: {  	s2 =	sadd.s32 s2, s17  }
0x8e: {  	[smem:$0x3FC1] =	sst s2  }
0x8f: {  	_ = 	snop  }
0x90: {  	s2 =	sld [smem:$0x3FD0];
	(tm) =	ssettm $0x1  }
0x91: {  	s18 =	sld [smem:$0x3FFB];
	_ =	sdelay $0x3  }
0x92: {  	_ =	strace s18  }
0x93: {  	s3 =	sld [smem:$0x3FFC];
	_ =	sdelay $0x3  }
0x94: {  	_ =	strace s3  }
0x95: {  	s3 =	sld [smem:$0x3FFD];
	_ =	sdelay $0x3  }
0x96: {  	_ =	strace s3  }
0x97: {  	_ =	strace $0x8FFFFFFF  }
0x98: {  	s19 =	sld [smem:$0x3FDB];
	_ =	sdelay $0x1  }
0x99: {  	s4 =	simm.s32 $_scs_section_size  }
0x9a: {  	s5 =	simm.s32 $_size__tile_overlayer_lowered;
	s6 =	simm.s32 $_tile_overlayer_lowered  }
0x9b: {  	s22 =	simm.s32 $0x1BFF;
	s21 =	sshll.u32 s6, $0x1;
	s3 =	sadd.s32 s4, s19  }
0x9c: {  	s7 =	simm.s32 $0x0;
	s20 =	sshll.u32 s5, $0x1;
	s5 =	sadd.s32 s21, s3  }
0x9d: {  	[timem:s7], [sflag:s22] =	dma.local [hbm:s5], s20  }
0x9e: {  	_ =	swait.ge [sflag:s22], s20  }
0x9f: {  	s4 =	ssub.s32 $0x0, s20;
	[sflag:s22] =	ssyncset.done $0x0  }
0xa0: {  	[sflag:s22] =	ssyncadd.s32 s4;
	_ =	sdelay $0x1  }
0xa1: {  	s23 =	simm.s32 $0x1B8B  }
0xa2: {  	_ =	swait.ge [sflag:s23], $0x1  }
0xa3: {  	[sflag:s23] =	ssyncset.done $0x0  }
0xa4: {  	s25 =	simm.s32 $0x1B8E;
	s24 =	sld [smem:$0x3FFE];
	[sflag:s23] =	ssyncadd.s32 $0xFFFFFFFF  }
0xa5: {  	s26 =	simm.s32 $execute0_lowered;
	[smem:$0x3FD2] =	sst s25  }
0xa6: {  	s5 =	sshll.u32 s26, $0x1;
	_ =	strace $0x80000049;
	[dreg:$0x1] =	wrdreg $0xFFFFFFFF  }
0xa7: {  	s28 =	simm.s32 $_size_execute0_lowered;
	s3 =	sadd.s32 s3, s5;
	[dreg:$0x0] =	wrdreg $0x0  }
0xa8: {  	s5 =	sshll.u32 s28, $0x1;
	[dreg:$0x2] =	wrdreg s3  }
0xa9: {  	[dreg:$0x3] =	wrdreg s5  }
0xaa: {  	[dreg:$0x4] =	wrdreg $0xC0  }
0xab: {  	_ =	task [dreg:s7], $0x5FFFF  }
0xac: {  	[dreg:$0x1] =	wrdreg $0xFFFFFFFF  }
0xad: {  	[dreg:$0x0] =	wrdreg $0x60  }
0xae: {  	[dreg:$0x2] =	wrdreg s24  }
0xaf: {  	[dreg:$0x3] =	wrdreg s2  }
0xb0: {  	[dreg:$0x4] =	wrdreg $0x9  }
0xb1: {  	_ =	task.clear_ibuf [dreg:s7], $0x5FFFF;
	_ =	strace $0x90000049  }
0xb2: {  	s29 =	simm.s32 $0x9;
	_ =	strace $0x8000004B  }
0xb3: {  	_ =	swait.ge [sflag:s29], $0x1  }
0xb4: {  	[sflag:s29] =	ssyncadd.s32 $0xFFFFFFFF  }
0xb5: {  	_ =	strace $0x9000004B  }
0xb6: {  	_ =	sfence  }
0xb7: {  	s30 =	sld [smem:$0x0];
	_ =	sdelay $0x2  }
0xb8: {  	s31 =	sshll.u32 s1, $0xD;
	s1 =	sshrl.u32 s1, $0x2  }
0xb9: {  	s3 =	sand.u32 $0x4000, s31;
	s1 =	sadd.s32 s1, s30  }
0xba: {  	s0 =	sor.u32 s3, s0;
	s1 =	sshll.u32 s1, $0x11  }
0xbb: {  	s0 =	sor.u32 s1, s0  }
0xbc: {  	s0 =	sadd.s32 $0x8F2B, s0  }
0xbd: {  	[sflag:s0] =	ssyncadd.remote.s32 $0x1  }
0xbe: {  	_ =	sfence.sel $0xFFFF  }
0xbf: {  	[dreg:$0x0] =	wrdreg $0xFFFFFFFF;
	(pc) =	sbr.abs _section_cstart, $3  }
0xc0: {  	[dreg:$0x1] =	wrdreg $0xFFFFFFFF  }
0xc1: {  	_ =	task.clear_ibuf [dreg:s7], $0x2FFFF;
	_ =	strace $0x9FFFFFFF  }
0xc2: {  	(tm) =	ssettm $0x7FFFFFFF  }
0xc3: {  	_ =	shalt  }
tec
execute0_lowered:
.L_overlay_start_1:
0x0: {  	(tag) =	ssettag $0x1  }
0x1: {  	s0 =	rddreg [dreg:$0x0]  }
0x2: {  	s7 =	rddreg [dreg:$0x1]  }
0x3: {  	s1 =	srdreg.scid;
	s2 =	stileid.u32  }
0x4: {  	s3 =	simm.s32 $0x0;
	s13 =	simm.s32 $0x3;
	s22 =	simm.s32 $0xC900  }
0x5: {  	s23 =	simm.s32 $0xD100;
	s28 =	simm.s32 $0xF100;
	s29 =	simm.s32 $0xF900  }
0x6: {  	s30 =	simm.s32 $0x1;
	s31 =	simm.s32 $0x2;
	s1 =	sand.u32 $0x1, s1  }
0x7: {  	s2 =	sshll.u32 s2, $0x8;
	[smem:$0x7FF] =	sst s3;
	s5 =	sadd.s32 $0x92600, s0  }
0x8: {  	s8 =	sadd.s32 $0x92700, s0;
	s9 =	sadd.s32 $0x92800, s0;
	s4 =	sshll.u32 s1, $0x7  }
0x9: {  	s10 =	sadd.s32 $0x92900, s0;
	s1 =	ssub.s32 $0x2, s1;
	s4 =	sor.u32 s4, s2  }
0xa: {  	_ =	strace $0x8000004A;
	s6 =	sshrl.u32 s1, $0x1;
	s2 =	sshrl.u32 s4, $0x3  }
0xb: {  	s1 =	ssub.s32 s1, s6;
	s25 =	sshll.u32 s4, $0x7;
	s2 =	sadd.s32 s2, s0  }
0xc: {  	s11 =	sadd.s32 s7, s25;
	s26 =	smax.u32 s1, $0x1;
	s0 =	simm.s32 $0x8100  }
0xd: {  	v2 =	vlaneseq.u32;
	s25 =	simm.s32 $0xE100;
	s24 =	sadd.s32 $0x92400, s2;
	[dreg:$0x5] =	wrdreg s26  }
0xe: {  	vm0 =	vmmov $0xffff;
	v1 =	vshrl.u32 v2, $0x3;
	s2 =	sadd.s32 $0x92200, s2;
	s26 =	simm.s32 $0xE900;
	[dreg:$0x3] =	wrdreg s24  }
0xf: {  	v0 =	vand.u32 $0x7, v2;
	v2 =	vor.u32 $0x8, v2;
	v1 =	vmul.u32 $0x8, v1;
	[dreg:$0x4] =	wrdreg s2;
	s24 =	simm.s32 $0xD900;
	s2 =	simm.s32 $0x0  }
.LBB2_1:
0x10: {  	[dreg:$0x6] =	wrdreg s2  }
0x11: {  	s1 =	rddreg [dreg:$0x3]  }
0x12: {  	[tilespmem:s3], [sflag:$0x3] =	stream.linear.gather [hbm4b:s1+s3], $0x80, $0x38;
	[tilespmem:$0x10100] =	vst v63  }
0x13: {  	_ =	swait.ge [sflag:s13], $0x80  }
0x14: {  	[sflag:s13] =	ssyncset.done $0x0  }
0x15: {  	s17 =	simm.s32 $0x80;
	s16 =	rddreg [dreg:$0x4];
	[sflag:s13] =	ssyncadd.s32 $0xFFFFFF80  }
0x16: {  	[tilespmem:s17], [sflag:$0x3] =	stream.linear.gather [hbm4b:s16+s3], $0x80, $0x38;
	[tilespmem:$0x10100] =	vst v63  }
0x17: {  	_ =	swait.ge [sflag:s13], $0x80  }
0x18: {  	[sflag:s13] =	ssyncset.done $0x0  }
0x19: {  	[sflag:s13] =	ssyncadd.s32 $0xFFFFFF80  }
0x1a: {  	v3 =	vld [tilespmem:$0x0];
	_ =	sdelay $0x4  }
0x1b: {  	v4 =	vshll.u32 v3, $0x3  }
0x1c: {  	v3 =	vand.u32 $0x7, v3;
	v4 =	vand.u32 $0xFFFFFFC0, v4  }
0x1d: {  	v3 =	vor.u32 v3, v4  }
0x1e: {  	v4 =	vperm.xlane v3, v0;
	_ =	sdelay $0x1  }
0x1f: {  	v4 =	vadd.s32 v1, v4;
	_ =	sdelay $0x3  }
0x20: {  	s18 =	simm.s32 $0x100  }
0x21: {  	v5 =	vld [tilespmem:$0x80];
	[tilespmem:s18], [sflag:$0x1] =	stream.indirect_vreg.gather [hbm4b:s5+s3], $0x80, v4, vm0, $0xb8  }
0x22: {  	s19 =	simm.s32 $0x900;
	v3 =	vperm.xlane v3, v2  }
0x23: {  	[tilespmem:s19], [sflag:$0x1] =	stream.indirect_vreg.gather [hbm4b:s8+s3], $0x80, v4, vm0, $0xb8;
	[tilespmem:$0x10100] =	vst v63  }
0x24: {  	s20 =	simm.s32 $0x1100;
	v3 =	vadd.s32 v1, v3  }
0x25: {  	[tilespmem:s20], [sflag:$0x1] =	stream.indirect_vreg.gather [hbm4b:s9+s3], $0x80, v4, vm0, $0xb8;
	[tilespmem:$0x10100] =	vst v63  }
0x26: {  	s21 =	simm.s32 $0x1900  }
0x27: {  	v63 =	vshll.u32 v5, $0x3;
	[tilespmem:s21], [sflag:$0x1] =	stream.indirect_vreg.gather [hbm4b:s10+s3], $0x80, v4, vm0, $0xb8;
	[tilespmem:$0x10100] =	vst v63  }
0x28: {  	s2 =	simm.s32 $0x2100;
	v5 =	vand.u32 $0x7, v5;
	v4 =	vand.u32 $0xFFFFFFC0, v63  }
0x29: {  	v4 =	vor.u32 v5, v4;
	[tilespmem:s2], [sflag:$0x1] =	stream.indirect_vreg.gather [hbm4b:s5+s3], $0x80, v3, vm0, $0xb8;
	[tilespmem:$0x10100] =	vst v63  }
0x2a: {  	s6 =	simm.s32 $0x2900;
	v5 =	vperm.xlane v4, v0  }
0x2b: {  	[tilespmem:s6], [sflag:$0x1] =	stream.indirect_vreg.gather [hbm4b:s8+s3], $0x80, v3, vm0, $0xb8;
	[tilespmem:$0x10100] =	vst v63  }
0x2c: {  	s7 =	simm.s32 $0x3100;
	v5 =	vadd.s32 v1, v5  }
0x2d: {  	[tilespmem:s7], [sflag:$0x1] =	stream.indirect_vreg.gather [hbm4b:s9+s3], $0x80, v3, vm0, $0xb8;
	[tilespmem:$0x10100] =	vst v63  }
0x2e: {  	s12 =	simm.s32 $0x3900  }
0x2f: {  	[tilespmem:s12], [sflag:$0x1] =	stream.indirect_vreg.gather [hbm4b:s10+s3], $0x80, v3, vm0, $0xb8;
	[tilespmem:$0x10100] =	vst v63  }
0x30: {  	s14 =	simm.s32 $0x4100  }
0x31: {  	[tilespmem:s14], [sflag:$0x1] =	stream.indirect_vreg.gather [hbm4b:s5+s3], $0x80, v5, vm0, $0xb8;
	[tilespmem:$0x10100] =	vst v63  }
0x32: {  	s15 =	simm.s32 $0x4900;
	v3 =	vperm.xlane v4, v2  }
0x33: {  	[tilespmem:s15], [sflag:$0x1] =	stream.indirect_vreg.gather [hbm4b:s8+s3], $0x80, v5, vm0, $0xb8;
	[tilespmem:$0x10100] =	vst v63  }
0x34: {  	s16 =	simm.s32 $0x5100;
	v3 =	vadd.s32 v1, v3  }
0x35: {  	[tilespmem:s16], [sflag:$0x1] =	stream.indirect_vreg.gather [hbm4b:s9+s3], $0x80, v5, vm0, $0xb8;
	[tilespmem:$0x10100] =	vst v63  }
0x36: {  	s17 =	simm.s32 $0x5900  }
0x37: {  	[tilespmem:s17], [sflag:$0x1] =	stream.indirect_vreg.gather [hbm4b:s10+s3], $0x80, v5, vm0, $0xb8;
	[tilespmem:$0x10100] =	vst v63  }
0x38: {  	s18 =	simm.s32 $0x6100  }
0x39: {  	[tilespmem:s18], [sflag:$0x1] =	stream.indirect_vreg.gather [hbm4b:s5+s3], $0x80, v3, vm0, $0xb8;
	[tilespmem:$0x10100] =	vst v63  }
0x3a: {  	s19 =	simm.s32 $0x6900  }
0x3b: {  	[tilespmem:s19], [sflag:$0x1] =	stream.indirect_vreg.gather [hbm4b:s8+s3], $0x80, v3, vm0, $0xb8;
	[tilespmem:$0x10100] =	vst v63  }
0x3c: {  	s20 =	simm.s32 $0x7100  }
0x3d: {  	[tilespmem:s20], [sflag:$0x1] =	stream.indirect_vreg.gather [hbm4b:s9+s3], $0x80, v3, vm0, $0xb8;
	[tilespmem:$0x10100] =	vst v63  }
0x3e: {  	s21 =	simm.s32 $0x7900;
	s7 =	simm.s32 $0x0  }
0x3f: {  	[tilespmem:s21], [sflag:$0x1] =	stream.indirect_vreg.gather [hbm4b:s10+s3], $0x80, v3, vm0, $0xb8;
	[tilespmem:$0x10100] =	vst v63  }
.LBB2_2:
0x40: {  	s6 =	sshll.u32 s7, $0x5  }
0x41: {  	v3 =	vld [tilespmem:s6+$0x10];
	_ =	sdelay $0x4  }
0x42: {  	v4 =	vshll.u32 v3, $0x3  }
0x43: {  	v3 =	vand.u32 $0x7, v3;
	v4 =	vand.u32 $0xFFFFFFC0, v4  }
0x44: {  	v3 =	vor.u32 v3, v4  }
0x45: {  	v4 =	vperm.xlane v3, v0;
	_ =	sdelay $0x1  }
0x46: {  	v4 =	vadd.s32 v1, v4;
	_ =	sdelay $0x3  }
0x47: {  	s2 =	simm.s32 $0x0  }
0x48: {  	v5 =	vld [tilespmem:s6+$0x90];
	[tilespmem:s0], [sflag:$0x2] =	stream.indirect_vreg.gather [hbm4b:s5+s2], $0x80, v4, vm0, $0xb8  }
0x49: {  	s1 =	simm.s32 $0x8900;
	v3 =	vperm.xlane v3, v2  }
0x4a: {  	[tilespmem:s1], [sflag:$0x2] =	stream.indirect_vreg.gather [hbm4b:s8+s2], $0x80, v4, vm0, $0xb8;
	[tilespmem:$0x10100] =	vst v63  }
0x4b: {  	s15 =	simm.s32 $0x9100;
	v3 =	vadd.s32 v1, v3  }
0x4c: {  	[tilespmem:s15], [sflag:$0x2] =	stream.indirect_vreg.gather [hbm4b:s9+s2], $0x80, v4, vm0, $0xb8;
	[tilespmem:$0x10100] =	vst v63  }
0x4d: {  	s16 =	simm.s32 $0x9900  }
0x4e: {  	v63 =	vshll.u32 v5, $0x3;
	[tilespmem:s16], [sflag:$0x2] =	stream.indirect_vreg.gather [hbm4b:s10+s2], $0x80, v4, vm0, $0xb8;
	[tilespmem:$0x10100] =	vst v63  }
0x4f: {  	s17 =	simm.s32 $0xA100;
	v5 =	vand.u32 $0x7, v5;
	v4 =	vand.u32 $0xFFFFFFC0, v63  }
0x50: {  	v4 =	vor.u32 v5, v4;
	[tilespmem:s17], [sflag:$0x2] =	stream.indirect_vreg.gather [hbm4b:s5+s2], $0x80, v3, vm0, $0xb8;
	[tilespmem:$0x10100] =	vst v63  }
0x51: {  	s18 =	simm.s32 $0xA900;
	v5 =	vperm.xlane v4, v0  }
0x52: {  	[tilespmem:s18], [sflag:$0x2] =	stream.indirect_vreg.gather [hbm4b:s8+s2], $0x80, v3, vm0, $0xb8;
	[tilespmem:$0x10100] =	vst v63  }
0x53: {  	s19 =	simm.s32 $0xB100;
	v5 =	vadd.s32 v1, v5  }
0x54: {  	[tilespmem:s19], [sflag:$0x2] =	stream.indirect_vreg.gather [hbm4b:s9+s2], $0x80, v3, vm0, $0xb8;
	[tilespmem:$0x10100] =	vst v63  }
0x55: {  	s20 =	simm.s32 $0xB900  }
0x56: {  	[tilespmem:s20], [sflag:$0x2] =	stream.indirect_vreg.gather [hbm4b:s10+s2], $0x80, v3, vm0, $0xb8;
	[tilespmem:$0x10100] =	vst v63  }
0x57: {  	s21 =	simm.s32 $0xC100  }
0x58: {  	[tilespmem:s21], [sflag:$0x2] =	stream.indirect_vreg.gather [hbm4b:s5+s2], $0x80, v5, vm0, $0xb8;
	[tilespmem:$0x10100] =	vst v63  }
0x59: {  	v3 =	vperm.xlane v4, v2  }
0x5a: {  	[tilespmem:s22], [sflag:$0x2] =	stream.indirect_vreg.gather [hbm4b:s8+s2], $0x80, v5, vm0, $0xb8;
	[tilespmem:$0x10100] =	vst v63  }
0x5b: {  	v3 =	vadd.s32 v1, v3  }
0x5c: {  	[tilespmem:s23], [sflag:$0x2] =	stream.indirect_vreg.gather [hbm4b:s9+s2], $0x80, v5, vm0, $0xb8;
	[tilespmem:$0x10100] =	vst v63  }
0x5d: {  	_ = 	snop  }
0x5e: {  	[tilespmem:s24], [sflag:$0x2] =	stream.indirect_vreg.gather [hbm4b:s10+s2], $0x80, v5, vm0, $0xb8;
	[tilespmem:$0x10100] =	vst v63  }
0x5f: {  	_ = 	snop  }
0x60: {  	[tilespmem:s25], [sflag:$0x2] =	stream.indirect_vreg.gather [hbm4b:s5+s2], $0x80, v3, vm0, $0xb8;
	[tilespmem:$0x10100] =	vst v63  }
0x61: {  	_ = 	snop  }
0x62: {  	[tilespmem:s26], [sflag:$0x2] =	stream.indirect_vreg.gather [hbm4b:s8+s2], $0x80, v3, vm0, $0xb8;
	[tilespmem:$0x10100] =	vst v63  }
0x63: {  	_ = 	snop  }
0x64: {  	[tilespmem:s28], [sflag:$0x2] =	stream.indirect_vreg.gather [hbm4b:s9+s2], $0x80, v3, vm0, $0xb8;
	[tilespmem:$0x10100] =	vst v63  }
0x65: {  	_ = 	snop  }
0x66: {  	[tilespmem:s29], [sflag:$0x2] =	stream.indirect_vreg.gather [hbm4b:s10+s2], $0x80, v3, vm0, $0xb8;
	[tilespmem:$0x10100] =	vst v63  }
0x67: {  	_ =	swait.ge [sflag:s30], $0x4000  }
0x68: {  	[sflag:s30] =	ssyncset.done $0x0  }
0x69: {  	[sflag:s30] =	ssyncadd.s32 $0xFFFFC000  }
0x6a: {  	_ =	swait.ge [sflag:s30], $0x4000  }
0x6b: {  	[sflag:s30] =	ssyncset.done $0x0  }
0x6c: {  	s12 =	sor.u32 $0x10, s6;
	s15 =	simm.s32 $0x0;
	[sflag:s30] =	ssyncadd.s32 $0xFFFFC000  }
.LBB2_3:
0x6d: {  	s1 =	sshll.u32 s15, $0xA;
	s14 =	sshll.u32 s15, $0x7  }
0x6e: {  	s1 =	sand.u32 $0x2000, s1;
	s14 =	sand.u32 $0x380, s14  }
0x6f: {  	s20 =	sand.u32 $0x40, s2;
	s1 =	sor.u32 s1, s14  }
0x70: {  	s16 =	sand.u32 $0x1C00, s2;
	s14 =	sor.u32 s20, s1  }
0x71: {  	s16 =	sor.u32 s16, s14  }
0x72: {  	v8 =	vld [tilespmem:s16+$0x4130]  }
0x73: {  	v10 =	vld [tilespmem:s16+$0x4120]  }
0x74: {  	v7 =	vld [tilespmem:s16+$0x4100]  }
0x75: {  	v3 =	vld [tilespmem:s16+$0x4110]  }
0x76: {  	s21 =	simm.s32 $0x40;
	v5 =	vld [tilespmem:s16+$0x110]  }
0x77: {  	s17 =	simm.s32 $0x200;
	s14 =	sand.u32 $0x40, s21;
	v9 =	vld [tilespmem:s16+$0x100]  }
0x78: {  	s18 =	sand.u32 $0x1C00, s17;
	s14 =	sor.u32 s14, s1;
	v11 =	vld [tilespmem:s16+$0x130]  }
0x79: {  	v12 =	vld [tilespmem:s16+$0x120];
	s14 =	sor.u32 s18, s14  }
0x7a: {  	v6 =	vld [tilespmem:s14+$0x4130]  }
0x7b: {  	v4 =	vld [tilespmem:s14+$0x4120];
	v13 =	vadd.f32 v3, v5  }
0x7c: {  	v3 =	vld [tilespmem:s14+$0x4100];
	v14 =	vadd.f32 v7, v9  }
0x7d: {  	v5 =	vld [tilespmem:s14+$0x4110];
	v9 =	vadd.f32 v8, v11;
	[tilespmem:s16+$0x110] =	vst v13  }
0x7e: {  	s19 =	simm.s32 $0x80;
	s18 =	simm.s32 $0x4;
	v8 =	vadd.f32 v10, v12;
	v7 =	vld [tilespmem:s14+$0x110];
	[tilespmem:s16+$0x100] =	vst v14  }
.LBB2_4:
0x7f: {  	s20 =	sand.u32 $0x40, s19;
	s18 =	sadd.s32 $0x4, s18;
	v10 =	vld [tilespmem:s14+$0x100];
	s17 =	sadd.s32 $0x200, s17;
	[tilespmem:s16+$0x130] =	vst v9;
	v9 =	vmov v6  }
0x80: {  	s21 =	sand.u32 $0x1C00, s17;
	s20 =	sor.u32 s20, s1;
	p0 =	slt.u32 s18, $0x3C;
	v11 =	vld [tilespmem:s14+$0x130];
	[tilespmem:s16+$0x120] =	vst v8;
	v8 =	vmov v4  }
0x81: {  	s16 =	smov.u32 s14;
	v12 =	vld [tilespmem:s14+$0x120];
	s14 =	sor.u32 s21, s20  }
.Ltmp0:
0x82: {  	v6 =	vld [tilespmem:s14+$0x4130];
	(pc) =	sbr.rel @p0 .LBB2_4-.Ltmp0, $4  }
0x83: {  	v4 =	vld [tilespmem:s14+$0x4120];
	v7 =	vadd.f32 v5, v7  }
0x84: {  	v10 =	vadd.f32 v3, v10;
	v3 =	vld [tilespmem:s14+$0x4100]  }
0x85: {  	v5 =	vld [tilespmem:s14+$0x4110];
	[tilespmem:s16+$0x110] =	vst v7;
	v9 =	vadd.f32 v9, v11  }
0x86: {  	s19 =	sadd.s32 $0x40, s19;
	v7 =	vld [tilespmem:s14+$0x110];
	[tilespmem:s16+$0x100] =	vst v10;
	v8 =	vadd.f32 v8, v12  }
0x87: {  	v10 =	vld [tilespmem:s14+$0x100];
	[tilespmem:s16+$0x130] =	vst v9  }
0x88: {  	v9 =	vld [tilespmem:s14+$0x130];
	[tilespmem:s16+$0x120] =	vst v8  }
0x89: {  	v8 =	vld [tilespmem:s14+$0x120]  }
0x8a: {  	s15 =	sadd.s32 $0x1, s15  }
0x8b: {  	p0 =	sne.s32 s15, $0x10;
	v5 =	vadd.f32 v5, v7  }
.Ltmp1:
0x8c: {  	v3 =	vadd.f32 v3, v10;
	(pc) =	sbr.rel @p0 .LBB2_3-.Ltmp1, $4  }
0x8d: {  	[tilespmem:s14+$0x110] =	vst v5;
	v63 =	vadd.f32 v6, v9  }
0x8e: {  	[tilespmem:s14+$0x100] =	vst v3;
	v3 =	vadd.f32 v4, v8  }
0x8f: {  	[tilespmem:s14+$0x130] =	vst v63  }
0x90: {  	[tilespmem:s14+$0x120] =	vst v3  }
0x91: {  	s1 =	sshll.u32 s7, $0xC  }
0x92: {  	s2 =	simm.s32 $0x100;
	s1 =	sadd.s32 s1, s11  }
0x93: {  	[hbm4b:s1+s3] =	stream.linear.scatter [tilespmem:s2], [sflag:$0x3], $0x4000, $0x38;
	[tilespmem:$0x10100] =	vst v63  }
0x94: {  	_ =	swait.ge [sflag:s13], $0x4000  }
0x95: {  	[sflag:s13] =	ssyncset.done $0x0  }
0x96: {  	p0 =	seq.s32 s7, $0x3;
	[sflag:s13] =	ssyncadd.s32 $0xFFFFC000  }
0x97: {  	v3 =	vld @!p0 [tilespmem:s6+$0x20];
	_ =	sdelay $0x4  }
0x98: {  	v4 =	vshll.u32 @!p0 v3, $0x3  }
0x99: {  	v5 =	vlaneseq.u32 @!p0;
	v3 =	vand.u32 @!p0 $0x7, v3;
	v4 =	vand.u32 @!p0 $0xFFFFFFC0, v4  }
0x9a: {  	v6 =	vshrl.u32 @!p0 v5, $0x3;
	v3 =	vor.u32 @!p0 v3, v4;
	v4 =	vand.u32 @!p0 $0x7, v5  }
0x9b: {  	v6 =	vmul.u32 @!p0 $0x8, v6;
	v7 =	vperm.xlane @!p0 v3, v4;
	_ =	sdelay $0x1  }
0x9c: {  	v7 =	vadd.s32 @!p0 v6, v7;
	_ =	sdelay $0x3  }
0x9d: {  	vm1 =	vmmov @!p0 $0xffff;
	s1 =	simm.s32 @!p0 $0x0;
	s2 =	simm.s32 @!p0 $0x100  }
0x9e: {  	v8 =	vld @!p0 [tilespmem:s6+$0xA0];
	v5 =	vor.u32 @!p0 $0x8, v5;
	[tilespmem:s2], [sflag:$0x1] =	stream.indirect_vreg.gather @!p0 [hbm4b:s5+s1], $0x80, v7, vm1, $0xb8;
	[tilespmem:$0x10100] =	vst v63  }
0x9f: {  	v3 =	vperm.xlane @!p0 v3, v5;
	s2 =	simm.s32 @!p0 $0x900  }
0xa0: {  	[tilespmem:s2], [sflag:$0x1] =	stream.indirect_vreg.gather @!p0 [hbm4b:s8+s1], $0x80, v7, vm1, $0xb8;
	[tilespmem:$0x10100] =	vst v63  }
0xa1: {  	v3 =	vadd.s32 @!p0 v6, v3;
	s2 =	simm.s32 @!p0 $0x1100  }
0xa2: {  	[tilespmem:s2], [sflag:$0x1] =	stream.indirect_vreg.gather @!p0 [hbm4b:s9+s1], $0x80, v7, vm1, $0xb8;
	[tilespmem:$0x10100] =	vst v63  }
0xa3: {  	s2 =	simm.s32 @!p0 $0x1900  }
0xa4: {  	[tilespmem:s2], [sflag:$0x1] =	stream.indirect_vreg.gather @!p0 [hbm4b:s10+s1], $0x80, v7, vm1, $0xb8;
	v7 =	vshll.u32 @!p0 v8, $0x3;
	[tilespmem:$0x10100] =	vst v63  }
0xa5: {  	s2 =	simm.s32 @!p0 $0x2100;
	v8 =	vand.u32 @!p0 $0x7, v8;
	v7 =	vand.u32 @!p0 $0xFFFFFFC0, v7  }
0xa6: {  	[tilespmem:s2], [sflag:$0x1] =	stream.indirect_vreg.gather @!p0 [hbm4b:s5+s1], $0x80, v3, vm1, $0xb8;
	v7 =	vor.u32 @!p0 v8, v7;
	[tilespmem:$0x10100] =	vst v63  }
0xa7: {  	s2 =	simm.s32 @!p0 $0x2900;
	v4 =	vperm.xlane @!p0 v7, v4  }
0xa8: {  	[tilespmem:s2], [sflag:$0x1] =	stream.indirect_vreg.gather @!p0 [hbm4b:s8+s1], $0x80, v3, vm1, $0xb8;
	[tilespmem:$0x10100] =	vst v63  }
0xa9: {  	s2 =	simm.s32 @!p0 $0x3100;
	v4 =	vadd.s32 @!p0 v6, v4  }
0xaa: {  	[tilespmem:s2], [sflag:$0x1] =	stream.indirect_vreg.gather @!p0 [hbm4b:s9+s1], $0x80, v3, vm1, $0xb8;
	[tilespmem:$0x10100] =	vst v63  }
0xab: {  	s2 =	simm.s32 @!p0 $0x3900  }
0xac: {  	[tilespmem:s2], [sflag:$0x1] =	stream.indirect_vreg.gather @!p0 [hbm4b:s10+s1], $0x80, v3, vm1, $0xb8;
	[tilespmem:$0x10100] =	vst v63  }
0xad: {  	s2 =	simm.s32 @!p0 $0x4100  }
0xae: {  	[tilespmem:s2], [sflag:$0x1] =	stream.indirect_vreg.gather @!p0 [hbm4b:s5+s1], $0x80, v4, vm1, $0xb8;
	[tilespmem:$0x10100] =	vst v63  }
0xaf: {  	v3 =	vperm.xlane @!p0 v7, v5;
	s2 =	simm.s32 @!p0 $0x4900  }
0xb0: {  	[tilespmem:s2], [sflag:$0x1] =	stream.indirect_vreg.gather @!p0 [hbm4b:s8+s1], $0x80, v4, vm1, $0xb8;
	[tilespmem:$0x10100] =	vst v63  }
0xb1: {  	v3 =	vadd.s32 @!p0 v6, v3;
	s2 =	simm.s32 @!p0 $0x5100  }
0xb2: {  	[tilespmem:s2], [sflag:$0x1] =	stream.indirect_vreg.gather @!p0 [hbm4b:s9+s1], $0x80, v4, vm1, $0xb8;
	[tilespmem:$0x10100] =	vst v63  }
0xb3: {  	s2 =	simm.s32 @!p0 $0x5900  }
0xb4: {  	[tilespmem:s2], [sflag:$0x1] =	stream.indirect_vreg.gather @!p0 [hbm4b:s10+s1], $0x80, v4, vm1, $0xb8;
	[tilespmem:$0x10100] =	vst v63  }
0xb5: {  	s2 =	simm.s32 @!p0 $0x6100  }
0xb6: {  	[tilespmem:s2], [sflag:$0x1] =	stream.indirect_vreg.gather @!p0 [hbm4b:s5+s1], $0x80, v3, vm1, $0xb8;
	[tilespmem:$0x10100] =	vst v63  }
0xb7: {  	s2 =	simm.s32 @!p0 $0x6900  }
0xb8: {  	[tilespmem:s2], [sflag:$0x1] =	stream.indirect_vreg.gather @!p0 [hbm4b:s8+s1], $0x80, v3, vm1, $0xb8;
	[tilespmem:$0x10100] =	vst v63  }
0xb9: {  	s2 =	simm.s32 @!p0 $0x7100  }
0xba: {  	[tilespmem:s2], [sflag:$0x1] =	stream.indirect_vreg.gather @!p0 [hbm4b:s9+s1], $0x80, v3, vm1, $0xb8;
	[tilespmem:$0x10100] =	vst v63  }
0xbb: {  	s2 =	simm.s32 @!p0 $0x7900  }
0xbc: {  	[tilespmem:s2], [sflag:$0x1] =	stream.indirect_vreg.gather @!p0 [hbm4b:s10+s1], $0x80, v3, vm1, $0xb8;
	[tilespmem:$0x10100] =	vst v63  }
0xbd: {  	_ =	swait.ge [sflag:s31], $0x4000  }
0xbe: {  	[sflag:s31] =	ssyncset.done $0x0  }
0xbf: {  	[sflag:s31] =	ssyncadd.s32 $0xFFFFC000  }
0xc0: {  	_ =	swait.ge [sflag:s31], $0x4000  }
0xc1: {  	[sflag:s31] =	ssyncset.done $0x0  }
0xc2: {  	s6 =	simm.s32 $0x0;
	s2 =	simm.s32 $0x0;
	[sflag:s31] =	ssyncadd.s32 $0xFFFFC000  }
.LBB2_7:
0xc3: {  	s1 =	sshll.u32 s6, $0xA;
	s14 =	sshll.u32 s6, $0x7  }
0xc4: {  	s1 =	sand.u32 $0x2000, s1;
	s14 =	sand.u32 $0x380, s14  }
0xc5: {  	s20 =	sand.u32 $0x40, s2;
	s1 =	sor.u32 s1, s14  }
0xc6: {  	s15 =	sand.u32 $0x1C00, s2;
	s14 =	sor.u32 s20, s1  }
0xc7: {  	s15 =	sor.u32 s15, s14  }
0xc8: {  	v8 =	vld [tilespmem:s15+$0xC130]  }
0xc9: {  	v10 =	vld [tilespmem:s15+$0xC120]  }
0xca: {  	v7 =	vld [tilespmem:s15+$0xC100]  }
0xcb: {  	v3 =	vld [tilespmem:s15+$0xC110]  }
0xcc: {  	s21 =	simm.s32 $0x40;
	v5 =	vld [tilespmem:s15+$0x8110]  }
0xcd: {  	s16 =	simm.s32 $0x200;
	s14 =	sand.u32 $0x40, s21;
	v9 =	vld [tilespmem:s15+$0x8100]  }
0xce: {  	s17 =	sand.u32 $0x1C00, s16;
	s14 =	sor.u32 s14, s1;
	v11 =	vld [tilespmem:s15+$0x8130]  }
0xcf: {  	v12 =	vld [tilespmem:s15+$0x8120];
	s14 =	sor.u32 s17, s14  }
0xd0: {  	v6 =	vld [tilespmem:s14+$0xC130]  }
0xd1: {  	v4 =	vld [tilespmem:s14+$0xC120];
	v13 =	vadd.f32 v3, v5  }
0xd2: {  	v3 =	vld [tilespmem:s14+$0xC100];
	v14 =	vadd.f32 v7, v9  }
0xd3: {  	v5 =	vld [tilespmem:s14+$0xC110];
	v9 =	vadd.f32 v8, v11;
	[tilespmem:s15+$0x8110] =	vst v13  }
0xd4: {  	s18 =	simm.s32 $0x80;
	s17 =	simm.s32 $0x4;
	v8 =	vadd.f32 v10, v12;
	v7 =	vld [tilespmem:s14+$0x8110];
	[tilespmem:s15+$0x8100] =	vst v14  }
.LBB2_8:
0xd5: {  	s19 =	sand.u32 $0x40, s18;
	s17 =	sadd.s32 $0x4, s17;
	v10 =	vld [tilespmem:s14+$0x8100];
	s16 =	sadd.s32 $0x200, s16;
	[tilespmem:s15+$0x8130] =	vst v9;
	v9 =	vmov v6  }
0xd6: {  	s20 =	sand.u32 $0x1C00, s16;
	s19 =	sor.u32 s19, s1;
	p0 =	slt.u32 s17, $0x3C;
	v11 =	vld [tilespmem:s14+$0x8130];
	[tilespmem:s15+$0x8120] =	vst v8;
	v8 =	vmov v4  }
0xd7: {  	s15 =	smov.u32 s14;
	v12 =	vld [tilespmem:s14+$0x8120];
	s14 =	sor.u32 s20, s19  }
.Ltmp2:
0xd8: {  	v6 =	vld [tilespmem:s14+$0xC130];
	(pc) =	sbr.rel @p0 .LBB2_8-.Ltmp2, $4  }
0xd9: {  	v4 =	vld [tilespmem:s14+$0xC120];
	v7 =	vadd.f32 v5, v7  }
0xda: {  	v10 =	vadd.f32 v3, v10;
	v3 =	vld [tilespmem:s14+$0xC100]  }
0xdb: {  	v5 =	vld [tilespmem:s14+$0xC110];
	[tilespmem:s15+$0x8110] =	vst v7;
	v9 =	vadd.f32 v9, v11  }
0xdc: {  	s18 =	sadd.s32 $0x40, s18;
	v7 =	vld [tilespmem:s14+$0x8110];
	[tilespmem:s15+$0x8100] =	vst v10;
	v8 =	vadd.f32 v8, v12  }
0xdd: {  	v10 =	vld [tilespmem:s14+$0x8100];
	[tilespmem:s15+$0x8130] =	vst v9  }
0xde: {  	v9 =	vld [tilespmem:s14+$0x8130];
	[tilespmem:s15+$0x8120] =	vst v8  }
0xdf: {  	v8 =	vld [tilespmem:s14+$0x8120]  }
0xe0: {  	s6 =	sadd.s32 $0x1, s6  }
0xe1: {  	p0 =	sne.s32 s6, $0x10;
	v5 =	vadd.f32 v5, v7  }
.Ltmp3:
0xe2: {  	v3 =	vadd.f32 v3, v10;
	(pc) =	sbr.rel @p0 .LBB2_7-.Ltmp3, $4  }
0xe3: {  	[tilespmem:s14+$0x8110] =	vst v5;
	v63 =	vadd.f32 v6, v9  }
0xe4: {  	[tilespmem:s14+$0x8100] =	vst v3;
	v3 =	vadd.f32 v4, v8  }
0xe5: {  	[tilespmem:s14+$0x8130] =	vst v63  }
0xe6: {  	[tilespmem:s14+$0x8120] =	vst v3  }
0xe7: {  	s1 =	sadd.s32 s4, s12;
	s7 =	sadd.s32 $0x1, s7  }
0xe8: {  	s2 =	rddreg [dreg:$0x1];
	s1 =	sshll.u32 s1, $0x7;
	p0 =	sne.s32 s7, $0x4  }
.Ltmp4:
0xe9: {  	s1 =	sadd.s32 s2, s1;
	(pc) =	sbr.rel @p0 .LBB2_2-.Ltmp4, $4  }
0xea: {  	[hbm4b:s1+s3] =	stream.linear.scatter [tilespmem:s0], [sflag:$0x3], $0x4000, $0x38;
	[tilespmem:$0x10100] =	vst v63  }
0xeb: {  	_ =	swait.ge [sflag:s13], $0x4000  }
0xec: {  	[sflag:s13] =	ssyncset.done $0x0  }
0xed: {  	[sflag:s13] =	ssyncadd.s32 $0xFFFFC000  }
0xee: {  	s2 =	rddreg [dreg:$0x6]  }
0xef: {  	s1 =	rddreg [dreg:$0x5];
	s2 =	sadd.s32 $0x1, s2  }
0xf0: {  	p0 =	sne.s32 s2, s1  }
.Ltmp5:
0xf1: {  	_ = 	snop;
	(pc) =	sbr.rel @p0 .LBB2_1-.Ltmp5, $1  }
0xf2: {  	_ =	sdelay $0x3  }
0xf3: {  	_ =	sfence.sel $0x180000  }
0xf4: {  	[bflag:$0x0] =	sbarrier.arrive $0xFFFF  }
0xf5: {  	_ =	strace $0x9000004A  }
0xf6: {  	s0 =	stileid.u32;
	[bflag:$0x2] =	sbarrier.arrive $0xFFFF  }
0xf7: {  	p0 =	sne.s32 s0, $0x0;
	s0 =	rddreg [dreg:$0x2]  }
0xf8: {  	s0 =	sadd.s32 @!p0 $0x100000, s0  }
0xf9: {  	[sflag:s0] =	ssyncadd.tile.s32 @!p0 $0x1;
	_ =	shalt  }
.Lfunc_end2:
_tile_overlayer_lowered:
.L_overlay_start_2:
0xfa: {  	(tag) =	ssettag $0x2  }
0xfb: {  	s0 =	rddreg [dreg:$0x0];
	s2 =	stileid.u32  }
0xfc: {  	s1 =	rddreg [dreg:$0x1];
	p0 =	sne.s32 s2, $0x0  }
0xfd: {  	s3 =	rddreg [dreg:$0x2];
	[bflag:$0x3] =	sbarrier.arrive $0xFFFF;
	s2 =	simm.s32 @!p0 $0x1C03  }
0xfe: {  	[timem:s3], [sflag:s2] =	dma.local @!p0 [hbm:s0], s1  }
0xff: {  	s0 =	simm.s32 @!p0 $0x3  }
0x100: {  	_ =	swait.ge @!p0 [sflag:s0], s1  }
0x101: {  	s1 =	ssub.s32 @!p0 $0x0, s1;
	[sflag:s0] =	ssyncset.done @!p0 $0x0  }
0x102: {  	[sflag:s0] =	ssyncadd.s32 @!p0 s1  }
0x103: {  	[bflag:$0x3] =	sbarrier.arrive $0xFFFF  }
0x104: {  	_ =	shalt  }

// kernel: kernel.7.cloned.1.call-start
scs
__scs_entry_jumppad:
0x0: {  	(pc) =	sbr.rel $0x88, $3  }
0x1: {  	(tag) =	ssettag $0x0;
	lr =	simm.s32 $0x1  }
0x2: {  	[smem:$0x3F9A] =	sst lr;
	_ =	strace $0xD0000000  }
0x3: {  	_ = 	snop  }
0x4: {  	_ = 	snop  }
0x5: {  	_ = 	snop  }
0x6: {  	_ = 	snop  }
0x7: {  	_ = 	snop  }
__scs_overlays_trampoline_lowered:
0x8: {  	[smem:$0x3FA9] =	sst s0  }
0x9: {  	[smem:$0x3FAA] =	sst s1  }
0xa: {  	[smem:$0x3FAB] =	sst s2  }
0xb: {  	[smem:$0x3FAC] =	sst s3  }
0xc: {  	[smem:$0x3FAD] =	sst s4  }
0xd: {  	[smem:$0x3FAE] =	sst s5  }
0xe: {  	[smem:$0x3FAF] =	sst s6  }
0xf: {  	[smem:$0x3FB0] =	sst s7  }
0x10: {  	[smem:$0x3FB1] =	sst s8  }
0x11: {  	[smem:$0x3FB2] =	sst s9;
	s0 =	simm.s32 @!p0 $0x0  }
0x12: {  	s1 =	sld [smem:$0x3F98];
	s0 =	simm.s32 @p0 $0x1  }
0x13: {  	[smem:$0x3FB3] =	sst s0;
	s0 =	simm.s32 @!p1 $0x0  }
0x14: {  	s2 =	sld [smem:$0x3F97];
	s0 =	simm.s32 @p1 $0x1  }
0x15: {  	[smem:$0x3FB4] =	sst s0;
	s0 =	simm.s32 @!p2 $0x0  }
0x16: {  	s3 =	sld [smem:$0x3FDB];
	s0 =	simm.s32 @p2 $0x1  }
0x17: {  	s4 =	simm.s32 $0x1BF5;
	[smem:$0x3FB6] =	sst s0  }
0x18: {  	s0 =	sld [smem:$0x3F99];
	_ =	swait.ge [sflag:s4], $0x0  }
0x19: {  	s7 =	sld [smem:$0x3F9A]  }
0x1a: {  	s8 =	sadd.s32 $0xFFFFE003, lr  }
0x1b: {  	s9 =	sadd.s32 $0xFFFFFEF7, lr;
	s5 =	simm.s32 $0xFFFFFFFF;
	p2 =	slt.u32 s8, $0xFFFFF086  }
0x1c: {  	p1 =	slt.u32 s9, $0xF7A;
	s5 =	simm.s32 @!p2 $0x0  }
0x1d: {  	s5 =	simm.s32 @p1 $0x1;
	p0 =	seq.s32 s7, s2  }
0x1e: {  	s7 =	smul.u32 @!p0 $0xF7A, s2;
	p2 =	seq.s32 @!p0 s5, $0x0  }
0x1f: {  	s9 =	smul.u32 $0xF7A, s1;
	s8 =	simm.s32 @!p0 $0x1BF5;
	p2 =	por !p2, p0  }
0x20: {  	[sflag:s8] =	ssyncset.s32 @!p0 $0xFFFFF086;
	s6 =	sadd.s32 @!p0 s3, s7;
	s7 =	simm.s32 @!p0 $0x108  }
0x21: {  	s3 =	sadd.s32 s3, s9;
	s6 =	sadd.s32 @!p0 $0x88, s6;
	s7 =	simm.s32 @p2 $0x1082  }
0x22: {  	[simem:s7], [sflag:s8] =	dma.local @!p0 [hbm:s6], $0xF7A  }
0x23: {  	s9 =	sor.u32 $0xD0000000, s2;
	s6 =	simm.s32 $0x108;
	_ =	swait.ge @!p0 [sflag:s8], $0x0  }
0x24: {  	s3 =	sadd.s32 $0x88, s3;
	s6 =	simm.s32 @!p1 $0x1082;
	[sflag:s4] =	ssyncset.s32 $0xFFFFF086  }
0x25: {  	[simem:s6], [sflag:s4] =	dma.local [hbm:s3], $0xF7A  }
0x26: {  	[smem:$0x3F9A] =	sst s1;
	(tag) =	ssettag s2;
	_ =	strace s9  }
0x27: {  	s1 =	sld [smem:$0x3FAA]  }
0x28: {  	s2 =	sld [smem:$0x3FAB]  }
0x29: {  	s4 =	sld [smem:$0x3FAD]  }
0x2a: {  	p0 =	seq.s32 s5, $0x0;
	s5 =	sld [smem:$0x3FAE]  }
0x2b: {  	s6 =	sld [smem:$0x3FAF]  }
0x2c: {  	s7 =	sld [smem:$0x3FB0]  }
0x2d: {  	s3 =	simm.s32 $0x108;
	s8 =	sld [smem:$0x3FB1]  }
0x2e: {  	s3 =	simm.s32 @!p0 $0x1082;
	s9 =	sld [smem:$0x3FB2]  }
0x2f: {  	lr =	sadd.s32 s0, s3;
	s0 =	sld [smem:$0x3FA9]  }
0x30: {  	s3 =	sld [smem:$0x3FAC]  }
0x31: {  	[smem:$0x3FB5] =	sst s10  }
0x32: {  	s10 =	sld [smem:$0x3FB3];
	_ =	sdelay $0x3  }
0x33: {  	p0 =	seq.s32 s10, $0x1;
	s10 =	sld [smem:$0x3FB5];
	_ =	sdelay $0x3  }
0x34: {  	[smem:$0x3FB5] =	sst s10  }
0x35: {  	s10 =	sld [smem:$0x3FB4];
	_ =	sdelay $0x3  }
0x36: {  	p1 =	seq.s32 s10, $0x1;
	s10 =	sld [smem:$0x3FB5];
	_ =	sdelay $0x3  }
0x37: {  	[smem:$0x3FB5] =	sst s10  }
0x38: {  	s10 =	sld [smem:$0x3FB6]  }
0x39: {  	_ = 	snop;
	(pc) =	sbr.ind lr, $3  }
0x3a: {  	_ = 	snop  }
0x3b: {  	_ = 	snop  }
0x3c: {  	p2 =	seq.s32 s10, $0x1;
	s10 =	sld [smem:$0x3FB5]  }
0x3d: {  	_ =	shalt  }
0x3e: {  	_ =	shalt  }
0x3f: {  	_ =	shalt  }
0x40: {  	_ =	shalt  }
0x41: {  	_ =	shalt  }
0x42: {  	_ =	shalt  }
0x43: {  	_ =	shalt  }
0x44: {  	_ =	shalt  }
0x45: {  	_ =	shalt  }
0x46: {  	_ =	shalt  }
0x47: {  	_ =	shalt  }
0x48: {  	_ =	shalt  }
0x49: {  	_ =	shalt  }
0x4a: {  	_ =	shalt  }
0x4b: {  	_ =	shalt  }
0x4c: {  	_ =	shalt  }
0x4d: {  	_ =	shalt  }
0x4e: {  	_ =	shalt  }
0x4f: {  	_ =	shalt  }
0x50: {  	_ =	shalt  }
0x51: {  	_ =	shalt  }
0x52: {  	_ =	shalt  }
0x53: {  	_ =	shalt  }
0x54: {  	_ =	shalt  }
0x55: {  	_ =	shalt  }
0x56: {  	_ =	shalt  }
0x57: {  	_ =	shalt  }
0x58: {  	_ =	shalt  }
0x59: {  	_ =	shalt  }
0x5a: {  	_ =	shalt  }
0x5b: {  	_ =	shalt  }
0x5c: {  	_ =	shalt  }
0x5d: {  	_ =	shalt  }
0x5e: {  	_ =	shalt  }
0x5f: {  	_ =	shalt  }
0x60: {  	_ =	shalt  }
0x61: {  	_ =	shalt  }
0x62: {  	_ =	shalt  }
0x63: {  	_ =	shalt  }
0x64: {  	_ =	shalt  }
0x65: {  	_ =	shalt  }
0x66: {  	_ =	shalt  }
0x67: {  	_ =	shalt  }
0x68: {  	_ =	shalt  }
0x69: {  	_ =	shalt  }
0x6a: {  	_ =	shalt  }
0x6b: {  	_ =	shalt  }
0x6c: {  	_ =	shalt  }
0x6d: {  	_ =	shalt  }
0x6e: {  	_ =	shalt  }
0x6f: {  	_ =	shalt  }
0x70: {  	_ =	shalt  }
0x71: {  	_ =	shalt  }
0x72: {  	_ =	shalt  }
0x73: {  	_ =	shalt  }
0x74: {  	_ =	shalt  }
0x75: {  	_ =	shalt  }
0x76: {  	_ =	shalt  }
0x77: {  	_ =	shalt  }
0x78: {  	_ =	shalt  }
0x79: {  	_ =	shalt  }
0x7a: {  	_ =	shalt  }
0x7b: {  	_ =	shalt  }
0x7c: {  	_ =	shalt  }
0x7d: {  	_ =	shalt  }
0x7e: {  	_ =	shalt  }
0x7f: {  	_ =	shalt  }
0x80: {  	_ =	shalt  }
0x81: {  	_ =	shalt  }
0x82: {  	_ =	shalt  }
0x83: {  	_ =	shalt  }
0x84: {  	_ =	shalt  }
0x85: {  	_ =	shalt  }
0x86: {  	_ =	shalt  }
0x87: {  	_ =	shalt  }
.Lfunc_end0:
.L_simem_size_0:
called_computation_lowered:
.L_overlay_start_0:
0x88: {  	s2 =	sld [smem:$0x3FD9]  }
0x89: {  	s3 =	sld [smem:$0x3FFE];
	_ =	sdelay $0x1  }
0x8a: {  	s1 =	srdreg.scid  }
0x8b: {  	s0 =	sand.u32 $0x1, s1  }
0x8c: {  	s17 =	sshll.u32 s0, $0xA;
	s2 =	sadd.s32 s3, s2  }
0x8d: {  	s2 =	sadd.s32 s2, s17  }
0x8e: {  	[smem:$0x3FC1] =	sst s2  }
0x8f: {  	_ = 	snop  }
0x90: {  	s2 =	sld [smem:$0x3FD0];
	(tm) =	ssettm $0x1  }
0x91: {  	s18 =	sld [smem:$0x3FFB];
	_ =	sdelay $0x3  }
0x92: {  	_ =	strace s18  }
0x93: {  	s3 =	sld [smem:$0x3FFC];
	_ =	sdelay $0x3  }
0x94: {  	_ =	strace s3  }
0x95: {  	s3 =	sld [smem:$0x3FFD];
	_ =	sdelay $0x3  }
0x96: {  	_ =	strace s3  }
0x97: {  	_ =	strace $0x8FFFFFFF  }
0x98: {  	s19 =	sld [smem:$0x3FDB];
	_ =	sdelay $0x1  }
0x99: {  	s4 =	simm.s32 $_scs_section_size  }
0x9a: {  	s5 =	simm.s32 $_size__tile_overlayer_lowered;
	s6 =	simm.s32 $_tile_overlayer_lowered  }
0x9b: {  	s22 =	simm.s32 $0x1BFF;
	s21 =	sshll.u32 s6, $0x1;
	s3 =	sadd.s32 s4, s19  }
0x9c: {  	s7 =	simm.s32 $0x0;
	s20 =	sshll.u32 s5, $0x1;
	s5 =	sadd.s32 s21, s3  }
0x9d: {  	[timem:s7], [sflag:s22] =	dma.local [hbm:s5], s20  }
0x9e: {  	_ =	swait.ge [sflag:s22], s20  }
0x9f: {  	s4 =	ssub.s32 $0x0, s20;
	[sflag:s22] =	ssyncset.done $0x0  }
0xa0: {  	[sflag:s22] =	ssyncadd.s32 s4;
	_ =	sdelay $0x1  }
0xa1: {  	s23 =	simm.s32 $0x1B8B  }
0xa2: {  	_ =	swait.ge [sflag:s23], $0x1  }
0xa3: {  	[sflag:s23] =	ssyncset.done $0x0  }
0xa4: {  	s25 =	simm.s32 $0x1B8E;
	s24 =	sld [smem:$0x3FFE];
	[sflag:s23] =	ssyncadd.s32 $0xFFFFFFFF  }
0xa5: {  	s26 =	simm.s32 $execute0_lowered;
	[smem:$0x3FD2] =	sst s25  }
0xa6: {  	s5 =	sshll.u32 s26, $0x1;
	_ =	strace $0x80000046;
	[dreg:$0x1] =	wrdreg $0xFFFFFFFF  }
0xa7: {  	s28 =	simm.s32 $_size_execute0_lowered;
	s3 =	sadd.s32 s3, s5;
	[dreg:$0x0] =	wrdreg $0x0  }
0xa8: {  	s5 =	sshll.u32 s28, $0x1;
	[dreg:$0x2] =	wrdreg s3  }
0xa9: {  	[dreg:$0x3] =	wrdreg s5  }
0xaa: {  	[dreg:$0x4] =	wrdreg $0xC0  }
0xab: {  	_ =	task [dreg:s7], $0x5FFFF  }
0xac: {  	[dreg:$0x1] =	wrdreg $0xFFFFFFFF  }
0xad: {  	[dreg:$0x0] =	wrdreg $0x60  }
0xae: {  	[dreg:$0x2] =	wrdreg s24  }
0xaf: {  	[dreg:$0x3] =	wrdreg s2  }
0xb0: {  	[dreg:$0x4] =	wrdreg $0x9  }
0xb1: {  	_ =	task.clear_ibuf [dreg:s7], $0x5FFFF;
	_ =	strace $0x90000046  }
0xb2: {  	s29 =	simm.s32 $0x9;
	_ =	strace $0x80000048  }
0xb3: {  	_ =	swait.ge [sflag:s29], $0x1  }
0xb4: {  	[sflag:s29] =	ssyncadd.s32 $0xFFFFFFFF  }
0xb5: {  	_ =	strace $0x90000048  }
0xb6: {  	_ =	sfence  }
0xb7: {  	s30 =	sld [smem:$0x0];
	_ =	sdelay $0x2  }
0xb8: {  	s31 =	sshll.u32 s1, $0xD;
	s1 =	sshrl.u32 s1, $0x2  }
0xb9: {  	s3 =	sand.u32 $0x4000, s31;
	s1 =	sadd.s32 s1, s30  }
0xba: {  	s0 =	sor.u32 s3, s0;
	s1 =	sshll.u32 s1, $0x11  }
0xbb: {  	s0 =	sor.u32 s1, s0  }
0xbc: {  	s0 =	sadd.s32 $0x8F2B, s0  }
0xbd: {  	[sflag:s0] =	ssyncadd.remote.s32 $0x1  }
0xbe: {  	_ =	sfence.sel $0xFFFF  }
0xbf: {  	[dreg:$0x0] =	wrdreg $0xFFFFFFFF;
	(pc) =	sbr.abs _section_cstart, $3  }
0xc0: {  	[dreg:$0x1] =	wrdreg $0xFFFFFFFF  }
0xc1: {  	_ =	task.clear_ibuf [dreg:s7], $0x2FFFF;
	_ =	strace $0x9FFFFFFF  }
0xc2: {  	(tm) =	ssettm $0x7FFFFFFF  }
0xc3: {  	_ =	shalt  }
tec
execute0_lowered:
.L_overlay_start_1:
0x0: {  	(tag) =	ssettag $0x1  }
0x1: {  	s0 =	rddreg [dreg:$0x0]  }
0x2: {  	s1 =	srdreg.scid;
	s13 =	stileid.u32  }
0x3: {  	s2 =	rddreg [dreg:$0x1];
	s3 =	simm.s32 $0x0;
	s19 =	simm.s32 $0x4000  }
0x4: {  	s28 =	simm.s32 $0xB800;
	s29 =	simm.s32 $0xC000;
	s30 =	simm.s32 $0x1  }
0x5: {  	s31 =	simm.s32 $0x2;
	s1 =	sand.u32 $0x1, s1;
	s23 =	smul.u32 $0x48000, s13  }
0x6: {  	s4 =	sshll.u32 s13, $0x1;
	[smem:$0x7FF] =	sst s3;
	s15 =	smul.u32 $0x900, s13  }
0x7: {  	s6 =	sadd.s32 $0x1400, s0;
	s20 =	sadd.s32 $0x1800, s0;
	s17 =	smul.u32 $0x9000, s13  }
0x8: {  	s21 =	sadd.s32 $0x2200, s0;
	s9 =	sadd.s32 $0x100, s2;
	s14 =	smul.u32 $0x24000, s1  }
0x9: {  	s5 =	sor.u32 s1, s4;
	_ =	strace $0x80000047;
	s16 =	smul.u32 $0x480, s1  }
0xa: {  	[dreg:$0x3] =	wrdreg s6;
	s8 =	ssub.s32 $0x2, s1;
	s1 =	smul.u32 $0x4800, s1  }
0xb: {  	[dreg:$0x4] =	wrdreg s20;
	s20 =	simm.s32 $0x6400;
	s4 =	smul.u32 $0x120, s5  }
0xc: {  	s22 =	sshrl.u32 s8, $0x1;
	s5 =	smul.u32 $0x24000, s5;
	s26 =	sadd.s32 s17, s21  }
0xd: {  	s17 =	simm.s32 $0x3;
	s10 =	ssub.s32 s8, s22;
	s25 =	sadd.s32 s16, s15  }
0xe: {  	s1 =	sadd.s32 s1, s26;
	s22 =	simm.s32 $0x9000;
	s26 =	simm.s32 $0xB000  }
0xf: {  	vm0 =	vcmask $0xF0C;
	vm1 =	vcmask $0x704;
	s7 =	sshrl.u32 s4, $0x3;
	s8 =	sadd.s32 $0x6400, s4;
	s10 =	smax.u32 s10, $0x1  }
0x10: {  	vm0 =	vmor vm1, vm0;
	vm1 =	vcmask $0x1714;
	s5 =	sshrl.u32 s5, $0x3;
	s11 =	sadd.s32 $0x110, s4;
	s15 =	sadd.s32 $0x400, s1  }
0x11: {  	v0 =	vlaneseq.u32;
	vm0 =	vmor vm0, vm1;
	vm1 =	vcmask $0x1F1C;
	s1 =	simm.s32 $0x0;
	s0 =	sadd.s32 s7, s0;
	s5 =	sadd.s32 s21, s5  }
0x12: {  	v1 =	vimm.s32 $0x0;
	vm0 =	vmor vm0, vm1;
	vm1 =	vcmask $0x2724;
	s24 =	sshll.u32 s11, $0x6;
	s0 =	sadd.s32 $0x1C00, s0;
	s12 =	sadd.s32 $0x4000, s5  }
0x13: {  	v2 =	vand.u32 $0x7, v0;
	vm0 =	vmor vm0, vm1;
	vm1 =	vcmask $0x2F2C;
	s13 =	sadd.s32 s21, s24;
	s5 =	sadd.s32 $0x80, s25;
	s24 =	simm.s32 $0xA000  }
0x14: {  	v3 =	vshrl.u32 v0, $0x3;
	vm0 =	vmor vm0, vm1;
	vm1 =	vcmask $0x3734;
	s25 =	simm.s32 $0xA800;
	[dreg:$0x5] =	wrdreg s0;
	s0 =	sadd.s32 s14, s23  }
0x15: {  	v4 =	vor.u32 $0x8, v0;
	vm0 =	vmor vm0, vm1;
	vm1 =	vcmask $0x3F3C;
	s5 =	sshrl.u32 s5, $0x2;
	s23 =	simm.s32 $0x9800;
	s0 =	sshrl.u32 s0, $0x3  }
0x16: {  	v3 =	vmul.u32 $0x8, v3;
	vm0 =	vmor vm0, vm1;
	vm1 =	vmmov $0xffff;
	s18 =	sadd.s32 $0x4000, s5;
	s14 =	sadd.s32 s0, s21;
	s21 =	simm.s32 $0x8800  }
.LBB2_1:
0x17: {  	s0 =	rddreg [dreg:$0x3]  }
0x18: {  	[tilespmem:s3], [sflag:$0x3] =	stream.linear.gather [hbm4b:s0+s3], $0x2000, $0x38;
	[tilespmem:$0xC800] =	vst v63  }
0x19: {  	_ =	swait.ge [sflag:s17], $0x2000  }
0x1a: {  	[sflag:s17] =	ssyncset.done $0x0  }
0x1b: {  	s5 =	simm.s32 $0x2000;
	s16 =	rddreg [dreg:$0x4];
	[sflag:s17] =	ssyncadd.s32 $0xFFFFE000  }
0x1c: {  	[tilespmem:s5], [sflag:$0x3] =	stream.linear.gather [hbm4b:s16+s3], $0x2000, $0x38;
	[tilespmem:$0xC800] =	vst v63  }
0x1d: {  	_ =	swait.ge [sflag:s17], $0x2000  }
0x1e: {  	s6 =	simm.s32 $0x0;
	s0 =	simm.s32 $0xFFFFFFFC;
	[sflag:s17] =	ssyncset.done $0x0  }
0x1f: {  	s16 =	simm.s32 $0x20;
	s5 =	simm.s32 $0x2020;
	[sflag:s17] =	ssyncadd.s32 $0xFFFFE000  }
.LBB2_2:
0x20: {  	v5 =	vld [tilespmem:s16+$0xFFFFFFE0];
	_ =	sdelay $0x2  }
0x21: {  	v6 =	vmov s6  }
0x22: {  	vm2 =	veq.s32 v6, v0  }
0x23: {  	v6 =	vor.u32 s6, v0;
	vm2 =	vmand vm2, vm0  }
0x24: {  	v6 =	vshrl.u32 v6, $0x1;
	v7 =	vsel vm2, $0xFFFFFFFF, v1  }
0x25: {  	v6 =	vadd.s32 v7, v6  }
0x26: {  	[tilespmem:v5+s19+$0x0] =	vst.idx.msk $0xffff, v6  }
0x27: {  	v6 =	vld [tilespmem:s5+$0xFFFFFFE0];
	_ =	sdelay $0x4  }
0x28: {  	[tilespmem:v5+s20+$0x0] =	vst.idx.msk $0xffff, v6  }
0x29: {  	v5 =	vld [tilespmem:s16+$0xFFFFFFF0];
	_ =	sdelay $0x4  }
0x2a: {  	s7 =	sadd.s32 $0x10, s6  }
0x2b: {  	v6 =	vor.u32 s7, v0  }
0x2c: {  	v6 =	vshrl.u32 v6, $0x1  }
0x2d: {  	[tilespmem:v5+s19+$0x0] =	vst.idx.msk $0xffff, v6  }
0x2e: {  	v6 =	vld [tilespmem:s5+$0xFFFFFFF0];
	_ =	sdelay $0x4  }
0x2f: {  	[tilespmem:v5+s20+$0x0] =	vst.idx.msk $0xffff, v6  }
0x30: {  	v5 =	vld [tilespmem:s16+$0x0];
	_ =	sdelay $0x4  }
0x31: {  	s7 =	sadd.s32 $0x20, s6  }
0x32: {  	v6 =	vor.u32 s7, v0  }
0x33: {  	v6 =	vshrl.u32 v6, $0x1  }
0x34: {  	[tilespmem:v5+s19+$0x0] =	vst.idx.msk $0xffff, v6  }
0x35: {  	v6 =	vld [tilespmem:s5+$0x0];
	_ =	sdelay $0x4  }
0x36: {  	[tilespmem:v5+s20+$0x0] =	vst.idx.msk $0xffff, v6  }
0x37: {  	v5 =	vld [tilespmem:s16+$0x10];
	_ =	sdelay $0x4  }
0x38: {  	s7 =	sadd.s32 $0x30, s6  }
0x39: {  	v6 =	vor.u32 s7, v0  }
0x3a: {  	v6 =	vshrl.u32 v6, $0x1  }
0x3b: {  	s0 =	sadd.s32 $0x4, s0;
	[tilespmem:v5+s19+$0x0] =	vst.idx.msk $0xffff, v6  }
0x3c: {  	p0 =	slt.u32 s0, $0x1FC;
	v6 =	vld [tilespmem:s5+$0x10]  }
.Ltmp0:
0x3d: {  	_ = 	snop;
	(pc) =	sbr.rel @p0 .LBB2_2-.Ltmp0, $2  }
0x3e: {  	_ =	sdelay $0x2  }
0x3f: {  	s6 =	sadd.s32 $0x40, s6;
	s16 =	sadd.s32 $0x40, s16;
	s5 =	sadd.s32 $0x40, s5;
	[tilespmem:v5+s20+$0x0] =	vst.idx.msk $0xffff, v6  }
0x40: {  	s0 =	simm.s32 $0x0;
	s5 =	rddreg [dreg:$0x5]  }
0x41: {  	[hbm4b:s5+s0] =	stream.linear.scatter [tilespmem:s8], [sflag:$0x3], $0x120, $0x38;
	[tilespmem:$0xC800] =	vst v63  }
0x42: {  	_ =	swait.ge [sflag:s17], $0x120  }
0x43: {  	[sflag:s17] =	ssyncset.done $0x0  }
0x44: {  	[sflag:s17] =	ssyncadd.s32 $0xFFFFFEE0  }
0x45: {  	v5 =	vld [tilespmem:s4+$0x4000];
	_ =	sdelay $0x4  }
0x46: {  	vm2 =	vgt.s32 v5, $0x0  }
0x47: {  	v5 =	vnsel vm2, $0x0, v5  }
0x48: {  	v5 =	vmin.u32 v5, $0xFFF  }
0x49: {  	v6 =	vshll.u32 v5, $0x2  }
0x4a: {  	v5 =	vand.u32 $0x7, v5;
	v6 =	vand.u32 $0x3FE0, v6  }
0x4b: {  	v5 =	vor.u32 v5, v6  }
0x4c: {  	v6 =	vperm.xlane v5, v2;
	_ =	sdelay $0x1  }
0x4d: {  	v6 =	vadd.s32 v3, v6;
	_ =	sdelay $0x1  }
0x4e: {  	v5 =	vperm.xlane v5, v4;
	_ =	sdelay $0x1  }
0x4f: {  	v5 =	vadd.s32 v3, v5  }
0x50: {  	[tilespmem:s21], [sflag:$0x1] =	stream.indirect_vreg.gather [hbm4b:s2+s0], $0x80, v6, vm1, $0xb8;
	[tilespmem:$0xC800] =	vst v63  }
0x51: {  	_ = 	snop  }
0x52: {  	[tilespmem:s22], [sflag:$0x1] =	stream.indirect_vreg.gather [hbm4b:s9+s0], $0x80, v6, vm1, $0xb8;
	[tilespmem:$0xC800] =	vst v63  }
0x53: {  	_ = 	snop  }
0x54: {  	[tilespmem:s23], [sflag:$0x1] =	stream.indirect_vreg.gather [hbm4b:s2+s0], $0x80, v5, vm1, $0xb8;
	[tilespmem:$0xC800] =	vst v63  }
0x55: {  	s16 =	smov.u32 s18  }
0x56: {  	[tilespmem:s24], [sflag:$0x1] =	stream.indirect_vreg.gather [hbm4b:s9+s0], $0x80, v5, vm1, $0xb8;
	[tilespmem:$0xC800] =	vst v63  }
.LBB2_4:
0x57: {  	v5 =	vld [tilespmem:s16+$0xFFFFFFF0];
	_ =	sdelay $0x4  }
0x58: {  	vm2 =	vgt.s32 v5, $0x0  }
0x59: {  	v5 =	vnsel vm2, $0x0, v5  }
0x5a: {  	v5 =	vmin.u32 v5, $0xFFF  }
0x5b: {  	v6 =	vshll.u32 v5, $0x2  }
0x5c: {  	v5 =	vand.u32 $0x7, v5;
	v6 =	vand.u32 $0x3FE0, v6  }
0x5d: {  	v5 =	vor.u32 v5, v6  }
0x5e: {  	v6 =	vperm.xlane v5, v2;
	_ =	sdelay $0x1  }
0x5f: {  	v6 =	vadd.s32 v3, v6;
	_ =	sdelay $0x1  }
0x60: {  	v5 =	vperm.xlane v5, v4;
	_ =	sdelay $0x1  }
0x61: {  	v5 =	vadd.s32 v3, v5  }
0x62: {  	[tilespmem:s25], [sflag:$0x2] =	stream.indirect_vreg.gather [hbm4b:s2+s3], $0x80, v6, vm1, $0xb8;
	[tilespmem:$0xC800] =	vst v63  }
0x63: {  	_ = 	snop  }
0x64: {  	[tilespmem:s26], [sflag:$0x2] =	stream.indirect_vreg.gather [hbm4b:s9+s3], $0x80, v6, vm1, $0xb8;
	[tilespmem:$0xC800] =	vst v63  }
0x65: {  	_ = 	snop  }
0x66: {  	[tilespmem:s28], [sflag:$0x2] =	stream.indirect_vreg.gather [hbm4b:s2+s3], $0x80, v5, vm1, $0xb8;
	[tilespmem:$0xC800] =	vst v63  }
0x67: {  	_ = 	snop  }
0x68: {  	[tilespmem:s29], [sflag:$0x2] =	stream.indirect_vreg.gather [hbm4b:s9+s3], $0x80, v5, vm1, $0xb8;
	[tilespmem:$0xC800] =	vst v63  }
0x69: {  	_ =	swait.ge [sflag:s30], $0x2000  }
0x6a: {  	[sflag:s30] =	ssyncset.done $0x0  }
0x6b: {  	s5 =	sadd.s32 s0, s14;
	[sflag:s30] =	ssyncadd.s32 $0xFFFFE000  }
0x6c: {  	[hbm4b:s5+s3] =	stream.linear.scatter [tilespmem:s21], [sflag:$0x3], $0x2000, $0x38;
	[tilespmem:$0xC800] =	vst v63  }
0x6d: {  	_ =	swait.ge [sflag:s17], $0x2000  }
0x6e: {  	[sflag:s17] =	ssyncset.done $0x0  }
0x6f: {  	[sflag:s17] =	ssyncadd.s32 $0xFFFFE000  }
0x70: {  	v5 =	vld [tilespmem:s16+$0x0];
	_ =	sdelay $0x4  }
0x71: {  	vm2 =	vgt.s32 v5, $0x0  }
0x72: {  	v5 =	vnsel vm2, $0x0, v5  }
0x73: {  	v5 =	vmin.u32 v5, $0xFFF  }
0x74: {  	v6 =	vshll.u32 v5, $0x2  }
0x75: {  	v5 =	vand.u32 $0x7, v5;
	v6 =	vand.u32 $0x3FE0, v6  }
0x76: {  	v5 =	vor.u32 v5, v6  }
0x77: {  	v6 =	vperm.xlane v5, v2;
	_ =	sdelay $0x1  }
0x78: {  	v6 =	vadd.s32 v3, v6;
	_ =	sdelay $0x1  }
0x79: {  	v5 =	vperm.xlane v5, v4;
	_ =	sdelay $0x1  }
0x7a: {  	v5 =	vadd.s32 v3, v5  }
0x7b: {  	[tilespmem:s21], [sflag:$0x1] =	stream.indirect_vreg.gather [hbm4b:s2+s3], $0x80, v6, vm1, $0xb8;
	[tilespmem:$0xC800] =	vst v63  }
0x7c: {  	_ = 	snop  }
0x7d: {  	[tilespmem:s22], [sflag:$0x1] =	stream.indirect_vreg.gather [hbm4b:s9+s3], $0x80, v6, vm1, $0xb8;
	[tilespmem:$0xC800] =	vst v63  }
0x7e: {  	_ = 	snop  }
0x7f: {  	[tilespmem:s23], [sflag:$0x1] =	stream.indirect_vreg.gather [hbm4b:s2+s3], $0x80, v5, vm1, $0xb8;
	[tilespmem:$0xC800] =	vst v63  }
0x80: {  	_ = 	snop  }
0x81: {  	[tilespmem:s24], [sflag:$0x1] =	stream.indirect_vreg.gather [hbm4b:s9+s3], $0x80, v5, vm1, $0xb8;
	[tilespmem:$0xC800] =	vst v63  }
0x82: {  	_ =	swait.ge [sflag:s31], $0x2000  }
0x83: {  	p0 =	sne.s32 s0, $0x3800;
	[sflag:s31] =	ssyncset.done $0x0  }
.Ltmp1:
0x84: {  	s7 =	sadd.s32 s0, s15;
	[sflag:s31] =	ssyncadd.s32 $0xFFFFE000;
	(pc) =	sbr.rel @p0 .LBB2_4-.Ltmp1, $4  }
0x85: {  	[hbm4b:s7+s3] =	stream.linear.scatter [tilespmem:s25], [sflag:$0x3], $0x2000, $0x38;
	[tilespmem:$0xC800] =	vst v63  }
0x86: {  	_ =	swait.ge [sflag:s17], $0x2000  }
0x87: {  	[sflag:s17] =	ssyncset.done $0x0  }
0x88: {  	s0 =	sadd.s32 $0x800, s0;
	s16 =	sadd.s32 $0x20, s16;
	[sflag:s17] =	ssyncadd.s32 $0xFFFFE000  }
0x89: {  	v5 =	vld [tilespmem:s11+$0x4000];
	_ =	sdelay $0x4  }
0x8a: {  	vm2 =	vgt.s32 v5, $0x0  }
0x8b: {  	v5 =	vnsel vm2, $0x0, v5  }
0x8c: {  	v5 =	vmin.u32 v5, $0xFFF  }
0x8d: {  	v6 =	vshll.u32 v5, $0x2  }
0x8e: {  	v5 =	vand.u32 $0x7, v5;
	v6 =	vand.u32 $0x3FE0, v6  }
0x8f: {  	v5 =	vor.u32 v5, v6  }
0x90: {  	v6 =	vperm.xlane v5, v2;
	_ =	sdelay $0x1  }
0x91: {  	v6 =	vadd.s32 v3, v6;
	_ =	sdelay $0x1  }
0x92: {  	v5 =	vperm.xlane v5, v4;
	_ =	sdelay $0x1  }
0x93: {  	v5 =	vadd.s32 v3, v5  }
0x94: {  	[tilespmem:s25], [sflag:$0x2] =	stream.indirect_vreg.gather [hbm4b:s2+s3], $0x80, v6, vm1, $0xb8;
	[tilespmem:$0xC800] =	vst v63  }
0x95: {  	_ = 	snop  }
0x96: {  	[tilespmem:s26], [sflag:$0x2] =	stream.indirect_vreg.gather [hbm4b:s9+s3], $0x80, v6, vm1, $0xb8;
	[tilespmem:$0xC800] =	vst v63  }
0x97: {  	_ = 	snop  }
0x98: {  	[tilespmem:s28], [sflag:$0x2] =	stream.indirect_vreg.gather [hbm4b:s2+s3], $0x80, v5, vm1, $0xb8;
	[tilespmem:$0xC800] =	vst v63  }
0x99: {  	_ = 	snop  }
0x9a: {  	[tilespmem:s29], [sflag:$0x2] =	stream.indirect_vreg.gather [hbm4b:s9+s3], $0x80, v5, vm1, $0xb8;
	[tilespmem:$0xC800] =	vst v63  }
0x9b: {  	_ =	swait.ge [sflag:s30], $0x2000  }
0x9c: {  	[sflag:s30] =	ssyncset.done $0x0  }
0x9d: {  	[sflag:s30] =	ssyncadd.s32 $0xFFFFE000  }
0x9e: {  	[hbm4b:s12+s3] =	stream.linear.scatter [tilespmem:s21], [sflag:$0x3], $0x2000, $0x38;
	[tilespmem:$0xC800] =	vst v63  }
0x9f: {  	_ =	swait.ge [sflag:s17], $0x2000  }
0xa0: {  	[sflag:s17] =	ssyncset.done $0x0  }
0xa1: {  	[sflag:s17] =	ssyncadd.s32 $0xFFFFE000  }
0xa2: {  	s1 =	sadd.s32 $0x1, s1;
	_ =	swait.ge [sflag:s31], $0x2000  }
0xa3: {  	p0 =	sne.s32 s1, s10;
	[sflag:s31] =	ssyncset.done $0x0  }
.Ltmp2:
0xa4: {  	[sflag:s31] =	ssyncadd.s32 $0xFFFFE000;
	(pc) =	sbr.rel @p0 .LBB2_1-.Ltmp2, $4  }
0xa5: {  	[hbm4b:s13+s3] =	stream.linear.scatter [tilespmem:s25], [sflag:$0x3], $0x2000, $0x38;
	[tilespmem:$0xC800] =	vst v63  }
0xa6: {  	_ =	swait.ge [sflag:s17], $0x2000  }
0xa7: {  	[sflag:s17] =	ssyncset.done $0x0  }
0xa8: {  	[sflag:s17] =	ssyncadd.s32 $0xFFFFE000  }
0xa9: {  	_ =	sfence.sel $0x180000  }
0xaa: {  	[bflag:$0x0] =	sbarrier.arrive $0xFFFF  }
0xab: {  	_ =	strace $0x90000047  }
0xac: {  	s0 =	stileid.u32;
	[bflag:$0x2] =	sbarrier.arrive $0xFFFF  }
0xad: {  	p0 =	sne.s32 s0, $0x0;
	s0 =	rddreg [dreg:$0x2]  }
0xae: {  	s0 =	sadd.s32 @!p0 $0x100000, s0  }
0xaf: {  	[sflag:s0] =	ssyncadd.tile.s32 @!p0 $0x1;
	_ =	shalt  }
.Lfunc_end2:
_tile_overlayer_lowered:
.L_overlay_start_2:
0xb0: {  	(tag) =	ssettag $0x2  }
0xb1: {  	s0 =	rddreg [dreg:$0x0];
	s2 =	stileid.u32  }
0xb2: {  	s1 =	rddreg [dreg:$0x1];
	p0 =	sne.s32 s2, $0x0  }
0xb3: {  	s3 =	rddreg [dreg:$0x2];
	[bflag:$0x3] =	sbarrier.arrive $0xFFFF;
	s2 =	simm.s32 @!p0 $0x1C03  }
0xb4: {  	[timem:s3], [sflag:s2] =	dma.local @!p0 [hbm:s0], s1  }
0xb5: {  	s0 =	simm.s32 @!p0 $0x3  }
0xb6: {  	_ =	swait.ge @!p0 [sflag:s0], s1  }
0xb7: {  	s1 =	ssub.s32 @!p0 $0x0, s1;
	[sflag:s0] =	ssyncset.done @!p0 $0x0  }
0xb8: {  	[sflag:s0] =	ssyncadd.s32 @!p0 s1  }
0xb9: {  	[bflag:$0x3] =	sbarrier.arrive $0xFFFF  }
0xba: {  	_ =	shalt  }

</sc_bundles>
